<compile_context>
chip_gen: v7x
topology: tpu7x:2x2x1
jax: 0.10.2.dev20260603
libtpu: 0.0.44.dev20260713+nightly
codegen_flags: <defaults>
</compile_context>

<pallas_src>
import functools

import jax
import jax.numpy as jnp
from jax import lax
from jax.experimental import pallas as pl
from jax.experimental.pallas import tpu as pltpu
from jax.experimental.pallas import tpu_sc as plsc

NC, NS = 2, 16
NW = NC * NS
RB = 4
IPS = 40
NBUF = 2


@functools.partial(jax.jit, static_argnums=(2, 3, 4))
def _sc_gather(x, table, N1, N2, D):
    rows_per_w = N1 // NW
    n_chunks = rows_per_w // RB
    assert n_chunks % NBUF == 0 and N2 % IPS == 0
    mesh = plsc.VectorSubcoreMesh(core_axis_name="c", subcore_axis_name="s")

    @functools.partial(
        pl.kernel,
        mesh=mesh,
        out_type=jax.ShapeDtypeStruct((N1, N2, D), jnp.float32),
        scratch_types=[
            pltpu.VMEM((NBUF, RB, N2), jnp.int32),
            pltpu.VMEM((NBUF, RB, N2, D), jnp.float32),
            [pltpu.SemaphoreType.DMA] * NBUF,
            [pltpu.SemaphoreType.DMA] * NBUF,
            [pltpu.SemaphoreType.DMA] * NBUF,
        ],
        compiler_params=pltpu.CompilerParams(use_tc_tiling_on_sc=False),
    )
    def k(x_hbm, table_hbm, out_hbm, idx_v, rows_v, i_sems, g_sems, s_sems):
        wid = lax.axis_index("s") * NC + lax.axis_index("c")
        base_row = wid * rows_per_w

        def idx_copy(i, b):
            return pltpu.make_async_copy(
                x_hbm.at[pl.ds(base_row + i * RB, RB)], idx_v.at[b], i_sems[b])

        def store_copy(i, b):
            return pltpu.make_async_copy(
                rows_v.at[b], out_hbm.at[pl.ds(base_row + i * RB, RB)],
                s_sems[b])

        def gather_descs(b):
            return [
                pltpu.make_async_copy(
                    table_hbm.at[idx_v.at[b, r, pl.ds(h * IPS, IPS)]],
                    rows_v.at[b, r, pl.ds(h * IPS, IPS)],
                    g_sems[b],
                )
                for r in range(RB)
                for h in range(N2 // IPS)
            ]

        idx_copy(0, 0).start()

        @pl.loop(0, n_chunks, step=NBUF)
        def _(i0):
            for b in range(NBUF):
                i = i0 + b
                o = 1 - b
                idx_copy(0, b).wait()
                @pl.when(i >= NBUF)
                def _():
                    store_copy(0, b).wait()
                for d in gather_descs(b):
                    d.start()
                @pl.when(i >= 1)
                def _():
                    for d in gather_descs(o):
                        d.wait()
                    store_copy(i - 1, o).start()
                @pl.when(i + 1 < n_chunks)
                def _():
                    idx_copy(i + 1, o).start()

        last = (n_chunks - 1) % NBUF
        for d in gather_descs(last):
            d.wait()
        store_copy(n_chunks - 1, last).start()
        for b in range(NBUF):
            store_copy(0, b).wait()

    return k(x, table)


def kernel(x, weight):
    N1, N2 = x.shape
    D = weight.shape[1]
    return _sc_gather(x.astype(jnp.int32), weight, N1, N2, D)

# --- scband reference (transcript-rebuilt; emitter-appended) ---
"""Pipeline reference for scband-embedding-module-37074157699211 (READ-ONLY COPY).

The authoritative reference and input builder live on the scoring server;
editing this copy changes nothing except your own understanding.
"""

import jax, jax.numpy as jnp
import numpy as np

NUM_EMBEDDINGS = 1000000
EMBEDDING_DIM = 32

def setup_inputs(seed: int = 0) -> dict:
    key = jax.random.key(seed)
    k_idx, k_w = jax.random.split(key)
    x = jax.random.randint(k_idx, (16384, 200), 0, NUM_EMBEDDINGS, dtype=jnp.int64 if jax.config.jax_enable_x64 else jnp.int32)
    # trunc_normal_(mean=0, std=1, a=-3, b=3)
    weight = jax.random.truncated_normal(k_w, -3.0, 3.0, (NUM_EMBEDDINGS, EMBEDDING_DIM), dtype=jnp.float32)
    return {"x": x, "weight": weight}

def reference(x, weight):
    # Equivalent of self.weight[x]
    return jnp.take(weight, x, axis=0)

if __name__ == "__main__":
    import jax
    _d = setup_inputs()
    print(jax.jit(kernel)(*tuple(_d.values())))

</pallas_src>

<mosaic_0001>
#map = affine_map<(d0, d1) -> (0, 0)>
#map1 = affine_map<(d0, d1) -> (0, 0, 0)>
module attributes {stable_mosaic.version = 14 : i64} {
  func.func @k(%arg0: i32, %arg1: i32, %arg2: memref<16384x200xi32, #tpu.memory_space<hbm>>, %arg3: memref<1000000x32xf32, #tpu.memory_space<hbm>>, %arg4: memref<16384x200x32xf32, #tpu.memory_space<hbm>>, %arg5: memref<2x4x200xi32, #tpu.memory_space<vmem>>, %arg6: memref<2x4x200x32xf32, #tpu.memory_space<vmem>>, %arg7: memref<!tpu.dma_semaphore, #tpu.memory_space<semaphore_mem>>, %arg8: memref<!tpu.dma_semaphore, #tpu.memory_space<semaphore_mem>>, %arg9: memref<!tpu.dma_semaphore, #tpu.memory_space<semaphore_mem>>, %arg10: memref<!tpu.dma_semaphore, #tpu.memory_space<semaphore_mem>>, %arg11: memref<!tpu.dma_semaphore, #tpu.memory_space<semaphore_mem>>, %arg12: memref<!tpu.dma_semaphore, #tpu.memory_space<semaphore_mem>>) attributes {dimension_semantics = [#tpu.dimension_semantics<core_parallel>, #tpu.dimension_semantics<subcore_parallel>], iteration_bounds = array<i64: 2, 16>, scalar_prefetch = 0 : i64, scratch_operands = 8 : i64, tpu.core_type = #tpu.core_type<sc_vector_subcore>, window_params = [{transform_indices = #map}, {transform_indices = #map}, {transform_indices = #map1}]} {
    %mul3A = arith.constant 2 : i32
    %mul3A_0 = arith.muli %arg1, %mul3A : i32
    %add3A = arith.addi %mul3A_0, %arg0 : i32
    %mul3A_1 = arith.constant 512 : i32
    %mul3A_2 = arith.muli %add3A, %mul3A_1 : i32
    %add3A_3 = arith.constant 0 : i32
    %add3A_4 = arith.addi %mul3A_2, %add3A_3 : i32
    %dma_start3A = arith.constant 0 : i32
    %dma_start3A_5 = arith.constant 0 : i32
    %dma_start3A_6 = arith.constant 0 : i32
    %dma_start3A_7 = tpu.memref_slice %arg5[%dma_start3A, %dma_start3A_5, %dma_start3A_6] : memref<2x4x200xi32, #tpu.memory_space<vmem>> -> memref<1x4x200xi32, #tpu.memory_space<vmem>>
    %dma_start3A_8 = tpu.memref_squeeze %dma_start3A_7 : memref<1x4x200xi32, #tpu.memory_space<vmem>> -> memref<4x200xi32, #tpu.memory_space<vmem>>
    %dma_start3A_9 = arith.constant 0 : i32
    %dma_start3A_10 = tpu.memref_slice %arg2[%add3A_4, %dma_start3A_9] : memref<16384x200xi32, #tpu.memory_space<hbm>> -> memref<4x200xi32, #tpu.memory_space<hbm>>
    %dma_start3A_11 = arith.constant 0 : i32
    %dma_start3A_12 = arith.constant 0 : i32
    %dma_start3A_13 = tpu.memref_slice %arg5[%dma_start3A, %dma_start3A_11, %dma_start3A_12] : memref<2x4x200xi32, #tpu.memory_space<vmem>> -> memref<1x4x200xi32, #tpu.memory_space<vmem>>
    %dma_start3A_14 = tpu.memref_squeeze %dma_start3A_13 : memref<1x4x200xi32, #tpu.memory_space<vmem>> -> memref<4x200xi32, #tpu.memory_space<vmem>>
    %dma_start3A_15 = arith.constant 0 : i32
    %dma_start3A_16 = tpu.memref_slice %arg2[%add3A_4, %dma_start3A_15] : memref<16384x200xi32, #tpu.memory_space<hbm>> -> memref<4x200xi32, #tpu.memory_space<hbm>>
    tpu.enqueue_dma source(%dma_start3A_16 : memref<4x200xi32, #tpu.memory_space<hbm>>) target(%dma_start3A_14 : memref<4x200xi32, #tpu.memory_space<vmem>>) target_semaphore(%arg7 : memref<!tpu.dma_semaphore, #tpu.memory_space<semaphore_mem>>)
    %scan3A = arith.constant 0 : i32
    %scan3A_17 = arith.constant 64 : i32
    %scan3A_18 = arith.addi %scan3A, %scan3A_17 : i32
    %scan3A_19 = arith.constant 1 : i32
    scf.for %scan3A_357 = %scan3A to %scan3A_18 step %scan3A_19  : i32 {
      %mul3A_358 = arith.constant 2 : i32
      %mul3A_359 = arith.muli %scan3A_357, %mul3A_358 : i32
      %add3A_360 = arith.constant 0 : i32
      %add3A_361 = arith.addi %add3A_360, %mul3A_359 : i32
      %add3A_362 = arith.constant 0 : i32
      %add3A_363 = arith.addi %add3A_361, %add3A_362 : i32
      %add3A_364 = arith.constant 0 : i32
      %add3A_365 = arith.addi %mul3A_2, %add3A_364 : i32
      %dma_wait3A_366 = arith.constant 0 : i32
      %dma_wait3A_367 = arith.constant 0 : i32
      %dma_wait3A_368 = arith.constant 0 : i32
      %dma_wait3A_369 = tpu.memref_slice %arg5[%dma_wait3A_366, %dma_wait3A_367, %dma_wait3A_368] : memref<2x4x200xi32, #tpu.memory_space<vmem>> -> memref<1x4x200xi32, #tpu.memory_space<vmem>>
      %dma_wait3A_370 = tpu.memref_squeeze %dma_wait3A_369 : memref<1x4x200xi32, #tpu.memory_space<vmem>> -> memref<4x200xi32, #tpu.memory_space<vmem>>
      %dma_wait3A_371 = arith.constant 0 : i32
      %dma_wait3A_372 = tpu.memref_slice %arg2[%add3A_365, %dma_wait3A_371] : memref<16384x200xi32, #tpu.memory_space<hbm>> -> memref<4x200xi32, #tpu.memory_space<hbm>>
      %dma_wait3A_373 = arith.constant 0 : i32
      %dma_wait3A_374 = arith.constant 0 : i32
      %dma_wait3A_375 = tpu.memref_slice %arg5[%dma_wait3A_366, %dma_wait3A_373, %dma_wait3A_374] : memref<2x4x200xi32, #tpu.memory_space<vmem>> -> memref<1x4x200xi32, #tpu.memory_space<vmem>>
      %dma_wait3A_376 = tpu.memref_squeeze %dma_wait3A_375 : memref<1x4x200xi32, #tpu.memory_space<vmem>> -> memref<4x200xi32, #tpu.memory_space<vmem>>
      %dma_wait3A_377 = arith.constant 0 : i32
      %dma_wait3A_378 = tpu.memref_slice %arg2[%add3A_365, %dma_wait3A_377] : memref<16384x200xi32, #tpu.memory_space<hbm>> -> memref<4x200xi32, #tpu.memory_space<hbm>>
      tpu.wait_dma2 semaphore(%arg7 : memref<!tpu.dma_semaphore, #tpu.memory_space<semaphore_mem>>) src(%dma_wait3A_378 : memref<4x200xi32, #tpu.memory_space<hbm>>) dst(%dma_wait3A_376 : memref<4x200xi32, #tpu.memory_space<vmem>>)
      %ge3A = arith.constant 2 : i32
      %ge3A_379 = arith.cmpi sge, %add3A_363, %ge3A : i32
      %convert_element_type3A = arith.extui %ge3A_379 : i1 to i32
      %cond3A = arith.constant 0 : i32
      %cond3A_380 = arith.cmpi ne, %convert_element_type3A, %cond3A : i32
      scf.if %cond3A_380 {
        %add3A_986 = arith.constant 0 : i32
        %add3A_987 = arith.addi %mul3A_2, %add3A_986 : i32
        %dma_wait3A_988 = arith.constant 0 : i32
        %dma_wait3A_989 = arith.constant 0 : i32
        %dma_wait3A_990 = arith.constant 0 : i32
        %dma_wait3A_991 = arith.constant 0 : i32
        %dma_wait3A_992 = tpu.memref_slice %arg6[%dma_wait3A_988, %dma_wait3A_989, %dma_wait3A_990, %dma_wait3A_991] : memref<2x4x200x32xf32, #tpu.memory_space<vmem>> -> memref<1x4x200x32xf32, #tpu.memory_space<vmem>>
        %dma_wait3A_993 = tpu.memref_squeeze %dma_wait3A_992 : memref<1x4x200x32xf32, #tpu.memory_space<vmem>> -> memref<4x200x32xf32, #tpu.memory_space<vmem>>
        %dma_wait3A_994 = arith.constant 0 : i32
        %dma_wait3A_995 = arith.constant 0 : i32
        %dma_wait3A_996 = tpu.memref_slice %arg4[%add3A_987, %dma_wait3A_994, %dma_wait3A_995] : memref<16384x200x32xf32, #tpu.memory_space<hbm>> -> memref<4x200x32xf32, #tpu.memory_space<hbm>>
        %dma_wait3A_997 = arith.constant 0 : i32
        %dma_wait3A_998 = arith.constant 0 : i32
        %dma_wait3A_999 = tpu.memref_slice %arg4[%add3A_987, %dma_wait3A_997, %dma_wait3A_998] : memref<16384x200x32xf32, #tpu.memory_space<hbm>> -> memref<4x200x32xf32, #tpu.memory_space<hbm>>
        %dma_wait3A_1000 = arith.constant 0 : i32
        %dma_wait3A_1001 = arith.constant 0 : i32
        %dma_wait3A_1002 = arith.constant 0 : i32
        %dma_wait3A_1003 = tpu.memref_slice %arg6[%dma_wait3A_988, %dma_wait3A_1000, %dma_wait3A_1001, %dma_wait3A_1002] : memref<2x4x200x32xf32, #tpu.memory_space<vmem>> -> memref<1x4x200x32xf32, #tpu.memory_space<vmem>>
        %dma_wait3A_1004 = tpu.memref_squeeze %dma_wait3A_1003 : memref<1x4x200x32xf32, #tpu.memory_space<vmem>> -> memref<4x200x32xf32, #tpu.memory_space<vmem>>
        tpu.wait_dma2 semaphore(%arg11 : memref<!tpu.dma_semaphore, #tpu.memory_space<semaphore_mem>>) src(%dma_wait3A_1004 : memref<4x200x32xf32, #tpu.memory_space<vmem>>) dst(%dma_wait3A_999 : memref<4x200x32xf32, #tpu.memory_space<hbm>>)
      } else {
      }
      %dma_start3A_381 = arith.constant 0 : i32
      %dma_start3A_382 = arith.constant 0 : i32
      %dma_start3A_383 = arith.constant 0 : i32
      %dma_start3A_384 = arith.constant 0 : i32
      %dma_start3A_385 = arith.constant 0 : i32
      %dma_start3A_386 = arith.constant 0 : i32
      %dma_start3A_387 = tpu.memref_slice %arg6[%dma_start3A_383, %dma_start3A_384, %dma_start3A_385, %dma_start3A_386] : memref<2x4x200x32xf32, #tpu.memory_space<vmem>> -> memref<1x1x40x32xf32, #tpu.memory_space<vmem>>
      %dma_start3A_388 = tpu.memref_squeeze %dma_start3A_387 : memref<1x1x40x32xf32, #tpu.memory_space<vmem>> -> memref<40x32xf32, #tpu.memory_space<vmem>>
      %dma_start3A_389 = arith.constant 0 : i32
      %dma_start3A_390 = tpu.memref_slice %arg5[%dma_start3A_381, %dma_start3A_382, %dma_start3A_389] : memref<2x4x200xi32, #tpu.memory_space<vmem>> -> memref<1x1x40xi32, #tpu.memory_space<vmem>>
      %dma_start3A_391 = tpu.memref_squeeze %dma_start3A_390 : memref<1x1x40xi32, #tpu.memory_space<vmem>> -> memref<40xi32, #tpu.memory_space<vmem>>
      %dma_start3A_392 = arith.constant 0 : i32
      %dma_start3A_393 = arith.constant 0 : i32
      %dma_start3A_394 = tpu.memref_slice %arg3[%dma_start3A_392, %dma_start3A_393] : memref<1000000x32xf32, #tpu.memory_space<hbm>> -> memref<1000000x32xf32, #tpu.memory_space<hbm>>
      tpu.enqueue_indirect_dma source(%dma_start3A_394 : memref<1000000x32xf32, #tpu.memory_space<hbm>>) target(%dma_start3A_388 : memref<40x32xf32, #tpu.memory_space<vmem>>) offsets(%dma_start3A_391 : memref<40xi32, #tpu.memory_space<vmem>>) semaphore(%arg9 : memref<!tpu.dma_semaphore, #tpu.memory_space<semaphore_mem>>)
      %dma_start3A_395 = arith.constant 0 : i32
      %dma_start3A_396 = arith.constant 0 : i32
      %dma_start3A_397 = arith.constant 0 : i32
      %dma_start3A_398 = arith.constant 0 : i32
      %dma_start3A_399 = arith.constant 40 : i32
      %dma_start3A_400 = arith.constant 0 : i32
      %dma_start3A_401 = tpu.memref_slice %arg6[%dma_start3A_397, %dma_start3A_398, %dma_start3A_399, %dma_start3A_400] : memref<2x4x200x32xf32, #tpu.memory_space<vmem>> -> memref<1x1x40x32xf32, #tpu.memory_space<vmem>>
      %dma_start3A_402 = tpu.memref_squeeze %dma_start3A_401 : memref<1x1x40x32xf32, #tpu.memory_space<vmem>> -> memref<40x32xf32, #tpu.memory_space<vmem>>
      %dma_start3A_403 = arith.constant 40 : i32
      %dma_start3A_404 = tpu.memref_slice %arg5[%dma_start3A_395, %dma_start3A_396, %dma_start3A_403] : memref<2x4x200xi32, #tpu.memory_space<vmem>> -> memref<1x1x40xi32, #tpu.memory_space<vmem>>
      %dma_start3A_405 = tpu.memref_squeeze %dma_start3A_404 : memref<1x1x40xi32, #tpu.memory_space<vmem>> -> memref<40xi32, #tpu.memory_space<vmem>>
      %dma_start3A_406 = arith.constant 0 : i32
      %dma_start3A_407 = arith.constant 0 : i32
      %dma_start3A_408 = tpu.memref_slice %arg3[%dma_start3A_406, %dma_start3A_407] : memref<1000000x32xf32, #tpu.memory_space<hbm>> -> memref<1000000x32xf32, #tpu.memory_space<hbm>>
      tpu.enqueue_indirect_dma source(%dma_start3A_408 : memref<1000000x32xf32, #tpu.memory_space<hbm>>) target(%dma_start3A_402 : memref<40x32xf32, #tpu.memory_space<vmem>>) offsets(%dma_start3A_405 : memref<40xi32, #tpu.memory_space<vmem>>) semaphore(%arg9 : memref<!tpu.dma_semaphore, #tpu.memory_space<semaphore_mem>>)
      %dma_start3A_409 = arith.constant 0 : i32
      %dma_start3A_410 = arith.constant 0 : i32
      %dma_start3A_411 = arith.constant 0 : i32
      %dma_start3A_412 = arith.constant 0 : i32
      %dma_start3A_413 = arith.constant 80 : i32
      %dma_start3A_414 = arith.constant 0 : i32
      %dma_start3A_415 = tpu.memref_slice %arg6[%dma_start3A_411, %dma_start3A_412, %dma_start3A_413, %dma_start3A_414] : memref<2x4x200x32xf32, #tpu.memory_space<vmem>> -> memref<1x1x40x32xf32, #tpu.memory_space<vmem>>
      %dma_start3A_416 = tpu.memref_squeeze %dma_start3A_415 : memref<1x1x40x32xf32, #tpu.memory_space<vmem>> -> memref<40x32xf32, #tpu.memory_space<vmem>>
      %dma_start3A_417 = arith.constant 80 : i32
      %dma_start3A_418 = tpu.memref_slice %arg5[%dma_start3A_409, %dma_start3A_410, %dma_start3A_417] : memref<2x4x200xi32, #tpu.memory_space<vmem>> -> memref<1x1x40xi32, #tpu.memory_space<vmem>>
      %dma_start3A_419 = tpu.memref_squeeze %dma_start3A_418 : memref<1x1x40xi32, #tpu.memory_space<vmem>> -> memref<40xi32, #tpu.memory_space<vmem>>
      %dma_start3A_420 = arith.constant 0 : i32
      %dma_start3A_421 = arith.constant 0 : i32
      %dma_start3A_422 = tpu.memref_slice %arg3[%dma_start3A_420, %dma_start3A_421] : memref<1000000x32xf32, #tpu.memory_space<hbm>> -> memref<1000000x32xf32, #tpu.memory_space<hbm>>
      tpu.enqueue_indirect_dma source(%dma_start3A_422 : memref<1000000x32xf32, #tpu.memory_space<hbm>>) target(%dma_start3A_416 : memref<40x32xf32, #tpu.memory_space<vmem>>) offsets(%dma_start3A_419 : memref<40xi32, #tpu.memory_space<vmem>>) semaphore(%arg9 : memref<!tpu.dma_semaphore, #tpu.memory_space<semaphore_mem>>)
      %dma_start3A_423 = arith.constant 0 : i32
      %dma_start3A_424 = arith.constant 0 : i32
      %dma_start3A_425 = arith.constant 0 : i32
      %dma_start3A_426 = arith.constant 0 : i32
      %dma_start3A_427 = arith.constant 120 : i32
      %dma_start3A_428 = arith.constant 0 : i32
      %dma_start3A_429 = tpu.memref_slice %arg6[%dma_start3A_425, %dma_start3A_426, %dma_start3A_427, %dma_start3A_428] : memref<2x4x200x32xf32, #tpu.memory_space<vmem>> -> memref<1x1x40x32xf32, #tpu.memory_space<vmem>>
      %dma_start3A_430 = tpu.memref_squeeze %dma_start3A_429 : memref<1x1x40x32xf32, #tpu.memory_space<vmem>> -> memref<40x32xf32, #tpu.memory_space<vmem>>
      %dma_start3A_431 = arith.constant 120 : i32
      %dma_start3A_432 = tpu.memref_slice %arg5[%dma_start3A_423, %dma_start3A_424, %dma_start3A_431] : memref<2x4x200xi32, #tpu.memory_space<vmem>> -> memref<1x1x40xi32, #tpu.memory_space<vmem>>
      %dma_start3A_433 = tpu.memref_squeeze %dma_start3A_432 : memref<1x1x40xi32, #tpu.memory_space<vmem>> -> memref<40xi32, #tpu.memory_space<vmem>>
      %dma_start3A_434 = arith.constant 0 : i32
      %dma_start3A_435 = arith.constant 0 : i32
      %dma_start3A_436 = tpu.memref_slice %arg3[%dma_start3A_434, %dma_start3A_435] : memref<1000000x32xf32, #tpu.memory_space<hbm>> -> memref<1000000x32xf32, #tpu.memory_space<hbm>>
      tpu.enqueue_indirect_dma source(%dma_start3A_436 : memref<1000000x32xf32, #tpu.memory_space<hbm>>) target(%dma_start3A_430 : memref<40x32xf32, #tpu.memory_space<vmem>>) offsets(%dma_start3A_433 : memref<40xi32, #tpu.memory_space<vmem>>) semaphore(%arg9 : memref<!tpu.dma_semaphore, #tpu.memory_space<semaphore_mem>>)
      %dma_start3A_437 = arith.constant 0 : i32
      %dma_start3A_438 = arith.constant 0 : i32
      %dma_start3A_439 = arith.constant 0 : i32
      %dma_start3A_440 = arith.constant 0 : i32
      %dma_start3A_441 = arith.constant 160 : i32
      %dma_start3A_442 = arith.constant 0 : i32
      %dma_start3A_443 = tpu.memref_slice %arg6[%dma_start3A_439, %dma_start3A_440, %dma_start3A_441, %dma_start3A_442] : memref<2x4x200x32xf32, #tpu.memory_space<vmem>> -> memref<1x1x40x32xf32, #tpu.memory_space<vmem>>
      %dma_start3A_444 = tpu.memref_squeeze %dma_start3A_443 : memref<1x1x40x32xf32, #tpu.memory_space<vmem>> -> memref<40x32xf32, #tpu.memory_space<vmem>>
      %dma_start3A_445 = arith.constant 160 : i32
      %dma_start3A_446 = tpu.memref_slice %arg5[%dma_start3A_437, %dma_start3A_438, %dma_start3A_445] : memref<2x4x200xi32, #tpu.memory_space<vmem>> -> memref<1x1x40xi32, #tpu.memory_space<vmem>>
      %dma_start3A_447 = tpu.memref_squeeze %dma_start3A_446 : memref<1x1x40xi32, #tpu.memory_space<vmem>> -> memref<40xi32, #tpu.memory_space<vmem>>
      %dma_start3A_448 = arith.constant 0 : i32
      %dma_start3A_449 = arith.constant 0 : i32
      %dma_start3A_450 = tpu.memref_slice %arg3[%dma_start3A_448, %dma_start3A_449] : memref<1000000x32xf32, #tpu.memory_space<hbm>> -> memref<1000000x32xf32, #tpu.memory_space<hbm>>
      tpu.enqueue_indirect_dma source(%dma_start3A_450 : memref<1000000x32xf32, #tpu.memory_space<hbm>>) target(%dma_start3A_444 : memref<40x32xf32, #tpu.memory_space<vmem>>) offsets(%dma_start3A_447 : memref<40xi32, #tpu.memory_space<vmem>>) semaphore(%arg9 : memref<!tpu.dma_semaphore, #tpu.memory_space<semaphore_mem>>)
      %dma_start3A_451 = arith.constant 0 : i32
      %dma_start3A_452 = arith.constant 1 : i32
      %dma_start3A_453 = arith.constant 0 : i32
      %dma_start3A_454 = arith.constant 1 : i32
      %dma_start3A_455 = arith.constant 0 : i32
      %dma_start3A_456 = arith.constant 0 : i32
      %dma_start3A_457 = tpu.memref_slice %arg6[%dma_start3A_453, %dma_start3A_454, %dma_start3A_455, %dma_start3A_456] : memref<2x4x200x32xf32, #tpu.memory_space<vmem>> -> memref<1x1x40x32xf32, #tpu.memory_space<vmem>>
      %dma_start3A_458 = tpu.memref_squeeze %dma_start3A_457 : memref<1x1x40x32xf32, #tpu.memory_space<vmem>> -> memref<40x32xf32, #tpu.memory_space<vmem>>
      %dma_start3A_459 = arith.constant 0 : i32
      %dma_start3A_460 = tpu.memref_slice %arg5[%dma_start3A_451, %dma_start3A_452, %dma_start3A_459] : memref<2x4x200xi32, #tpu.memory_space<vmem>> -> memref<1x1x40xi32, #tpu.memory_space<vmem>>
      %dma_start3A_461 = tpu.memref_squeeze %dma_start3A_460 : memref<1x1x40xi32, #tpu.memory_space<vmem>> -> memref<40xi32, #tpu.memory_space<vmem>>
      %dma_start3A_462 = arith.constant 0 : i32
      %dma_start3A_463 = arith.constant 0 : i32
      %dma_start3A_464 = tpu.memref_slice %arg3[%dma_start3A_462, %dma_start3A_463] : memref<1000000x32xf32, #tpu.memory_space<hbm>> -> memref<1000000x32xf32, #tpu.memory_space<hbm>>
      tpu.enqueue_indirect_dma source(%dma_start3A_464 : memref<1000000x32xf32, #tpu.memory_space<hbm>>) target(%dma_start3A_458 : memref<40x32xf32, #tpu.memory_space<vmem>>) offsets(%dma_start3A_461 : memref<40xi32, #tpu.memory_space<vmem>>) semaphore(%arg9 : memref<!tpu.dma_semaphore, #tpu.memory_space<semaphore_mem>>)
      %dma_start3A_465 = arith.constant 0 : i32
      %dma_start3A_466 = arith.constant 1 : i32
      %dma_start3A_467 = arith.constant 0 : i32
      %dma_start3A_468 = arith.constant 1 : i32
      %dma_start3A_469 = arith.constant 40 : i32
      %dma_start3A_470 = arith.constant 0 : i32
      %dma_start3A_471 = tpu.memref_slice %arg6[%dma_start3A_467, %dma_start3A_468, %dma_start3A_469, %dma_start3A_470] : memref<2x4x200x32xf32, #tpu.memory_space<vmem>> -> memref<1x1x40x32xf32, #tpu.memory_space<vmem>>
      %dma_start3A_472 = tpu.memref_squeeze %dma_start3A_471 : memref<1x1x40x32xf32, #tpu.memory_space<vmem>> -> memref<40x32xf32, #tpu.memory_space<vmem>>
      %dma_start3A_473 = arith.constant 40 : i32
      %dma_start3A_474 = tpu.memref_slice %arg5[%dma_start3A_465, %dma_start3A_466, %dma_start3A_473] : memref<2x4x200xi32, #tpu.memory_space<vmem>> -> memref<1x1x40xi32, #tpu.memory_space<vmem>>
      %dma_start3A_475 = tpu.memref_squeeze %dma_start3A_474 : memref<1x1x40xi32, #tpu.memory_space<vmem>> -> memref<40xi32, #tpu.memory_space<vmem>>
      %dma_start3A_476 = arith.constant 0 : i32
      %dma_start3A_477 = arith.constant 0 : i32
      %dma_start3A_478 = tpu.memref_slice %arg3[%dma_start3A_476, %dma_start3A_477] : memref<1000000x32xf32, #tpu.memory_space<hbm>> -> memref<1000000x32xf32, #tpu.memory_space<hbm>>
      tpu.enqueue_indirect_dma source(%dma_start3A_478 : memref<1000000x32xf32, #tpu.memory_space<hbm>>) target(%dma_start3A_472 : memref<40x32xf32, #tpu.memory_space<vmem>>) offsets(%dma_start3A_475 : memref<40xi32, #tpu.memory_space<vmem>>) semaphore(%arg9 : memref<!tpu.dma_semaphore, #tpu.memory_space<semaphore_mem>>)
      %dma_start3A_479 = arith.constant 0 : i32
      %dma_start3A_480 = arith.constant 1 : i32
      %dma_start3A_481 = arith.constant 0 : i32
      %dma_start3A_482 = arith.constant 1 : i32
      %dma_start3A_483 = arith.constant 80 : i32
      %dma_start3A_484 = arith.constant 0 : i32
      %dma_start3A_485 = tpu.memref_slice %arg6[%dma_start3A_481, %dma_start3A_482, %dma_start3A_483, %dma_start3A_484] : memref<2x4x200x32xf32, #tpu.memory_space<vmem>> -> memref<1x1x40x32xf32, #tpu.memory_space<vmem>>
      %dma_start3A_486 = tpu.memref_squeeze %dma_start3A_485 : memref<1x1x40x32xf32, #tpu.memory_space<vmem>> -> memref<40x32xf32, #tpu.memory_space<vmem>>
      %dma_start3A_487 = arith.constant 80 : i32
      %dma_start3A_488 = tpu.memref_slice %arg5[%dma_start3A_479, %dma_start3A_480, %dma_start3A_487] : memref<2x4x200xi32, #tpu.memory_space<vmem>> -> memref<1x1x40xi32, #tpu.memory_space<vmem>>
      %dma_start3A_489 = tpu.memref_squeeze %dma_start3A_488 : memref<1x1x40xi32, #tpu.memory_space<vmem>> -> memref<40xi32, #tpu.memory_space<vmem>>
      %dma_start3A_490 = arith.constant 0 : i32
      %dma_start3A_491 = arith.constant 0 : i32
      %dma_start3A_492 = tpu.memref_slice %arg3[%dma_start3A_490, %dma_start3A_491] : memref<1000000x32xf32, #tpu.memory_space<hbm>> -> memref<1000000x32xf32, #tpu.memory_space<hbm>>
      tpu.enqueue_indirect_dma source(%dma_start3A_492 : memref<1000000x32xf32, #tpu.memory_space<hbm>>) target(%dma_start3A_486 : memref<40x32xf32, #tpu.memory_space<vmem>>) offsets(%dma_start3A_489 : memref<40xi32, #tpu.memory_space<vmem>>) semaphore(%arg9 : memref<!tpu.dma_semaphore, #tpu.memory_space<semaphore_mem>>)
      %dma_start3A_493 = arith.constant 0 : i32
      %dma_start3A_494 = arith.constant 1 : i32
      %dma_start3A_495 = arith.constant 0 : i32
      %dma_start3A_496 = arith.constant 1 : i32
      %dma_start3A_497 = arith.constant 120 : i32
      %dma_start3A_498 = arith.constant 0 : i32
      %dma_start3A_499 = tpu.memref_slice %arg6[%dma_start3A_495, %dma_start3A_496, %dma_start3A_497, %dma_start3A_498] : memref<2x4x200x32xf32, #tpu.memory_space<vmem>> -> memref<1x1x40x32xf32, #tpu.memory_space<vmem>>
      %dma_start3A_500 = tpu.memref_squeeze %dma_start3A_499 : memref<1x1x40x32xf32, #tpu.memory_space<vmem>> -> memref<40x32xf32, #tpu.memory_space<vmem>>
      %dma_start3A_501 = arith.constant 120 : i32
      %dma_start3A_502 = tpu.memref_slice %arg5[%dma_start3A_493, %dma_start3A_494, %dma_start3A_501] : memref<2x4x200xi32, #tpu.memory_space<vmem>> -> memref<1x1x40xi32, #tpu.memory_space<vmem>>
      %dma_start3A_503 = tpu.memref_squeeze %dma_start3A_502 : memref<1x1x40xi32, #tpu.memory_space<vmem>> -> memref<40xi32, #tpu.memory_space<vmem>>
      %dma_start3A_504 = arith.constant 0 : i32
      %dma_start3A_505 = arith.constant 0 : i32
      %dma_start3A_506 = tpu.memref_slice %arg3[%dma_start3A_504, %dma_start3A_505] : memref<1000000x32xf32, #tpu.memory_space<hbm>> -> memref<1000000x32xf32, #tpu.memory_space<hbm>>
      tpu.enqueue_indirect_dma source(%dma_start3A_506 : memref<1000000x32xf32, #tpu.memory_space<hbm>>) target(%dma_start3A_500 : memref<40x32xf32, #tpu.memory_space<vmem>>) offsets(%dma_start3A_503 : memref<40xi32, #tpu.memory_space<vmem>>) semaphore(%arg9 : memref<!tpu.dma_semaphore, #tpu.memory_space<semaphore_mem>>)
      %dma_start3A_507 = arith.constant 0 : i32
      %dma_start3A_508 = arith.constant 1 : i32
      %dma_start3A_509 = arith.constant 0 : i32
      %dma_start3A_510 = arith.constant 1 : i32
      %dma_start3A_511 = arith.constant 160 : i32
      %dma_start3A_512 = arith.constant 0 : i32
      %dma_start3A_513 = tpu.memref_slice %arg6[%dma_start3A_509, %dma_start3A_510, %dma_start3A_511, %dma_start3A_512] : memref<2x4x200x32xf32, #tpu.memory_space<vmem>> -> memref<1x1x40x32xf32, #tpu.memory_space<vmem>>
      %dma_start3A_514 = tpu.memref_squeeze %dma_start3A_513 : memref<1x1x40x32xf32, #tpu.memory_space<vmem>> -> memref<40x32xf32, #tpu.memory_space<vmem>>
      %dma_start3A_515 = arith.constant 160 : i32
      %dma_start3A_516 = tpu.memref_slice %arg5[%dma_start3A_507, %dma_start3A_508, %dma_start3A_515] : memref<2x4x200xi32, #tpu.memory_space<vmem>> -> memref<1x1x40xi32, #tpu.memory_space<vmem>>
      %dma_start3A_517 = tpu.memref_squeeze %dma_start3A_516 : memref<1x1x40xi32, #tpu.memory_space<vmem>> -> memref<40xi32, #tpu.memory_space<vmem>>
      %dma_start3A_518 = arith.constant 0 : i32
      %dma_start3A_519 = arith.constant 0 : i32
      %dma_start3A_520 = tpu.memref_slice %arg3[%dma_start3A_518, %dma_start3A_519] : memref<1000000x32xf32, #tpu.memory_space<hbm>> -> memref<1000000x32xf32, #tpu.memory_space<hbm>>
      tpu.enqueue_indirect_dma source(%dma_start3A_520 : memref<1000000x32xf32, #tpu.memory_space<hbm>>) target(%dma_start3A_514 : memref<40x32xf32, #tpu.memory_space<vmem>>) offsets(%dma_start3A_517 : memref<40xi32, #tpu.memory_space<vmem>>) semaphore(%arg9 : memref<!tpu.dma_semaphore, #tpu.memory_space<semaphore_mem>>)
      %dma_start3A_521 = arith.constant 0 : i32
      %dma_start3A_522 = arith.constant 2 : i32
      %dma_start3A_523 = arith.constant 0 : i32
      %dma_start3A_524 = arith.constant 2 : i32
      %dma_start3A_525 = arith.constant 0 : i32
      %dma_start3A_526 = arith.constant 0 : i32
      %dma_start3A_527 = tpu.memref_slice %arg6[%dma_start3A_523, %dma_start3A_524, %dma_start3A_525, %dma_start3A_526] : memref<2x4x200x32xf32, #tpu.memory_space<vmem>> -> memref<1x1x40x32xf32, #tpu.memory_space<vmem>>
      %dma_start3A_528 = tpu.memref_squeeze %dma_start3A_527 : memref<1x1x40x32xf32, #tpu.memory_space<vmem>> -> memref<40x32xf32, #tpu.memory_space<vmem>>
      %dma_start3A_529 = arith.constant 0 : i32
      %dma_start3A_530 = tpu.memref_slice %arg5[%dma_start3A_521, %dma_start3A_522, %dma_start3A_529] : memref<2x4x200xi32, #tpu.memory_space<vmem>> -> memref<1x1x40xi32, #tpu.memory_space<vmem>>
      %dma_start3A_531 = tpu.memref_squeeze %dma_start3A_530 : memref<1x1x40xi32, #tpu.memory_space<vmem>> -> memref<40xi32, #tpu.memory_space<vmem>>
      %dma_start3A_532 = arith.constant 0 : i32
      %dma_start3A_533 = arith.constant 0 : i32
      %dma_start3A_534 = tpu.memref_slice %arg3[%dma_start3A_532, %dma_start3A_533] : memref<1000000x32xf32, #tpu.memory_space<hbm>> -> memref<1000000x32xf32, #tpu.memory_space<hbm>>
      tpu.enqueue_indirect_dma source(%dma_start3A_534 : memref<1000000x32xf32, #tpu.memory_space<hbm>>) target(%dma_start3A_528 : memref<40x32xf32, #tpu.memory_space<vmem>>) offsets(%dma_start3A_531 : memref<40xi32, #tpu.memory_space<vmem>>) semaphore(%arg9 : memref<!tpu.dma_semaphore, #tpu.memory_space<semaphore_mem>>)
      %dma_start3A_535 = arith.constant 0 : i32
      %dma_start3A_536 = arith.constant 2 : i32
      %dma_start3A_537 = arith.constant 0 : i32
      %dma_start3A_538 = arith.constant 2 : i32
      %dma_start3A_539 = arith.constant 40 : i32
      %dma_start3A_540 = arith.constant 0 : i32
      %dma_start3A_541 = tpu.memref_slice %arg6[%dma_start3A_537, %dma_start3A_538, %dma_start3A_539, %dma_start3A_540] : memref<2x4x200x32xf32, #tpu.memory_space<vmem>> -> memref<1x1x40x32xf32, #tpu.memory_space<vmem>>
      %dma_start3A_542 = tpu.memref_squeeze %dma_start3A_541 : memref<1x1x40x32xf32, #tpu.memory_space<vmem>> -> memref<40x32xf32, #tpu.memory_space<vmem>>
      %dma_start3A_543 = arith.constant 40 : i32
      %dma_start3A_544 = tpu.memref_slice %arg5[%dma_start3A_535, %dma_start3A_536, %dma_start3A_543] : memref<2x4x200xi32, #tpu.memory_space<vmem>> -> memref<1x1x40xi32, #tpu.memory_space<vmem>>
      %dma_start3A_545 = tpu.memref_squeeze %dma_start3A_544 : memref<1x1x40xi32, #tpu.memory_space<vmem>> -> memref<40xi32, #tpu.memory_space<vmem>>
      %dma_start3A_546 = arith.constant 0 : i32
      %dma_start3A_547 = arith.constant 0 : i32
      %dma_start3A_548 = tpu.memref_slice %arg3[%dma_start3A_546, %dma_start3A_547] : memref<1000000x32xf32, #tpu.memory_space<hbm>> -> memref<1000000x32xf32, #tpu.memory_space<hbm>>
      tpu.enqueue_indirect_dma source(%dma_start3A_548 : memref<1000000x32xf32, #tpu.memory_space<hbm>>) target(%dma_start3A_542 : memref<40x32xf32, #tpu.memory_space<vmem>>) offsets(%dma_start3A_545 : memref<40xi32, #tpu.memory_space<vmem>>) semaphore(%arg9 : memref<!tpu.dma_semaphore, #tpu.memory_space<semaphore_mem>>)
      %dma_start3A_549 = arith.constant 0 : i32
      %dma_start3A_550 = arith.constant 2 : i32
      %dma_start3A_551 = arith.constant 0 : i32
      %dma_start3A_552 = arith.constant 2 : i32
      %dma_start3A_553 = arith.constant 80 : i32
      %dma_start3A_554 = arith.constant 0 : i32
      %dma_start3A_555 = tpu.memref_slice %arg6[%dma_start3A_551, %dma_start3A_552, %dma_start3A_553, %dma_start3A_554] : memref<2x4x200x32xf32, #tpu.memory_space<vmem>> -> memref<1x1x40x32xf32, #tpu.memory_space<vmem>>
      %dma_start3A_556 = tpu.memref_squeeze %dma_start3A_555 : memref<1x1x40x32xf32, #tpu.memory_space<vmem>> -> memref<40x32xf32, #tpu.memory_space<vmem>>
      %dma_start3A_557 = arith.constant 80 : i32
      %dma_start3A_558 = tpu.memref_slice %arg5[%dma_start3A_549, %dma_start3A_550, %dma_start3A_557] : memref<2x4x200xi32, #tpu.memory_space<vmem>> -> memref<1x1x40xi32, #tpu.memory_space<vmem>>
      %dma_start3A_559 = tpu.memref_squeeze %dma_start3A_558 : memref<1x1x40xi32, #tpu.memory_space<vmem>> -> memref<40xi32, #tpu.memory_space<vmem>>
      %dma_start3A_560 = arith.constant 0 : i32
      %dma_start3A_561 = arith.constant 0 : i32
      %dma_start3A_562 = tpu.memref_slice %arg3[%dma_start3A_560, %dma_start3A_561] : memref<1000000x32xf32, #tpu.memory_space<hbm>> -> memref<1000000x32xf32, #tpu.memory_space<hbm>>
      tpu.enqueue_indirect_dma source(%dma_start3A_562 : memref<1000000x32xf32, #tpu.memory_space<hbm>>) target(%dma_start3A_556 : memref<40x32xf32, #tpu.memory_space<vmem>>) offsets(%dma_start3A_559 : memref<40xi32, #tpu.memory_space<vmem>>) semaphore(%arg9 : memref<!tpu.dma_semaphore, #tpu.memory_space<semaphore_mem>>)
      %dma_start3A_563 = arith.constant 0 : i32
      %dma_start3A_564 = arith.constant 2 : i32
      %dma_start3A_565 = arith.constant 0 : i32
      %dma_start3A_566 = arith.constant 2 : i32
      %dma_start3A_567 = arith.constant 120 : i32
      %dma_start3A_568 = arith.constant 0 : i32
      %dma_start3A_569 = tpu.memref_slice %arg6[%dma_start3A_565, %dma_start3A_566, %dma_start3A_567, %dma_start3A_568] : memref<2x4x200x32xf32, #tpu.memory_space<vmem>> -> memref<1x1x40x32xf32, #tpu.memory_space<vmem>>
      %dma_start3A_570 = tpu.memref_squeeze %dma_start3A_569 : memref<1x1x40x32xf32, #tpu.memory_space<vmem>> -> memref<40x32xf32, #tpu.memory_space<vmem>>
      %dma_start3A_571 = arith.constant 120 : i32
      %dma_start3A_572 = tpu.memref_slice %arg5[%dma_start3A_563, %dma_start3A_564, %dma_start3A_571] : memref<2x4x200xi32, #tpu.memory_space<vmem>> -> memref<1x1x40xi32, #tpu.memory_space<vmem>>
      %dma_start3A_573 = tpu.memref_squeeze %dma_start3A_572 : memref<1x1x40xi32, #tpu.memory_space<vmem>> -> memref<40xi32, #tpu.memory_space<vmem>>
      %dma_start3A_574 = arith.constant 0 : i32
      %dma_start3A_575 = arith.constant 0 : i32
      %dma_start3A_576 = tpu.memref_slice %arg3[%dma_start3A_574, %dma_start3A_575] : memref<1000000x32xf32, #tpu.memory_space<hbm>> -> memref<1000000x32xf32, #tpu.memory_space<hbm>>
      tpu.enqueue_indirect_dma source(%dma_start3A_576 : memref<1000000x32xf32, #tpu.memory_space<hbm>>) target(%dma_start3A_570 : memref<40x32xf32, #tpu.memory_space<vmem>>) offsets(%dma_start3A_573 : memref<40xi32, #tpu.memory_space<vmem>>) semaphore(%arg9 : memref<!tpu.dma_semaphore, #tpu.memory_space<semaphore_mem>>)
      %dma_start3A_577 = arith.constant 0 : i32
      %dma_start3A_578 = arith.constant 2 : i32
      %dma_start3A_579 = arith.constant 0 : i32
      %dma_start3A_580 = arith.constant 2 : i32
      %dma_start3A_581 = arith.constant 160 : i32
      %dma_start3A_582 = arith.constant 0 : i32
      %dma_start3A_583 = tpu.memref_slice %arg6[%dma_start3A_579, %dma_start3A_580, %dma_start3A_581, %dma_start3A_582] : memref<2x4x200x32xf32, #tpu.memory_space<vmem>> -> memref<1x1x40x32xf32, #tpu.memory_space<vmem>>
      %dma_start3A_584 = tpu.memref_squeeze %dma_start3A_583 : memref<1x1x40x32xf32, #tpu.memory_space<vmem>> -> memref<40x32xf32, #tpu.memory_space<vmem>>
      %dma_start3A_585 = arith.constant 160 : i32
      %dma_start3A_586 = tpu.memref_slice %arg5[%dma_start3A_577, %dma_start3A_578, %dma_start3A_585] : memref<2x4x200xi32, #tpu.memory_space<vmem>> -> memref<1x1x40xi32, #tpu.memory_space<vmem>>
      %dma_start3A_587 = tpu.memref_squeeze %dma_start3A_586 : memref<1x1x40xi32, #tpu.memory_space<vmem>> -> memref<40xi32, #tpu.memory_space<vmem>>
      %dma_start3A_588 = arith.constant 0 : i32
      %dma_start3A_589 = arith.constant 0 : i32
      %dma_start3A_590 = tpu.memref_slice %arg3[%dma_start3A_588, %dma_start3A_589] : memref<1000000x32xf32, #tpu.memory_space<hbm>> -> memref<1000000x32xf32, #tpu.memory_space<hbm>>
      tpu.enqueue_indirect_dma source(%dma_start3A_590 : memref<1000000x32xf32, #tpu.memory_space<hbm>>) target(%dma_start3A_584 : memref<40x32xf32, #tpu.memory_space<vmem>>) offsets(%dma_start3A_587 : memref<40xi32, #tpu.memory_space<vmem>>) semaphore(%arg9 : memref<!tpu.dma_semaphore, #tpu.memory_space<semaphore_mem>>)
      %dma_start3A_591 = arith.constant 0 : i32
      %dma_start3A_592 = arith.constant 3 : i32
      %dma_start3A_593 = arith.constant 0 : i32
      %dma_start3A_594 = arith.constant 3 : i32
      %dma_start3A_595 = arith.constant 0 : i32
      %dma_start3A_596 = arith.constant 0 : i32
      %dma_start3A_597 = tpu.memref_slice %arg6[%dma_start3A_593, %dma_start3A_594, %dma_start3A_595, %dma_start3A_596] : memref<2x4x200x32xf32, #tpu.memory_space<vmem>> -> memref<1x1x40x32xf32, #tpu.memory_space<vmem>>
      %dma_start3A_598 = tpu.memref_squeeze %dma_start3A_597 : memref<1x1x40x32xf32, #tpu.memory_space<vmem>> -> memref<40x32xf32, #tpu.memory_space<vmem>>
      %dma_start3A_599 = arith.constant 0 : i32
      %dma_start3A_600 = tpu.memref_slice %arg5[%dma_start3A_591, %dma_start3A_592, %dma_start3A_599] : memref<2x4x200xi32, #tpu.memory_space<vmem>> -> memref<1x1x40xi32, #tpu.memory_space<vmem>>
      %dma_start3A_601 = tpu.memref_squeeze %dma_start3A_600 : memref<1x1x40xi32, #tpu.memory_space<vmem>> -> memref<40xi32, #tpu.memory_space<vmem>>
      %dma_start3A_602 = arith.constant 0 : i32
      %dma_start3A_603 = arith.constant 0 : i32
      %dma_start3A_604 = tpu.memref_slice %arg3[%dma_start3A_602, %dma_start3A_603] : memref<1000000x32xf32, #tpu.memory_space<hbm>> -> memref<1000000x32xf32, #tpu.memory_space<hbm>>
      tpu.enqueue_indirect_dma source(%dma_start3A_604 : memref<1000000x32xf32, #tpu.memory_space<hbm>>) target(%dma_start3A_598 : memref<40x32xf32, #tpu.memory_space<vmem>>) offsets(%dma_start3A_601 : memref<40xi32, #tpu.memory_space<vmem>>) semaphore(%arg9 : memref<!tpu.dma_semaphore, #tpu.memory_space<semaphore_mem>>)
      %dma_start3A_605 = arith.constant 0 : i32
      %dma_start3A_606 = arith.constant 3 : i32
      %dma_start3A_607 = arith.constant 0 : i32
      %dma_start3A_608 = arith.constant 3 : i32
      %dma_start3A_609 = arith.constant 40 : i32
      %dma_start3A_610 = arith.constant 0 : i32
      %dma_start3A_611 = tpu.memref_slice %arg6[%dma_start3A_607, %dma_start3A_608, %dma_start3A_609, %dma_start3A_610] : memref<2x4x200x32xf32, #tpu.memory_space<vmem>> -> memref<1x1x40x32xf32, #tpu.memory_space<vmem>>
      %dma_start3A_612 = tpu.memref_squeeze %dma_start3A_611 : memref<1x1x40x32xf32, #tpu.memory_space<vmem>> -> memref<40x32xf32, #tpu.memory_space<vmem>>
      %dma_start3A_613 = arith.constant 40 : i32
      %dma_start3A_614 = tpu.memref_slice %arg5[%dma_start3A_605, %dma_start3A_606, %dma_start3A_613] : memref<2x4x200xi32, #tpu.memory_space<vmem>> -> memref<1x1x40xi32, #tpu.memory_space<vmem>>
      %dma_start3A_615 = tpu.memref_squeeze %dma_start3A_614 : memref<1x1x40xi32, #tpu.memory_space<vmem>> -> memref<40xi32, #tpu.memory_space<vmem>>
      %dma_start3A_616 = arith.constant 0 : i32
      %dma_start3A_617 = arith.constant 0 : i32
      %dma_start3A_618 = tpu.memref_slice %arg3[%dma_start3A_616, %dma_start3A_617] : memref<1000000x32xf32, #tpu.memory_space<hbm>> -> memref<1000000x32xf32, #tpu.memory_space<hbm>>
      tpu.enqueue_indirect_dma source(%dma_start3A_618 : memref<1000000x32xf32, #tpu.memory_space<hbm>>) target(%dma_start3A_612 : memref<40x32xf32, #tpu.memory_space<vmem>>) offsets(%dma_start3A_615 : memref<40xi32, #tpu.memory_space<vmem>>) semaphore(%arg9 : memref<!tpu.dma_semaphore, #tpu.memory_space<semaphore_mem>>)
      %dma_start3A_619 = arith.constant 0 : i32
      %dma_start3A_620 = arith.constant 3 : i32
      %dma_start3A_621 = arith.constant 0 : i32
      %dma_start3A_622 = arith.constant 3 : i32
      %dma_start3A_623 = arith.constant 80 : i32
      %dma_start3A_624 = arith.constant 0 : i32
      %dma_start3A_625 = tpu.memref_slice %arg6[%dma_start3A_621, %dma_start3A_622, %dma_start3A_623, %dma_start3A_624] : memref<2x4x200x32xf32, #tpu.memory_space<vmem>> -> memref<1x1x40x32xf32, #tpu.memory_space<vmem>>
      %dma_start3A_626 = tpu.memref_squeeze %dma_start3A_625 : memref<1x1x40x32xf32, #tpu.memory_space<vmem>> -> memref<40x32xf32, #tpu.memory_space<vmem>>
      %dma_start3A_627 = arith.constant 80 : i32
      %dma_start3A_628 = tpu.memref_slice %arg5[%dma_start3A_619, %dma_start3A_620, %dma_start3A_627] : memref<2x4x200xi32, #tpu.memory_space<vmem>> -> memref<1x1x40xi32, #tpu.memory_space<vmem>>
      %dma_start3A_629 = tpu.memref_squeeze %dma_start3A_628 : memref<1x1x40xi32, #tpu.memory_space<vmem>> -> memref<40xi32, #tpu.memory_space<vmem>>
      %dma_start3A_630 = arith.constant 0 : i32
      %dma_start3A_631 = arith.constant 0 : i32
      %dma_start3A_632 = tpu.memref_slice %arg3[%dma_start3A_630, %dma_start3A_631] : memref<1000000x32xf32, #tpu.memory_space<hbm>> -> memref<1000000x32xf32, #tpu.memory_space<hbm>>
      tpu.enqueue_indirect_dma source(%dma_start3A_632 : memref<1000000x32xf32, #tpu.memory_space<hbm>>) target(%dma_start3A_626 : memref<40x32xf32, #tpu.memory_space<vmem>>) offsets(%dma_start3A_629 : memref<40xi32, #tpu.memory_space<vmem>>) semaphore(%arg9 : memref<!tpu.dma_semaphore, #tpu.memory_space<semaphore_mem>>)
      %dma_start3A_633 = arith.constant 0 : i32
      %dma_start3A_634 = arith.constant 3 : i32
      %dma_start3A_635 = arith.constant 0 : i32
      %dma_start3A_636 = arith.constant 3 : i32
      %dma_start3A_637 = arith.constant 120 : i32
      %dma_start3A_638 = arith.constant 0 : i32
      %dma_start3A_639 = tpu.memref_slice %arg6[%dma_start3A_635, %dma_start3A_636, %dma_start3A_637, %dma_start3A_638] : memref<2x4x200x32xf32, #tpu.memory_space<vmem>> -> memref<1x1x40x32xf32, #tpu.memory_space<vmem>>
      %dma_start3A_640 = tpu.memref_squeeze %dma_start3A_639 : memref<1x1x40x32xf32, #tpu.memory_space<vmem>> -> memref<40x32xf32, #tpu.memory_space<vmem>>
      %dma_start3A_641 = arith.constant 120 : i32
      %dma_start3A_642 = tpu.memref_slice %arg5[%dma_start3A_633, %dma_start3A_634, %dma_start3A_641] : memref<2x4x200xi32, #tpu.memory_space<vmem>> -> memref<1x1x40xi32, #tpu.memory_space<vmem>>
      %dma_start3A_643 = tpu.memref_squeeze %dma_start3A_642 : memref<1x1x40xi32, #tpu.memory_space<vmem>> -> memref<40xi32, #tpu.memory_space<vmem>>
      %dma_start3A_644 = arith.constant 0 : i32
      %dma_start3A_645 = arith.constant 0 : i32
      %dma_start3A_646 = tpu.memref_slice %arg3[%dma_start3A_644, %dma_start3A_645] : memref<1000000x32xf32, #tpu.memory_space<hbm>> -> memref<1000000x32xf32, #tpu.memory_space<hbm>>
      tpu.enqueue_indirect_dma source(%dma_start3A_646 : memref<1000000x32xf32, #tpu.memory_space<hbm>>) target(%dma_start3A_640 : memref<40x32xf32, #tpu.memory_space<vmem>>) offsets(%dma_start3A_643 : memref<40xi32, #tpu.memory_space<vmem>>) semaphore(%arg9 : memref<!tpu.dma_semaphore, #tpu.memory_space<semaphore_mem>>)
      %dma_start3A_647 = arith.constant 0 : i32
      %dma_start3A_648 = arith.constant 3 : i32
      %dma_start3A_649 = arith.constant 0 : i32
      %dma_start3A_650 = arith.constant 3 : i32
      %dma_start3A_651 = arith.constant 160 : i32
      %dma_start3A_652 = arith.constant 0 : i32
      %dma_start3A_653 = tpu.memref_slice %arg6[%dma_start3A_649, %dma_start3A_650, %dma_start3A_651, %dma_start3A_652] : memref<2x4x200x32xf32, #tpu.memory_space<vmem>> -> memref<1x1x40x32xf32, #tpu.memory_space<vmem>>
      %dma_start3A_654 = tpu.memref_squeeze %dma_start3A_653 : memref<1x1x40x32xf32, #tpu.memory_space<vmem>> -> memref<40x32xf32, #tpu.memory_space<vmem>>
      %dma_start3A_655 = arith.constant 160 : i32
      %dma_start3A_656 = tpu.memref_slice %arg5[%dma_start3A_647, %dma_start3A_648, %dma_start3A_655] : memref<2x4x200xi32, #tpu.memory_space<vmem>> -> memref<1x1x40xi32, #tpu.memory_space<vmem>>
      %dma_start3A_657 = tpu.memref_squeeze %dma_start3A_656 : memref<1x1x40xi32, #tpu.memory_space<vmem>> -> memref<40xi32, #tpu.memory_space<vmem>>
      %dma_start3A_658 = arith.constant 0 : i32
      %dma_start3A_659 = arith.constant 0 : i32
      %dma_start3A_660 = tpu.memref_slice %arg3[%dma_start3A_658, %dma_start3A_659] : memref<1000000x32xf32, #tpu.memory_space<hbm>> -> memref<1000000x32xf32, #tpu.memory_space<hbm>>
      tpu.enqueue_indirect_dma source(%dma_start3A_660 : memref<1000000x32xf32, #tpu.memory_space<hbm>>) target(%dma_start3A_654 : memref<40x32xf32, #tpu.memory_space<vmem>>) offsets(%dma_start3A_657 : memref<40xi32, #tpu.memory_space<vmem>>) semaphore(%arg9 : memref<!tpu.dma_semaphore, #tpu.memory_space<semaphore_mem>>)
      %ge3A_661 = arith.constant 1 : i32
      %ge3A_662 = arith.cmpi sge, %add3A_363, %ge3A_661 : i32
      %convert_element_type3A_663 = arith.extui %ge3A_662 : i1 to i32
      %cond3A_664 = arith.constant 0 : i32
      %cond3A_665 = arith.cmpi ne, %convert_element_type3A_663, %cond3A_664 : i32
      scf.if %cond3A_665 {
        %dma_wait3A_986 = arith.constant 1 : i32
        %dma_wait3A_987 = arith.constant 0 : i32
        %dma_wait3A_988 = arith.constant 1 : i32
        %dma_wait3A_989 = arith.constant 0 : i32
        %dma_wait3A_990 = arith.constant 0 : i32
        %dma_wait3A_991 = arith.constant 0 : i32
        %dma_wait3A_992 = tpu.memref_slice %arg6[%dma_wait3A_988, %dma_wait3A_989, %dma_wait3A_990, %dma_wait3A_991] : memref<2x4x200x32xf32, #tpu.memory_space<vmem>> -> memref<1x1x40x32xf32, #tpu.memory_space<vmem>>
        %dma_wait3A_993 = tpu.memref_squeeze %dma_wait3A_992 : memref<1x1x40x32xf32, #tpu.memory_space<vmem>> -> memref<40x32xf32, #tpu.memory_space<vmem>>
        %dma_wait3A_994 = arith.constant 0 : i32
        %dma_wait3A_995 = tpu.memref_slice %arg5[%dma_wait3A_986, %dma_wait3A_987, %dma_wait3A_994] : memref<2x4x200xi32, #tpu.memory_space<vmem>> -> memref<1x1x40xi32, #tpu.memory_space<vmem>>
        %dma_wait3A_996 = tpu.memref_squeeze %dma_wait3A_995 : memref<1x1x40xi32, #tpu.memory_space<vmem>> -> memref<40xi32, #tpu.memory_space<vmem>>
        %dma_wait3A_997 = arith.constant 0 : i32
        %dma_wait3A_998 = arith.constant 0 : i32
        %dma_wait3A_999 = tpu.memref_slice %arg3[%dma_wait3A_997, %dma_wait3A_998] : memref<1000000x32xf32, #tpu.memory_space<hbm>> -> memref<1000000x32xf32, #tpu.memory_space<hbm>>
        tpu.wait_indirect_dma semaphore(%arg10 : memref<!tpu.dma_semaphore, #tpu.memory_space<semaphore_mem>>) src(%dma_wait3A_999 : memref<1000000x32xf32, #tpu.memory_space<hbm>>) dst(%dma_wait3A_993 : memref<40x32xf32, #tpu.memory_space<vmem>>)
        %dma_wait3A_1000 = arith.constant 1 : i32
        %dma_wait3A_1001 = arith.constant 0 : i32
        %dma_wait3A_1002 = arith.constant 1 : i32
        %dma_wait3A_1003 = arith.constant 0 : i32
        %dma_wait3A_1004 = arith.constant 40 : i32
        %dma_wait3A_1005 = arith.constant 0 : i32
        %dma_wait3A_1006 = tpu.memref_slice %arg6[%dma_wait3A_1002, %dma_wait3A_1003, %dma_wait3A_1004, %dma_wait3A_1005] : memref<2x4x200x32xf32, #tpu.memory_space<vmem>> -> memref<1x1x40x32xf32, #tpu.memory_space<vmem>>
        %dma_wait3A_1007 = tpu.memref_squeeze %dma_wait3A_1006 : memref<1x1x40x32xf32, #tpu.memory_space<vmem>> -> memref<40x32xf32, #tpu.memory_space<vmem>>
        %dma_wait3A_1008 = arith.constant 40 : i32
        %dma_wait3A_1009 = tpu.memref_slice %arg5[%dma_wait3A_1000, %dma_wait3A_1001, %dma_wait3A_1008] : memref<2x4x200xi32, #tpu.memory_space<vmem>> -> memref<1x1x40xi32, #tpu.memory_space<vmem>>
        %dma_wait3A_1010 = tpu.memref_squeeze %dma_wait3A_1009 : memref<1x1x40xi32, #tpu.memory_space<vmem>> -> memref<40xi32, #tpu.memory_space<vmem>>
        %dma_wait3A_1011 = arith.constant 0 : i32
        %dma_wait3A_1012 = arith.constant 0 : i32
        %dma_wait3A_1013 = tpu.memref_slice %arg3[%dma_wait3A_1011, %dma_wait3A_1012] : memref<1000000x32xf32, #tpu.memory_space<hbm>> -> memref<1000000x32xf32, #tpu.memory_space<hbm>>
        tpu.wait_indirect_dma semaphore(%arg10 : memref<!tpu.dma_semaphore, #tpu.memory_space<semaphore_mem>>) src(%dma_wait3A_1013 : memref<1000000x32xf32, #tpu.memory_space<hbm>>) dst(%dma_wait3A_1007 : memref<40x32xf32, #tpu.memory_space<vmem>>)
        %dma_wait3A_1014 = arith.constant 1 : i32
        %dma_wait3A_1015 = arith.constant 0 : i32
        %dma_wait3A_1016 = arith.constant 1 : i32
        %dma_wait3A_1017 = arith.constant 0 : i32
        %dma_wait3A_1018 = arith.constant 80 : i32
        %dma_wait3A_1019 = arith.constant 0 : i32
        %dma_wait3A_1020 = tpu.memref_slice %arg6[%dma_wait3A_1016, %dma_wait3A_1017, %dma_wait3A_1018, %dma_wait3A_1019] : memref<2x4x200x32xf32, #tpu.memory_space<vmem>> -> memref<1x1x40x32xf32, #tpu.memory_space<vmem>>
        %dma_wait3A_1021 = tpu.memref_squeeze %dma_wait3A_1020 : memref<1x1x40x32xf32, #tpu.memory_space<vmem>> -> memref<40x32xf32, #tpu.memory_space<vmem>>
        %dma_wait3A_1022 = arith.constant 80 : i32
        %dma_wait3A_1023 = tpu.memref_slice %arg5[%dma_wait3A_1014, %dma_wait3A_1015, %dma_wait3A_1022] : memref<2x4x200xi32, #tpu.memory_space<vmem>> -> memref<1x1x40xi32, #tpu.memory_space<vmem>>
        %dma_wait3A_1024 = tpu.memref_squeeze %dma_wait3A_1023 : memref<1x1x40xi32, #tpu.memory_space<vmem>> -> memref<40xi32, #tpu.memory_space<vmem>>
        %dma_wait3A_1025 = arith.constant 0 : i32
        %dma_wait3A_1026 = arith.constant 0 : i32
        %dma_wait3A_1027 = tpu.memref_slice %arg3[%dma_wait3A_1025, %dma_wait3A_1026] : memref<1000000x32xf32, #tpu.memory_space<hbm>> -> memref<1000000x32xf32, #tpu.memory_space<hbm>>
        tpu.wait_indirect_dma semaphore(%arg10 : memref<!tpu.dma_semaphore, #tpu.memory_space<semaphore_mem>>) src(%dma_wait3A_1027 : memref<1000000x32xf32, #tpu.memory_space<hbm>>) dst(%dma_wait3A_1021 : memref<40x32xf32, #tpu.memory_space<vmem>>)
        %dma_wait3A_1028 = arith.constant 1 : i32
        %dma_wait3A_1029 = arith.constant 0 : i32
        %dma_wait3A_1030 = arith.constant 1 : i32
        %dma_wait3A_1031 = arith.constant 0 : i32
        %dma_wait3A_1032 = arith.constant 120 : i32
        %dma_wait3A_1033 = arith.constant 0 : i32
        %dma_wait3A_1034 = tpu.memref_slice %arg6[%dma_wait3A_1030, %dma_wait3A_1031, %dma_wait3A_1032, %dma_wait3A_1033] : memref<2x4x200x32xf32, #tpu.memory_space<vmem>> -> memref<1x1x40x32xf32, #tpu.memory_space<vmem>>
        %dma_wait3A_1035 = tpu.memref_squeeze %dma_wait3A_1034 : memref<1x1x40x32xf32, #tpu.memory_space<vmem>> -> memref<40x32xf32, #tpu.memory_space<vmem>>
        %dma_wait3A_1036 = arith.constant 120 : i32
        %dma_wait3A_1037 = tpu.memref_slice %arg5[%dma_wait3A_1028, %dma_wait3A_1029, %dma_wait3A_1036] : memref<2x4x200xi32, #tpu.memory_space<vmem>> -> memref<1x1x40xi32, #tpu.memory_space<vmem>>
        %dma_wait3A_1038 = tpu.memref_squeeze %dma_wait3A_1037 : memref<1x1x40xi32, #tpu.memory_space<vmem>> -> memref<40xi32, #tpu.memory_space<vmem>>
        %dma_wait3A_1039 = arith.constant 0 : i32
        %dma_wait3A_1040 = arith.constant 0 : i32
        %dma_wait3A_1041 = tpu.memref_slice %arg3[%dma_wait3A_1039, %dma_wait3A_1040] : memref<1000000x32xf32, #tpu.memory_space<hbm>> -> memref<1000000x32xf32, #tpu.memory_space<hbm>>
        tpu.wait_indirect_dma semaphore(%arg10 : memref<!tpu.dma_semaphore, #tpu.memory_space<semaphore_mem>>) src(%dma_wait3A_1041 : memref<1000000x32xf32, #tpu.memory_space<hbm>>) dst(%dma_wait3A_1035 : memref<40x32xf32, #tpu.memory_space<vmem>>)
        %dma_wait3A_1042 = arith.constant 1 : i32
        %dma_wait3A_1043 = arith.constant 0 : i32
        %dma_wait3A_1044 = arith.constant 1 : i32
        %dma_wait3A_1045 = arith.constant 0 : i32
        %dma_wait3A_1046 = arith.constant 160 : i32
        %dma_wait3A_1047 = arith.constant 0 : i32
        %dma_wait3A_1048 = tpu.memref_slice %arg6[%dma_wait3A_1044, %dma_wait3A_1045, %dma_wait3A_1046, %dma_wait3A_1047] : memref<2x4x200x32xf32, #tpu.memory_space<vmem>> -> memref<1x1x40x32xf32, #tpu.memory_space<vmem>>
        %dma_wait3A_1049 = tpu.memref_squeeze %dma_wait3A_1048 : memref<1x1x40x32xf32, #tpu.memory_space<vmem>> -> memref<40x32xf32, #tpu.memory_space<vmem>>
        %dma_wait3A_1050 = arith.constant 160 : i32
        %dma_wait3A_1051 = tpu.memref_slice %arg5[%dma_wait3A_1042, %dma_wait3A_1043, %dma_wait3A_1050] : memref<2x4x200xi32, #tpu.memory_space<vmem>> -> memref<1x1x40xi32, #tpu.memory_space<vmem>>
        %dma_wait3A_1052 = tpu.memref_squeeze %dma_wait3A_1051 : memref<1x1x40xi32, #tpu.memory_space<vmem>> -> memref<40xi32, #tpu.memory_space<vmem>>
        %dma_wait3A_1053 = arith.constant 0 : i32
        %dma_wait3A_1054 = arith.constant 0 : i32
        %dma_wait3A_1055 = tpu.memref_slice %arg3[%dma_wait3A_1053, %dma_wait3A_1054] : memref<1000000x32xf32, #tpu.memory_space<hbm>> -> memref<1000000x32xf32, #tpu.memory_space<hbm>>
        tpu.wait_indirect_dma semaphore(%arg10 : memref<!tpu.dma_semaphore, #tpu.memory_space<semaphore_mem>>) src(%dma_wait3A_1055 : memref<1000000x32xf32, #tpu.memory_space<hbm>>) dst(%dma_wait3A_1049 : memref<40x32xf32, #tpu.memory_space<vmem>>)
        %dma_wait3A_1056 = arith.constant 1 : i32
        %dma_wait3A_1057 = arith.constant 1 : i32
        %dma_wait3A_1058 = arith.constant 1 : i32
        %dma_wait3A_1059 = arith.constant 1 : i32
        %dma_wait3A_1060 = arith.constant 0 : i32
        %dma_wait3A_1061 = arith.constant 0 : i32
        %dma_wait3A_1062 = tpu.memref_slice %arg6[%dma_wait3A_1058, %dma_wait3A_1059, %dma_wait3A_1060, %dma_wait3A_1061] : memref<2x4x200x32xf32, #tpu.memory_space<vmem>> -> memref<1x1x40x32xf32, #tpu.memory_space<vmem>>
        %dma_wait3A_1063 = tpu.memref_squeeze %dma_wait3A_1062 : memref<1x1x40x32xf32, #tpu.memory_space<vmem>> -> memref<40x32xf32, #tpu.memory_space<vmem>>
        %dma_wait3A_1064 = arith.constant 0 : i32
        %dma_wait3A_1065 = tpu.memref_slice %arg5[%dma_wait3A_1056, %dma_wait3A_1057, %dma_wait3A_1064] : memref<2x4x200xi32, #tpu.memory_space<vmem>> -> memref<1x1x40xi32, #tpu.memory_space<vmem>>
        %dma_wait3A_1066 = tpu.memref_squeeze %dma_wait3A_1065 : memref<1x1x40xi32, #tpu.memory_space<vmem>> -> memref<40xi32, #tpu.memory_space<vmem>>
        %dma_wait3A_1067 = arith.constant 0 : i32
        %dma_wait3A_1068 = arith.constant 0 : i32
        %dma_wait3A_1069 = tpu.memref_slice %arg3[%dma_wait3A_1067, %dma_wait3A_1068] : memref<1000000x32xf32, #tpu.memory_space<hbm>> -> memref<1000000x32xf32, #tpu.memory_space<hbm>>
        tpu.wait_indirect_dma semaphore(%arg10 : memref<!tpu.dma_semaphore, #tpu.memory_space<semaphore_mem>>) src(%dma_wait3A_1069 : memref<1000000x32xf32, #tpu.memory_space<hbm>>) dst(%dma_wait3A_1063 : memref<40x32xf32, #tpu.memory_space<vmem>>)
        %dma_wait3A_1070 = arith.constant 1 : i32
        %dma_wait3A_1071 = arith.constant 1 : i32
        %dma_wait3A_1072 = arith.constant 1 : i32
        %dma_wait3A_1073 = arith.constant 1 : i32
        %dma_wait3A_1074 = arith.constant 40 : i32
        %dma_wait3A_1075 = arith.constant 0 : i32
        %dma_wait3A_1076 = tpu.memref_slice %arg6[%dma_wait3A_1072, %dma_wait3A_1073, %dma_wait3A_1074, %dma_wait3A_1075] : memref<2x4x200x32xf32, #tpu.memory_space<vmem>> -> memref<1x1x40x32xf32, #tpu.memory_space<vmem>>
        %dma_wait3A_1077 = tpu.memref_squeeze %dma_wait3A_1076 : memref<1x1x40x32xf32, #tpu.memory_space<vmem>> -> memref<40x32xf32, #tpu.memory_space<vmem>>
        %dma_wait3A_1078 = arith.constant 40 : i32
        %dma_wait3A_1079 = tpu.memref_slice %arg5[%dma_wait3A_1070, %dma_wait3A_1071, %dma_wait3A_1078] : memref<2x4x200xi32, #tpu.memory_space<vmem>> -> memref<1x1x40xi32, #tpu.memory_space<vmem>>
        %dma_wait3A_1080 = tpu.memref_squeeze %dma_wait3A_1079 : memref<1x1x40xi32, #tpu.memory_space<vmem>> -> memref<40xi32, #tpu.memory_space<vmem>>
        %dma_wait3A_1081 = arith.constant 0 : i32
        %dma_wait3A_1082 = arith.constant 0 : i32
        %dma_wait3A_1083 = tpu.memref_slice %arg3[%dma_wait3A_1081, %dma_wait3A_1082] : memref<1000000x32xf32, #tpu.memory_space<hbm>> -> memref<1000000x32xf32, #tpu.memory_space<hbm>>
        tpu.wait_indirect_dma semaphore(%arg10 : memref<!tpu.dma_semaphore, #tpu.memory_space<semaphore_mem>>) src(%dma_wait3A_1083 : memref<1000000x32xf32, #tpu.memory_space<hbm>>) dst(%dma_wait3A_1077 : memref<40x32xf32, #tpu.memory_space<vmem>>)
        %dma_wait3A_1084 = arith.constant 1 : i32
        %dma_wait3A_1085 = arith.constant 1 : i32
        %dma_wait3A_1086 = arith.constant 1 : i32
        %dma_wait3A_1087 = arith.constant 1 : i32
        %dma_wait3A_1088 = arith.constant 80 : i32
        %dma_wait3A_1089 = arith.constant 0 : i32
        %dma_wait3A_1090 = tpu.memref_slice %arg6[%dma_wait3A_1086, %dma_wait3A_1087, %dma_wait3A_1088, %dma_wait3A_1089] : memref<2x4x200x32xf32, #tpu.memory_space<vmem>> -> memref<1x1x40x32xf32, #tpu.memory_space<vmem>>
        %dma_wait3A_1091 = tpu.memref_squeeze %dma_wait3A_1090 : memref<1x1x40x32xf32, #tpu.memory_space<vmem>> -> memref<40x32xf32, #tpu.memory_space<vmem>>
        %dma_wait3A_1092 = arith.constant 80 : i32
        %dma_wait3A_1093 = tpu.memref_slice %arg5[%dma_wait3A_1084, %dma_wait3A_1085, %dma_wait3A_1092] : memref<2x4x200xi32, #tpu.memory_space<vmem>> -> memref<1x1x40xi32, #tpu.memory_space<vmem>>
        %dma_wait3A_1094 = tpu.memref_squeeze %dma_wait3A_1093 : memref<1x1x40xi32, #tpu.memory_space<vmem>> -> memref<40xi32, #tpu.memory_space<vmem>>
        %dma_wait3A_1095 = arith.constant 0 : i32
        %dma_wait3A_1096 = arith.constant 0 : i32
        %dma_wait3A_1097 = tpu.memref_slice %arg3[%dma_wait3A_1095, %dma_wait3A_1096] : memref<1000000x32xf32, #tpu.memory_space<hbm>> -> memref<1000000x32xf32, #tpu.memory_space<hbm>>
        tpu.wait_indirect_dma semaphore(%arg10 : memref<!tpu.dma_semaphore, #tpu.memory_space<semaphore_mem>>) src(%dma_wait3A_1097 : memref<1000000x32xf32, #tpu.memory_space<hbm>>) dst(%dma_wait3A_1091 : memref<40x32xf32, #tpu.memory_space<vmem>>)
        %dma_wait3A_1098 = arith.constant 1 : i32
        %dma_wait3A_1099 = arith.constant 1 : i32
        %dma_wait3A_1100 = arith.constant 1 : i32
        %dma_wait3A_1101 = arith.constant 1 : i32
        %dma_wait3A_1102 = arith.constant 120 : i32
        %dma_wait3A_1103 = arith.constant 0 : i32
        %dma_wait3A_1104 = tpu.memref_slice %arg6[%dma_wait3A_1100, %dma_wait3A_1101, %dma_wait3A_1102, %dma_wait3A_1103] : memref<2x4x200x32xf32, #tpu.memory_space<vmem>> -> memref<1x1x40x32xf32, #tpu.memory_space<vmem>>
        %dma_wait3A_1105 = tpu.memref_squeeze %dma_wait3A_1104 : memref<1x1x40x32xf32, #tpu.memory_space<vmem>> -> memref<40x32xf32, #tpu.memory_space<vmem>>
        %dma_wait3A_1106 = arith.constant 120 : i32
        %dma_wait3A_1107 = tpu.memref_slice %arg5[%dma_wait3A_1098, %dma_wait3A_1099, %dma_wait3A_1106] : memref<2x4x200xi32, #tpu.memory_space<vmem>> -> memref<1x1x40xi32, #tpu.memory_space<vmem>>
        %dma_wait3A_1108 = tpu.memref_squeeze %dma_wait3A_1107 : memref<1x1x40xi32, #tpu.memory_space<vmem>> -> memref<40xi32, #tpu.memory_space<vmem>>
        %dma_wait3A_1109 = arith.constant 0 : i32
        %dma_wait3A_1110 = arith.constant 0 : i32
        %dma_wait3A_1111 = tpu.memref_slice %arg3[%dma_wait3A_1109, %dma_wait3A_1110] : memref<1000000x32xf32, #tpu.memory_space<hbm>> -> memref<1000000x32xf32, #tpu.memory_space<hbm>>
        tpu.wait_indirect_dma semaphore(%arg10 : memref<!tpu.dma_semaphore, #tpu.memory_space<semaphore_mem>>) src(%dma_wait3A_1111 : memref<1000000x32xf32, #tpu.memory_space<hbm>>) dst(%dma_wait3A_1105 : memref<40x32xf32, #tpu.memory_space<vmem>>)
        %dma_wait3A_1112 = arith.constant 1 : i32
        %dma_wait3A_1113 = arith.constant 1 : i32
        %dma_wait3A_1114 = arith.constant 1 : i32
        %dma_wait3A_1115 = arith.constant 1 : i32
        %dma_wait3A_1116 = arith.constant 160 : i32
        %dma_wait3A_1117 = arith.constant 0 : i32
        %dma_wait3A_1118 = tpu.memref_slice %arg6[%dma_wait3A_1114, %dma_wait3A_1115, %dma_wait3A_1116, %dma_wait3A_1117] : memref<2x4x200x32xf32, #tpu.memory_space<vmem>> -> memref<1x1x40x32xf32, #tpu.memory_space<vmem>>
        %dma_wait3A_1119 = tpu.memref_squeeze %dma_wait3A_1118 : memref<1x1x40x32xf32, #tpu.memory_space<vmem>> -> memref<40x32xf32, #tpu.memory_space<vmem>>
        %dma_wait3A_1120 = arith.constant 160 : i32
        %dma_wait3A_1121 = tpu.memref_slice %arg5[%dma_wait3A_1112, %dma_wait3A_1113, %dma_wait3A_1120] : memref<2x4x200xi32, #tpu.memory_space<vmem>> -> memref<1x1x40xi32, #tpu.memory_space<vmem>>
        %dma_wait3A_1122 = tpu.memref_squeeze %dma_wait3A_1121 : memref<1x1x40xi32, #tpu.memory_space<vmem>> -> memref<40xi32, #tpu.memory_space<vmem>>
        %dma_wait3A_1123 = arith.constant 0 : i32
        %dma_wait3A_1124 = arith.constant 0 : i32
        %dma_wait3A_1125 = tpu.memref_slice %arg3[%dma_wait3A_1123, %dma_wait3A_1124] : memref<1000000x32xf32, #tpu.memory_space<hbm>> -> memref<1000000x32xf32, #tpu.memory_space<hbm>>
        tpu.wait_indirect_dma semaphore(%arg10 : memref<!tpu.dma_semaphore, #tpu.memory_space<semaphore_mem>>) src(%dma_wait3A_1125 : memref<1000000x32xf32, #tpu.memory_space<hbm>>) dst(%dma_wait3A_1119 : memref<40x32xf32, #tpu.memory_space<vmem>>)
        %dma_wait3A_1126 = arith.constant 1 : i32
        %dma_wait3A_1127 = arith.constant 2 : i32
        %dma_wait3A_1128 = arith.constant 1 : i32
        %dma_wait3A_1129 = arith.constant 2 : i32
        %dma_wait3A_1130 = arith.constant 0 : i32
        %dma_wait3A_1131 = arith.constant 0 : i32
        %dma_wait3A_1132 = tpu.memref_slice %arg6[%dma_wait3A_1128, %dma_wait3A_1129, %dma_wait3A_1130, %dma_wait3A_1131] : memref<2x4x200x32xf32, #tpu.memory_space<vmem>> -> memref<1x1x40x32xf32, #tpu.memory_space<vmem>>
        %dma_wait3A_1133 = tpu.memref_squeeze %dma_wait3A_1132 : memref<1x1x40x32xf32, #tpu.memory_space<vmem>> -> memref<40x32xf32, #tpu.memory_space<vmem>>
        %dma_wait3A_1134 = arith.constant 0 : i32
        %dma_wait3A_1135 = tpu.memref_slice %arg5[%dma_wait3A_1126, %dma_wait3A_1127, %dma_wait3A_1134] : memref<2x4x200xi32, #tpu.memory_space<vmem>> -> memref<1x1x40xi32, #tpu.memory_space<vmem>>
        %dma_wait3A_1136 = tpu.memref_squeeze %dma_wait3A_1135 : memref<1x1x40xi32, #tpu.memory_space<vmem>> -> memref<40xi32, #tpu.memory_space<vmem>>
        %dma_wait3A_1137 = arith.constant 0 : i32
        %dma_wait3A_1138 = arith.constant 0 : i32
        %dma_wait3A_1139 = tpu.memref_slice %arg3[%dma_wait3A_1137, %dma_wait3A_1138] : memref<1000000x32xf32, #tpu.memory_space<hbm>> -> memref<1000000x32xf32, #tpu.memory_space<hbm>>
        tpu.wait_indirect_dma semaphore(%arg10 : memref<!tpu.dma_semaphore, #tpu.memory_space<semaphore_mem>>) src(%dma_wait3A_1139 : memref<1000000x32xf32, #tpu.memory_space<hbm>>) dst(%dma_wait3A_1133 : memref<40x32xf32, #tpu.memory_space<vmem>>)
        %dma_wait3A_1140 = arith.constant 1 : i32
        %dma_wait3A_1141 = arith.constant 2 : i32
        %dma_wait3A_1142 = arith.constant 1 : i32
        %dma_wait3A_1143 = arith.constant 2 : i32
        %dma_wait3A_1144 = arith.constant 40 : i32
        %dma_wait3A_1145 = arith.constant 0 : i32
        %dma_wait3A_1146 = tpu.memref_slice %arg6[%dma_wait3A_1142, %dma_wait3A_1143, %dma_wait3A_1144, %dma_wait3A_1145] : memref<2x4x200x32xf32, #tpu.memory_space<vmem>> -> memref<1x1x40x32xf32, #tpu.memory_space<vmem>>
        %dma_wait3A_1147 = tpu.memref_squeeze %dma_wait3A_1146 : memref<1x1x40x32xf32, #tpu.memory_space<vmem>> -> memref<40x32xf32, #tpu.memory_space<vmem>>
        %dma_wait3A_1148 = arith.constant 40 : i32
        %dma_wait3A_1149 = tpu.memref_slice %arg5[%dma_wait3A_1140, %dma_wait3A_1141, %dma_wait3A_1148] : memref<2x4x200xi32, #tpu.memory_space<vmem>> -> memref<1x1x40xi32, #tpu.memory_space<vmem>>
        %dma_wait3A_1150 = tpu.memref_squeeze %dma_wait3A_1149 : memref<1x1x40xi32, #tpu.memory_space<vmem>> -> memref<40xi32, #tpu.memory_space<vmem>>
        %dma_wait3A_1151 = arith.constant 0 : i32
        %dma_wait3A_1152 = arith.constant 0 : i32
        %dma_wait3A_1153 = tpu.memref_slice %arg3[%dma_wait3A_1151, %dma_wait3A_1152] : memref<1000000x32xf32, #tpu.memory_space<hbm>> -> memref<1000000x32xf32, #tpu.memory_space<hbm>>
        tpu.wait_indirect_dma semaphore(%arg10 : memref<!tpu.dma_semaphore, #tpu.memory_space<semaphore_mem>>) src(%dma_wait3A_1153 : memref<1000000x32xf32, #tpu.memory_space<hbm>>) dst(%dma_wait3A_1147 : memref<40x32xf32, #tpu.memory_space<vmem>>)
        %dma_wait3A_1154 = arith.constant 1 : i32
        %dma_wait3A_1155 = arith.constant 2 : i32
        %dma_wait3A_1156 = arith.constant 1 : i32
        %dma_wait3A_1157 = arith.constant 2 : i32
        %dma_wait3A_1158 = arith.constant 80 : i32
        %dma_wait3A_1159 = arith.constant 0 : i32
        %dma_wait3A_1160 = tpu.memref_slice %arg6[%dma_wait3A_1156, %dma_wait3A_1157, %dma_wait3A_1158, %dma_wait3A_1159] : memref<2x4x200x32xf32, #tpu.memory_space<vmem>> -> memref<1x1x40x32xf32, #tpu.memory_space<vmem>>
        %dma_wait3A_1161 = tpu.memref_squeeze %dma_wait3A_1160 : memref<1x1x40x32xf32, #tpu.memory_space<vmem>> -> memref<40x32xf32, #tpu.memory_space<vmem>>
        %dma_wait3A_1162 = arith.constant 80 : i32
        %dma_wait3A_1163 = tpu.memref_slice %arg5[%dma_wait3A_1154, %dma_wait3A_1155, %dma_wait3A_1162] : memref<2x4x200xi32, #tpu.memory_space<vmem>> -> memref<1x1x40xi32, #tpu.memory_space<vmem>>
        %dma_wait3A_1164 = tpu.memref_squeeze %dma_wait3A_1163 : memref<1x1x40xi32, #tpu.memory_space<vmem>> -> memref<40xi32, #tpu.memory_space<vmem>>
        %dma_wait3A_1165 = arith.constant 0 : i32
        %dma_wait3A_1166 = arith.constant 0 : i32
        %dma_wait3A_1167 = tpu.memref_slice %arg3[%dma_wait3A_1165, %dma_wait3A_1166] : memref<1000000x32xf32, #tpu.memory_space<hbm>> -> memref<1000000x32xf32, #tpu.memory_space<hbm>>
        tpu.wait_indirect_dma semaphore(%arg10 : memref<!tpu.dma_semaphore, #tpu.memory_space<semaphore_mem>>) src(%dma_wait3A_1167 : memref<1000000x32xf32, #tpu.memory_space<hbm>>) dst(%dma_wait3A_1161 : memref<40x32xf32, #tpu.memory_space<vmem>>)
        %dma_wait3A_1168 = arith.constant 1 : i32
        %dma_wait3A_1169 = arith.constant 2 : i32
        %dma_wait3A_1170 = arith.constant 1 : i32
        %dma_wait3A_1171 = arith.constant 2 : i32
        %dma_wait3A_1172 = arith.constant 120 : i32
        %dma_wait3A_1173 = arith.constant 0 : i32
        %dma_wait3A_1174 = tpu.memref_slice %arg6[%dma_wait3A_1170, %dma_wait3A_1171, %dma_wait3A_1172, %dma_wait3A_1173] : memref<2x4x200x32xf32, #tpu.memory_space<vmem>> -> memref<1x1x40x32xf32, #tpu.memory_space<vmem>>
        %dma_wait3A_1175 = tpu.memref_squeeze %dma_wait3A_1174 : memref<1x1x40x32xf32, #tpu.memory_space<vmem>> -> memref<40x32xf32, #tpu.memory_space<vmem>>
        %dma_wait3A_1176 = arith.constant 120 : i32
        %dma_wait3A_1177 = tpu.memref_slice %arg5[%dma_wait3A_1168, %dma_wait3A_1169, %dma_wait3A_1176] : memref<2x4x200xi32, #tpu.memory_space<vmem>> -> memref<1x1x40xi32, #tpu.memory_space<vmem>>
        %dma_wait3A_1178 = tpu.memref_squeeze %dma_wait3A_1177 : memref<1x1x40xi32, #tpu.memory_space<vmem>> -> memref<40xi32, #tpu.memory_space<vmem>>
        %dma_wait3A_1179 = arith.constant 0 : i32
        %dma_wait3A_1180 = arith.constant 0 : i32
        %dma_wait3A_1181 = tpu.memref_slice %arg3[%dma_wait3A_1179, %dma_wait3A_1180] : memref<1000000x32xf32, #tpu.memory_space<hbm>> -> memref<1000000x32xf32, #tpu.memory_space<hbm>>
        tpu.wait_indirect_dma semaphore(%arg10 : memref<!tpu.dma_semaphore, #tpu.memory_space<semaphore_mem>>) src(%dma_wait3A_1181 : memref<1000000x32xf32, #tpu.memory_space<hbm>>) dst(%dma_wait3A_1175 : memref<40x32xf32, #tpu.memory_space<vmem>>)
        %dma_wait3A_1182 = arith.constant 1 : i32
        %dma_wait3A_1183 = arith.constant 2 : i32
        %dma_wait3A_1184 = arith.constant 1 : i32
        %dma_wait3A_1185 = arith.constant 2 : i32
        %dma_wait3A_1186 = arith.constant 160 : i32
        %dma_wait3A_1187 = arith.constant 0 : i32
        %dma_wait3A_1188 = tpu.memref_slice %arg6[%dma_wait3A_1184, %dma_wait3A_1185, %dma_wait3A_1186, %dma_wait3A_1187] : memref<2x4x200x32xf32, #tpu.memory_space<vmem>> -> memref<1x1x40x32xf32, #tpu.memory_space<vmem>>
        %dma_wait3A_1189 = tpu.memref_squeeze %dma_wait3A_1188 : memref<1x1x40x32xf32, #tpu.memory_space<vmem>> -> memref<40x32xf32, #tpu.memory_space<vmem>>
        %dma_wait3A_1190 = arith.constant 160 : i32
        %dma_wait3A_1191 = tpu.memref_slice %arg5[%dma_wait3A_1182, %dma_wait3A_1183, %dma_wait3A_1190] : memref<2x4x200xi32, #tpu.memory_space<vmem>> -> memref<1x1x40xi32, #tpu.memory_space<vmem>>
        %dma_wait3A_1192 = tpu.memref_squeeze %dma_wait3A_1191 : memref<1x1x40xi32, #tpu.memory_space<vmem>> -> memref<40xi32, #tpu.memory_space<vmem>>
        %dma_wait3A_1193 = arith.constant 0 : i32
        %dma_wait3A_1194 = arith.constant 0 : i32
        %dma_wait3A_1195 = tpu.memref_slice %arg3[%dma_wait3A_1193, %dma_wait3A_1194] : memref<1000000x32xf32, #tpu.memory_space<hbm>> -> memref<1000000x32xf32, #tpu.memory_space<hbm>>
        tpu.wait_indirect_dma semaphore(%arg10 : memref<!tpu.dma_semaphore, #tpu.memory_space<semaphore_mem>>) src(%dma_wait3A_1195 : memref<1000000x32xf32, #tpu.memory_space<hbm>>) dst(%dma_wait3A_1189 : memref<40x32xf32, #tpu.memory_space<vmem>>)
        %dma_wait3A_1196 = arith.constant 1 : i32
        %dma_wait3A_1197 = arith.constant 3 : i32
        %dma_wait3A_1198 = arith.constant 1 : i32
        %dma_wait3A_1199 = arith.constant 3 : i32
        %dma_wait3A_1200 = arith.constant 0 : i32
        %dma_wait3A_1201 = arith.constant 0 : i32
        %dma_wait3A_1202 = tpu.memref_slice %arg6[%dma_wait3A_1198, %dma_wait3A_1199, %dma_wait3A_1200, %dma_wait3A_1201] : memref<2x4x200x32xf32, #tpu.memory_space<vmem>> -> memref<1x1x40x32xf32, #tpu.memory_space<vmem>>
        %dma_wait3A_1203 = tpu.memref_squeeze %dma_wait3A_1202 : memref<1x1x40x32xf32, #tpu.memory_space<vmem>> -> memref<40x32xf32, #tpu.memory_space<vmem>>
        %dma_wait3A_1204 = arith.constant 0 : i32
        %dma_wait3A_1205 = tpu.memref_slice %arg5[%dma_wait3A_1196, %dma_wait3A_1197, %dma_wait3A_1204] : memref<2x4x200xi32, #tpu.memory_space<vmem>> -> memref<1x1x40xi32, #tpu.memory_space<vmem>>
        %dma_wait3A_1206 = tpu.memref_squeeze %dma_wait3A_1205 : memref<1x1x40xi32, #tpu.memory_space<vmem>> -> memref<40xi32, #tpu.memory_space<vmem>>
        %dma_wait3A_1207 = arith.constant 0 : i32
        %dma_wait3A_1208 = arith.constant 0 : i32
        %dma_wait3A_1209 = tpu.memref_slice %arg3[%dma_wait3A_1207, %dma_wait3A_1208] : memref<1000000x32xf32, #tpu.memory_space<hbm>> -> memref<1000000x32xf32, #tpu.memory_space<hbm>>
        tpu.wait_indirect_dma semaphore(%arg10 : memref<!tpu.dma_semaphore, #tpu.memory_space<semaphore_mem>>) src(%dma_wait3A_1209 : memref<1000000x32xf32, #tpu.memory_space<hbm>>) dst(%dma_wait3A_1203 : memref<40x32xf32, #tpu.memory_space<vmem>>)
        %dma_wait3A_1210 = arith.constant 1 : i32
        %dma_wait3A_1211 = arith.constant 3 : i32
        %dma_wait3A_1212 = arith.constant 1 : i32
        %dma_wait3A_1213 = arith.constant 3 : i32
        %dma_wait3A_1214 = arith.constant 40 : i32
        %dma_wait3A_1215 = arith.constant 0 : i32
        %dma_wait3A_1216 = tpu.memref_slice %arg6[%dma_wait3A_1212, %dma_wait3A_1213, %dma_wait3A_1214, %dma_wait3A_1215] : memref<2x4x200x32xf32, #tpu.memory_space<vmem>> -> memref<1x1x40x32xf32, #tpu.memory_space<vmem>>
        %dma_wait3A_1217 = tpu.memref_squeeze %dma_wait3A_1216 : memref<1x1x40x32xf32, #tpu.memory_space<vmem>> -> memref<40x32xf32, #tpu.memory_space<vmem>>
        %dma_wait3A_1218 = arith.constant 40 : i32
        %dma_wait3A_1219 = tpu.memref_slice %arg5[%dma_wait3A_1210, %dma_wait3A_1211, %dma_wait3A_1218] : memref<2x4x200xi32, #tpu.memory_space<vmem>> -> memref<1x1x40xi32, #tpu.memory_space<vmem>>
        %dma_wait3A_1220 = tpu.memref_squeeze %dma_wait3A_1219 : memref<1x1x40xi32, #tpu.memory_space<vmem>> -> memref<40xi32, #tpu.memory_space<vmem>>
        %dma_wait3A_1221 = arith.constant 0 : i32
        %dma_wait3A_1222 = arith.constant 0 : i32
        %dma_wait3A_1223 = tpu.memref_slice %arg3[%dma_wait3A_1221, %dma_wait3A_1222] : memref<1000000x32xf32, #tpu.memory_space<hbm>> -> memref<1000000x32xf32, #tpu.memory_space<hbm>>
        tpu.wait_indirect_dma semaphore(%arg10 : memref<!tpu.dma_semaphore, #tpu.memory_space<semaphore_mem>>) src(%dma_wait3A_1223 : memref<1000000x32xf32, #tpu.memory_space<hbm>>) dst(%dma_wait3A_1217 : memref<40x32xf32, #tpu.memory_space<vmem>>)
        %dma_wait3A_1224 = arith.constant 1 : i32
        %dma_wait3A_1225 = arith.constant 3 : i32
        %dma_wait3A_1226 = arith.constant 1 : i32
        %dma_wait3A_1227 = arith.constant 3 : i32
        %dma_wait3A_1228 = arith.constant 80 : i32
        %dma_wait3A_1229 = arith.constant 0 : i32
        %dma_wait3A_1230 = tpu.memref_slice %arg6[%dma_wait3A_1226, %dma_wait3A_1227, %dma_wait3A_1228, %dma_wait3A_1229] : memref<2x4x200x32xf32, #tpu.memory_space<vmem>> -> memref<1x1x40x32xf32, #tpu.memory_space<vmem>>
        %dma_wait3A_1231 = tpu.memref_squeeze %dma_wait3A_1230 : memref<1x1x40x32xf32, #tpu.memory_space<vmem>> -> memref<40x32xf32, #tpu.memory_space<vmem>>
        %dma_wait3A_1232 = arith.constant 80 : i32
        %dma_wait3A_1233 = tpu.memref_slice %arg5[%dma_wait3A_1224, %dma_wait3A_1225, %dma_wait3A_1232] : memref<2x4x200xi32, #tpu.memory_space<vmem>> -> memref<1x1x40xi32, #tpu.memory_space<vmem>>
        %dma_wait3A_1234 = tpu.memref_squeeze %dma_wait3A_1233 : memref<1x1x40xi32, #tpu.memory_space<vmem>> -> memref<40xi32, #tpu.memory_space<vmem>>
        %dma_wait3A_1235 = arith.constant 0 : i32
        %dma_wait3A_1236 = arith.constant 0 : i32
        %dma_wait3A_1237 = tpu.memref_slice %arg3[%dma_wait3A_1235, %dma_wait3A_1236] : memref<1000000x32xf32, #tpu.memory_space<hbm>> -> memref<1000000x32xf32, #tpu.memory_space<hbm>>
        tpu.wait_indirect_dma semaphore(%arg10 : memref<!tpu.dma_semaphore, #tpu.memory_space<semaphore_mem>>) src(%dma_wait3A_1237 : memref<1000000x32xf32, #tpu.memory_space<hbm>>) dst(%dma_wait3A_1231 : memref<40x32xf32, #tpu.memory_space<vmem>>)
        %dma_wait3A_1238 = arith.constant 1 : i32
        %dma_wait3A_1239 = arith.constant 3 : i32
        %dma_wait3A_1240 = arith.constant 1 : i32
        %dma_wait3A_1241 = arith.constant 3 : i32
        %dma_wait3A_1242 = arith.constant 120 : i32
        %dma_wait3A_1243 = arith.constant 0 : i32
        %dma_wait3A_1244 = tpu.memref_slice %arg6[%dma_wait3A_1240, %dma_wait3A_1241, %dma_wait3A_1242, %dma_wait3A_1243] : memref<2x4x200x32xf32, #tpu.memory_space<vmem>> -> memref<1x1x40x32xf32, #tpu.memory_space<vmem>>
        %dma_wait3A_1245 = tpu.memref_squeeze %dma_wait3A_1244 : memref<1x1x40x32xf32, #tpu.memory_space<vmem>> -> memref<40x32xf32, #tpu.memory_space<vmem>>
        %dma_wait3A_1246 = arith.constant 120 : i32
        %dma_wait3A_1247 = tpu.memref_slice %arg5[%dma_wait3A_1238, %dma_wait3A_1239, %dma_wait3A_1246] : memref<2x4x200xi32, #tpu.memory_space<vmem>> -> memref<1x1x40xi32, #tpu.memory_space<vmem>>
        %dma_wait3A_1248 = tpu.memref_squeeze %dma_wait3A_1247 : memref<1x1x40xi32, #tpu.memory_space<vmem>> -> memref<40xi32, #tpu.memory_space<vmem>>
        %dma_wait3A_1249 = arith.constant 0 : i32
        %dma_wait3A_1250 = arith.constant 0 : i32
        %dma_wait3A_1251 = tpu.memref_slice %arg3[%dma_wait3A_1249, %dma_wait3A_1250] : memref<1000000x32xf32, #tpu.memory_space<hbm>> -> memref<1000000x32xf32, #tpu.memory_space<hbm>>
        tpu.wait_indirect_dma semaphore(%arg10 : memref<!tpu.dma_semaphore, #tpu.memory_space<semaphore_mem>>) src(%dma_wait3A_1251 : memref<1000000x32xf32, #tpu.memory_space<hbm>>) dst(%dma_wait3A_1245 : memref<40x32xf32, #tpu.memory_space<vmem>>)
        %dma_wait3A_1252 = arith.constant 1 : i32
        %dma_wait3A_1253 = arith.constant 3 : i32
        %dma_wait3A_1254 = arith.constant 1 : i32
        %dma_wait3A_1255 = arith.constant 3 : i32
        %dma_wait3A_1256 = arith.constant 160 : i32
        %dma_wait3A_1257 = arith.constant 0 : i32
        %dma_wait3A_1258 = tpu.memref_slice %arg6[%dma_wait3A_1254, %dma_wait3A_1255, %dma_wait3A_1256, %dma_wait3A_1257] : memref<2x4x200x32xf32, #tpu.memory_space<vmem>> -> memref<1x1x40x32xf32, #tpu.memory_space<vmem>>
        %dma_wait3A_1259 = tpu.memref_squeeze %dma_wait3A_1258 : memref<1x1x40x32xf32, #tpu.memory_space<vmem>> -> memref<40x32xf32, #tpu.memory_space<vmem>>
        %dma_wait3A_1260 = arith.constant 160 : i32
        %dma_wait3A_1261 = tpu.memref_slice %arg5[%dma_wait3A_1252, %dma_wait3A_1253, %dma_wait3A_1260] : memref<2x4x200xi32, #tpu.memory_space<vmem>> -> memref<1x1x40xi32, #tpu.memory_space<vmem>>
        %dma_wait3A_1262 = tpu.memref_squeeze %dma_wait3A_1261 : memref<1x1x40xi32, #tpu.memory_space<vmem>> -> memref<40xi32, #tpu.memory_space<vmem>>
        %dma_wait3A_1263 = arith.constant 0 : i32
        %dma_wait3A_1264 = arith.constant 0 : i32
        %dma_wait3A_1265 = tpu.memref_slice %arg3[%dma_wait3A_1263, %dma_wait3A_1264] : memref<1000000x32xf32, #tpu.memory_space<hbm>> -> memref<1000000x32xf32, #tpu.memory_space<hbm>>
        tpu.wait_indirect_dma semaphore(%arg10 : memref<!tpu.dma_semaphore, #tpu.memory_space<semaphore_mem>>) src(%dma_wait3A_1265 : memref<1000000x32xf32, #tpu.memory_space<hbm>>) dst(%dma_wait3A_1259 : memref<40x32xf32, #tpu.memory_space<vmem>>)
        %sub3A = arith.constant 1 : i32
        %sub3A_1266 = arith.subi %add3A_363, %sub3A : i32
        %mul3A_1267 = arith.constant 4 : i32
        %mul3A_1268 = arith.muli %sub3A_1266, %mul3A_1267 : i32
        %add3A_1269 = arith.addi %mul3A_2, %mul3A_1268 : i32
        %dma_start3A_1270 = arith.constant 1 : i32
        %dma_start3A_1271 = arith.constant 0 : i32
        %dma_start3A_1272 = arith.constant 0 : i32
        %dma_start3A_1273 = arith.constant 0 : i32
        %dma_start3A_1274 = tpu.memref_slice %arg6[%dma_start3A_1270, %dma_start3A_1271, %dma_start3A_1272, %dma_start3A_1273] : memref<2x4x200x32xf32, #tpu.memory_space<vmem>> -> memref<1x4x200x32xf32, #tpu.memory_space<vmem>>
        %dma_start3A_1275 = tpu.memref_squeeze %dma_start3A_1274 : memref<1x4x200x32xf32, #tpu.memory_space<vmem>> -> memref<4x200x32xf32, #tpu.memory_space<vmem>>
        %dma_start3A_1276 = arith.constant 0 : i32
        %dma_start3A_1277 = arith.constant 0 : i32
        %dma_start3A_1278 = tpu.memref_slice %arg4[%add3A_1269, %dma_start3A_1276, %dma_start3A_1277] : memref<16384x200x32xf32, #tpu.memory_space<hbm>> -> memref<4x200x32xf32, #tpu.memory_space<hbm>>
        %dma_start3A_1279 = arith.constant 0 : i32
        %dma_start3A_1280 = arith.constant 0 : i32
        %dma_start3A_1281 = tpu.memref_slice %arg4[%add3A_1269, %dma_start3A_1279, %dma_start3A_1280] : memref<16384x200x32xf32, #tpu.memory_space<hbm>> -> memref<4x200x32xf32, #tpu.memory_space<hbm>>
        %dma_start3A_1282 = arith.constant 0 : i32
        %dma_start3A_1283 = arith.constant 0 : i32
        %dma_start3A_1284 = arith.constant 0 : i32
        %dma_start3A_1285 = tpu.memref_slice %arg6[%dma_start3A_1270, %dma_start3A_1282, %dma_start3A_1283, %dma_start3A_1284] : memref<2x4x200x32xf32, #tpu.memory_space<vmem>> -> memref<1x4x200x32xf32, #tpu.memory_space<vmem>>
        %dma_start3A_1286 = tpu.memref_squeeze %dma_start3A_1285 : memref<1x4x200x32xf32, #tpu.memory_space<vmem>> -> memref<4x200x32xf32, #tpu.memory_space<vmem>>
        tpu.enqueue_dma source(%dma_start3A_1286 : memref<4x200x32xf32, #tpu.memory_space<vmem>>) target(%dma_start3A_1281 : memref<4x200x32xf32, #tpu.memory_space<hbm>>) target_semaphore(%arg12 : memref<!tpu.dma_semaphore, #tpu.memory_space<semaphore_mem>>)
      } else {
      }
      %add3A_666 = arith.constant 1 : i32
      %add3A_667 = arith.addi %add3A_363, %add3A_666 : i32
      %lt3A = arith.constant 128 : i32
      %lt3A_668 = arith.cmpi slt, %add3A_667, %lt3A : i32
      %convert_element_type3A_669 = arith.extui %lt3A_668 : i1 to i32
      %cond3A_670 = arith.constant 0 : i32
      %cond3A_671 = arith.cmpi ne, %convert_element_type3A_669, %cond3A_670 : i32
      scf.if %cond3A_671 {
        %add3A_986 = arith.constant 1 : i32
        %add3A_987 = arith.addi %add3A_363, %add3A_986 : i32
        %mul3A_988 = arith.constant 4 : i32
        %mul3A_989 = arith.muli %add3A_987, %mul3A_988 : i32
        %add3A_990 = arith.addi %mul3A_2, %mul3A_989 : i32
        %dma_start3A_991 = arith.constant 1 : i32
        %dma_start3A_992 = arith.constant 0 : i32
        %dma_start3A_993 = arith.constant 0 : i32
        %dma_start3A_994 = tpu.memref_slice %arg5[%dma_start3A_991, %dma_start3A_992, %dma_start3A_993] : memref<2x4x200xi32, #tpu.memory_space<vmem>> -> memref<1x4x200xi32, #tpu.memory_space<vmem>>
        %dma_start3A_995 = tpu.memref_squeeze %dma_start3A_994 : memref<1x4x200xi32, #tpu.memory_space<vmem>> -> memref<4x200xi32, #tpu.memory_space<vmem>>
        %dma_start3A_996 = arith.constant 0 : i32
        %dma_start3A_997 = tpu.memref_slice %arg2[%add3A_990, %dma_start3A_996] : memref<16384x200xi32, #tpu.memory_space<hbm>> -> memref<4x200xi32, #tpu.memory_space<hbm>>
        %dma_start3A_998 = arith.constant 0 : i32
        %dma_start3A_999 = arith.constant 0 : i32
        %dma_start3A_1000 = tpu.memref_slice %arg5[%dma_start3A_991, %dma_start3A_998, %dma_start3A_999] : memref<2x4x200xi32, #tpu.memory_space<vmem>> -> memref<1x4x200xi32, #tpu.memory_space<vmem>>
        %dma_start3A_1001 = tpu.memref_squeeze %dma_start3A_1000 : memref<1x4x200xi32, #tpu.memory_space<vmem>> -> memref<4x200xi32, #tpu.memory_space<vmem>>
        %dma_start3A_1002 = arith.constant 0 : i32
        %dma_start3A_1003 = tpu.memref_slice %arg2[%add3A_990, %dma_start3A_1002] : memref<16384x200xi32, #tpu.memory_space<hbm>> -> memref<4x200xi32, #tpu.memory_space<hbm>>
        tpu.enqueue_dma source(%dma_start3A_1003 : memref<4x200xi32, #tpu.memory_space<hbm>>) target(%dma_start3A_1001 : memref<4x200xi32, #tpu.memory_space<vmem>>) target_semaphore(%arg8 : memref<!tpu.dma_semaphore, #tpu.memory_space<semaphore_mem>>)
      } else {
      }
      %add3A_672 = arith.constant 1 : i32
      %add3A_673 = arith.addi %add3A_361, %add3A_672 : i32
      %add3A_674 = arith.constant 0 : i32
      %add3A_675 = arith.addi %mul3A_2, %add3A_674 : i32
      %dma_wait3A_676 = arith.constant 1 : i32
      %dma_wait3A_677 = arith.constant 0 : i32
      %dma_wait3A_678 = arith.constant 0 : i32
      %dma_wait3A_679 = tpu.memref_slice %arg5[%dma_wait3A_676, %dma_wait3A_677, %dma_wait3A_678] : memref<2x4x200xi32, #tpu.memory_space<vmem>> -> memref<1x4x200xi32, #tpu.memory_space<vmem>>
      %dma_wait3A_680 = tpu.memref_squeeze %dma_wait3A_679 : memref<1x4x200xi32, #tpu.memory_space<vmem>> -> memref<4x200xi32, #tpu.memory_space<vmem>>
      %dma_wait3A_681 = arith.constant 0 : i32
      %dma_wait3A_682 = tpu.memref_slice %arg2[%add3A_675, %dma_wait3A_681] : memref<16384x200xi32, #tpu.memory_space<hbm>> -> memref<4x200xi32, #tpu.memory_space<hbm>>
      %dma_wait3A_683 = arith.constant 0 : i32
      %dma_wait3A_684 = arith.constant 0 : i32
      %dma_wait3A_685 = tpu.memref_slice %arg5[%dma_wait3A_676, %dma_wait3A_683, %dma_wait3A_684] : memref<2x4x200xi32, #tpu.memory_space<vmem>> -> memref<1x4x200xi32, #tpu.memory_space<vmem>>
      %dma_wait3A_686 = tpu.memref_squeeze %dma_wait3A_685 : memref<1x4x200xi32, #tpu.memory_space<vmem>> -> memref<4x200xi32, #tpu.memory_space<vmem>>
      %dma_wait3A_687 = arith.constant 0 : i32
      %dma_wait3A_688 = tpu.memref_slice %arg2[%add3A_675, %dma_wait3A_687] : memref<16384x200xi32, #tpu.memory_space<hbm>> -> memref<4x200xi32, #tpu.memory_space<hbm>>
      tpu.wait_dma2 semaphore(%arg8 : memref<!tpu.dma_semaphore, #tpu.memory_space<semaphore_mem>>) src(%dma_wait3A_688 : memref<4x200xi32, #tpu.memory_space<hbm>>) dst(%dma_wait3A_686 : memref<4x200xi32, #tpu.memory_space<vmem>>)
      %ge3A_689 = arith.constant 2 : i32
      %ge3A_690 = arith.cmpi sge, %add3A_673, %ge3A_689 : i32
      %convert_element_type3A_691 = arith.extui %ge3A_690 : i1 to i32
      %cond3A_692 = arith.constant 0 : i32
      %cond3A_693 = arith.cmpi ne, %convert_element_type3A_691, %cond3A_692 : i32
      scf.if %cond3A_693 {
        %add3A_986 = arith.constant 0 : i32
        %add3A_987 = arith.addi %mul3A_2, %add3A_986 : i32
        %dma_wait3A_988 = arith.constant 1 : i32
        %dma_wait3A_989 = arith.constant 0 : i32
        %dma_wait3A_990 = arith.constant 0 : i32
        %dma_wait3A_991 = arith.constant 0 : i32
        %dma_wait3A_992 = tpu.memref_slice %arg6[%dma_wait3A_988, %dma_wait3A_989, %dma_wait3A_990, %dma_wait3A_991] : memref<2x4x200x32xf32, #tpu.memory_space<vmem>> -> memref<1x4x200x32xf32, #tpu.memory_space<vmem>>
        %dma_wait3A_993 = tpu.memref_squeeze %dma_wait3A_992 : memref<1x4x200x32xf32, #tpu.memory_space<vmem>> -> memref<4x200x32xf32, #tpu.memory_space<vmem>>
        %dma_wait3A_994 = arith.constant 0 : i32
        %dma_wait3A_995 = arith.constant 0 : i32
        %dma_wait3A_996 = tpu.memref_slice %arg4[%add3A_987, %dma_wait3A_994, %dma_wait3A_995] : memref<16384x200x32xf32, #tpu.memory_space<hbm>> -> memref<4x200x32xf32, #tpu.memory_space<hbm>>
        %dma_wait3A_997 = arith.constant 0 : i32
        %dma_wait3A_998 = arith.constant 0 : i32
        %dma_wait3A_999 = tpu.memref_slice %arg4[%add3A_987, %dma_wait3A_997, %dma_wait3A_998] : memref<16384x200x32xf32, #tpu.memory_space<hbm>> -> memref<4x200x32xf32, #tpu.memory_space<hbm>>
        %dma_wait3A_1000 = arith.constant 0 : i32
        %dma_wait3A_1001 = arith.constant 0 : i32
        %dma_wait3A_1002 = arith.constant 0 : i32
        %dma_wait3A_1003 = tpu.memref_slice %arg6[%dma_wait3A_988, %dma_wait3A_1000, %dma_wait3A_1001, %dma_wait3A_1002] : memref<2x4x200x32xf32, #tpu.memory_space<vmem>> -> memref<1x4x200x32xf32, #tpu.memory_space<vmem>>
        %dma_wait3A_1004 = tpu.memref_squeeze %dma_wait3A_1003 : memref<1x4x200x32xf32, #tpu.memory_space<vmem>> -> memref<4x200x32xf32, #tpu.memory_space<vmem>>
        tpu.wait_dma2 semaphore(%arg12 : memref<!tpu.dma_semaphore, #tpu.memory_space<semaphore_mem>>) src(%dma_wait3A_1004 : memref<4x200x32xf32, #tpu.memory_space<vmem>>) dst(%dma_wait3A_999 : memref<4x200x32xf32, #tpu.memory_space<hbm>>)
      } else {
      }
      %dma_start3A_694 = arith.constant 1 : i32
      %dma_start3A_695 = arith.constant 0 : i32
      %dma_start3A_696 = arith.constant 1 : i32
      %dma_start3A_697 = arith.constant 0 : i32
      %dma_start3A_698 = arith.constant 0 : i32
      %dma_start3A_699 = arith.constant 0 : i32
      %dma_start3A_700 = tpu.memref_slice %arg6[%dma_start3A_696, %dma_start3A_697, %dma_start3A_698, %dma_start3A_699] : memref<2x4x200x32xf32, #tpu.memory_space<vmem>> -> memref<1x1x40x32xf32, #tpu.memory_space<vmem>>
      %dma_start3A_701 = tpu.memref_squeeze %dma_start3A_700 : memref<1x1x40x32xf32, #tpu.memory_space<vmem>> -> memref<40x32xf32, #tpu.memory_space<vmem>>
      %dma_start3A_702 = arith.constant 0 : i32
      %dma_start3A_703 = tpu.memref_slice %arg5[%dma_start3A_694, %dma_start3A_695, %dma_start3A_702] : memref<2x4x200xi32, #tpu.memory_space<vmem>> -> memref<1x1x40xi32, #tpu.memory_space<vmem>>
      %dma_start3A_704 = tpu.memref_squeeze %dma_start3A_703 : memref<1x1x40xi32, #tpu.memory_space<vmem>> -> memref<40xi32, #tpu.memory_space<vmem>>
      %dma_start3A_705 = arith.constant 0 : i32
      %dma_start3A_706 = arith.constant 0 : i32
      %dma_start3A_707 = tpu.memref_slice %arg3[%dma_start3A_705, %dma_start3A_706] : memref<1000000x32xf32, #tpu.memory_space<hbm>> -> memref<1000000x32xf32, #tpu.memory_space<hbm>>
      tpu.enqueue_indirect_dma source(%dma_start3A_707 : memref<1000000x32xf32, #tpu.memory_space<hbm>>) target(%dma_start3A_701 : memref<40x32xf32, #tpu.memory_space<vmem>>) offsets(%dma_start3A_704 : memref<40xi32, #tpu.memory_space<vmem>>) semaphore(%arg10 : memref<!tpu.dma_semaphore, #tpu.memory_space<semaphore_mem>>)
      %dma_start3A_708 = arith.constant 1 : i32
      %dma_start3A_709 = arith.constant 0 : i32
      %dma_start3A_710 = arith.constant 1 : i32
      %dma_start3A_711 = arith.constant 0 : i32
      %dma_start3A_712 = arith.constant 40 : i32
      %dma_start3A_713 = arith.constant 0 : i32
      %dma_start3A_714 = tpu.memref_slice %arg6[%dma_start3A_710, %dma_start3A_711, %dma_start3A_712, %dma_start3A_713] : memref<2x4x200x32xf32, #tpu.memory_space<vmem>> -> memref<1x1x40x32xf32, #tpu.memory_space<vmem>>
      %dma_start3A_715 = tpu.memref_squeeze %dma_start3A_714 : memref<1x1x40x32xf32, #tpu.memory_space<vmem>> -> memref<40x32xf32, #tpu.memory_space<vmem>>
      %dma_start3A_716 = arith.constant 40 : i32
      %dma_start3A_717 = tpu.memref_slice %arg5[%dma_start3A_708, %dma_start3A_709, %dma_start3A_716] : memref<2x4x200xi32, #tpu.memory_space<vmem>> -> memref<1x1x40xi32, #tpu.memory_space<vmem>>
      %dma_start3A_718 = tpu.memref_squeeze %dma_start3A_717 : memref<1x1x40xi32, #tpu.memory_space<vmem>> -> memref<40xi32, #tpu.memory_space<vmem>>
      %dma_start3A_719 = arith.constant 0 : i32
      %dma_start3A_720 = arith.constant 0 : i32
      %dma_start3A_721 = tpu.memref_slice %arg3[%dma_start3A_719, %dma_start3A_720] : memref<1000000x32xf32, #tpu.memory_space<hbm>> -> memref<1000000x32xf32, #tpu.memory_space<hbm>>
      tpu.enqueue_indirect_dma source(%dma_start3A_721 : memref<1000000x32xf32, #tpu.memory_space<hbm>>) target(%dma_start3A_715 : memref<40x32xf32, #tpu.memory_space<vmem>>) offsets(%dma_start3A_718 : memref<40xi32, #tpu.memory_space<vmem>>) semaphore(%arg10 : memref<!tpu.dma_semaphore, #tpu.memory_space<semaphore_mem>>)
      %dma_start3A_722 = arith.constant 1 : i32
      %dma_start3A_723 = arith.constant 0 : i32
      %dma_start3A_724 = arith.constant 1 : i32
      %dma_start3A_725 = arith.constant 0 : i32
      %dma_start3A_726 = arith.constant 80 : i32
      %dma_start3A_727 = arith.constant 0 : i32
      %dma_start3A_728 = tpu.memref_slice %arg6[%dma_start3A_724, %dma_start3A_725, %dma_start3A_726, %dma_start3A_727] : memref<2x4x200x32xf32, #tpu.memory_space<vmem>> -> memref<1x1x40x32xf32, #tpu.memory_space<vmem>>
      %dma_start3A_729 = tpu.memref_squeeze %dma_start3A_728 : memref<1x1x40x32xf32, #tpu.memory_space<vmem>> -> memref<40x32xf32, #tpu.memory_space<vmem>>
      %dma_start3A_730 = arith.constant 80 : i32
      %dma_start3A_731 = tpu.memref_slice %arg5[%dma_start3A_722, %dma_start3A_723, %dma_start3A_730] : memref<2x4x200xi32, #tpu.memory_space<vmem>> -> memref<1x1x40xi32, #tpu.memory_space<vmem>>
      %dma_start3A_732 = tpu.memref_squeeze %dma_start3A_731 : memref<1x1x40xi32, #tpu.memory_space<vmem>> -> memref<40xi32, #tpu.memory_space<vmem>>
      %dma_start3A_733 = arith.constant 0 : i32
      %dma_start3A_734 = arith.constant 0 : i32
      %dma_start3A_735 = tpu.memref_slice %arg3[%dma_start3A_733, %dma_start3A_734] : memref<1000000x32xf32, #tpu.memory_space<hbm>> -> memref<1000000x32xf32, #tpu.memory_space<hbm>>
      tpu.enqueue_indirect_dma source(%dma_start3A_735 : memref<1000000x32xf32, #tpu.memory_space<hbm>>) target(%dma_start3A_729 : memref<40x32xf32, #tpu.memory_space<vmem>>) offsets(%dma_start3A_732 : memref<40xi32, #tpu.memory_space<vmem>>) semaphore(%arg10 : memref<!tpu.dma_semaphore, #tpu.memory_space<semaphore_mem>>)
      %dma_start3A_736 = arith.constant 1 : i32
      %dma_start3A_737 = arith.constant 0 : i32
      %dma_start3A_738 = arith.constant 1 : i32
      %dma_start3A_739 = arith.constant 0 : i32
      %dma_start3A_740 = arith.constant 120 : i32
      %dma_start3A_741 = arith.constant 0 : i32
      %dma_start3A_742 = tpu.memref_slice %arg6[%dma_start3A_738, %dma_start3A_739, %dma_start3A_740, %dma_start3A_741] : memref<2x4x200x32xf32, #tpu.memory_space<vmem>> -> memref<1x1x40x32xf32, #tpu.memory_space<vmem>>
      %dma_start3A_743 = tpu.memref_squeeze %dma_start3A_742 : memref<1x1x40x32xf32, #tpu.memory_space<vmem>> -> memref<40x32xf32, #tpu.memory_space<vmem>>
      %dma_start3A_744 = arith.constant 120 : i32
      %dma_start3A_745 = tpu.memref_slice %arg5[%dma_start3A_736, %dma_start3A_737, %dma_start3A_744] : memref<2x4x200xi32, #tpu.memory_space<vmem>> -> memref<1x1x40xi32, #tpu.memory_space<vmem>>
      %dma_start3A_746 = tpu.memref_squeeze %dma_start3A_745 : memref<1x1x40xi32, #tpu.memory_space<vmem>> -> memref<40xi32, #tpu.memory_space<vmem>>
      %dma_start3A_747 = arith.constant 0 : i32
      %dma_start3A_748 = arith.constant 0 : i32
      %dma_start3A_749 = tpu.memref_slice %arg3[%dma_start3A_747, %dma_start3A_748] : memref<1000000x32xf32, #tpu.memory_space<hbm>> -> memref<1000000x32xf32, #tpu.memory_space<hbm>>
      tpu.enqueue_indirect_dma source(%dma_start3A_749 : memref<1000000x32xf32, #tpu.memory_space<hbm>>) target(%dma_start3A_743 : memref<40x32xf32, #tpu.memory_space<vmem>>) offsets(%dma_start3A_746 : memref<40xi32, #tpu.memory_space<vmem>>) semaphore(%arg10 : memref<!tpu.dma_semaphore, #tpu.memory_space<semaphore_mem>>)
      %dma_start3A_750 = arith.constant 1 : i32
      %dma_start3A_751 = arith.constant 0 : i32
      %dma_start3A_752 = arith.constant 1 : i32
      %dma_start3A_753 = arith.constant 0 : i32
      %dma_start3A_754 = arith.constant 160 : i32
      %dma_start3A_755 = arith.constant 0 : i32
      %dma_start3A_756 = tpu.memref_slice %arg6[%dma_start3A_752, %dma_start3A_753, %dma_start3A_754, %dma_start3A_755] : memref<2x4x200x32xf32, #tpu.memory_space<vmem>> -> memref<1x1x40x32xf32, #tpu.memory_space<vmem>>
      %dma_start3A_757 = tpu.memref_squeeze %dma_start3A_756 : memref<1x1x40x32xf32, #tpu.memory_space<vmem>> -> memref<40x32xf32, #tpu.memory_space<vmem>>
      %dma_start3A_758 = arith.constant 160 : i32
      %dma_start3A_759 = tpu.memref_slice %arg5[%dma_start3A_750, %dma_start3A_751, %dma_start3A_758] : memref<2x4x200xi32, #tpu.memory_space<vmem>> -> memref<1x1x40xi32, #tpu.memory_space<vmem>>
      %dma_start3A_760 = tpu.memref_squeeze %dma_start3A_759 : memref<1x1x40xi32, #tpu.memory_space<vmem>> -> memref<40xi32, #tpu.memory_space<vmem>>
      %dma_start3A_761 = arith.constant 0 : i32
      %dma_start3A_762 = arith.constant 0 : i32
      %dma_start3A_763 = tpu.memref_slice %arg3[%dma_start3A_761, %dma_start3A_762] : memref<1000000x32xf32, #tpu.memory_space<hbm>> -> memref<1000000x32xf32, #tpu.memory_space<hbm>>
      tpu.enqueue_indirect_dma source(%dma_start3A_763 : memref<1000000x32xf32, #tpu.memory_space<hbm>>) target(%dma_start3A_757 : memref<40x32xf32, #tpu.memory_space<vmem>>) offsets(%dma_start3A_760 : memref<40xi32, #tpu.memory_space<vmem>>) semaphore(%arg10 : memref<!tpu.dma_semaphore, #tpu.memory_space<semaphore_mem>>)
      %dma_start3A_764 = arith.constant 1 : i32
      %dma_start3A_765 = arith.constant 1 : i32
      %dma_start3A_766 = arith.constant 1 : i32
      %dma_start3A_767 = arith.constant 1 : i32
      %dma_start3A_768 = arith.constant 0 : i32
      %dma_start3A_769 = arith.constant 0 : i32
      %dma_start3A_770 = tpu.memref_slice %arg6[%dma_start3A_766, %dma_start3A_767, %dma_start3A_768, %dma_start3A_769] : memref<2x4x200x32xf32, #tpu.memory_space<vmem>> -> memref<1x1x40x32xf32, #tpu.memory_space<vmem>>
      %dma_start3A_771 = tpu.memref_squeeze %dma_start3A_770 : memref<1x1x40x32xf32, #tpu.memory_space<vmem>> -> memref<40x32xf32, #tpu.memory_space<vmem>>
      %dma_start3A_772 = arith.constant 0 : i32
      %dma_start3A_773 = tpu.memref_slice %arg5[%dma_start3A_764, %dma_start3A_765, %dma_start3A_772] : memref<2x4x200xi32, #tpu.memory_space<vmem>> -> memref<1x1x40xi32, #tpu.memory_space<vmem>>
      %dma_start3A_774 = tpu.memref_squeeze %dma_start3A_773 : memref<1x1x40xi32, #tpu.memory_space<vmem>> -> memref<40xi32, #tpu.memory_space<vmem>>
      %dma_start3A_775 = arith.constant 0 : i32
      %dma_start3A_776 = arith.constant 0 : i32
      %dma_start3A_777 = tpu.memref_slice %arg3[%dma_start3A_775, %dma_start3A_776] : memref<1000000x32xf32, #tpu.memory_space<hbm>> -> memref<1000000x32xf32, #tpu.memory_space<hbm>>
      tpu.enqueue_indirect_dma source(%dma_start3A_777 : memref<1000000x32xf32, #tpu.memory_space<hbm>>) target(%dma_start3A_771 : memref<40x32xf32, #tpu.memory_space<vmem>>) offsets(%dma_start3A_774 : memref<40xi32, #tpu.memory_space<vmem>>) semaphore(%arg10 : memref<!tpu.dma_semaphore, #tpu.memory_space<semaphore_mem>>)
      %dma_start3A_778 = arith.constant 1 : i32
      %dma_start3A_779 = arith.constant 1 : i32
      %dma_start3A_780 = arith.constant 1 : i32
      %dma_start3A_781 = arith.constant 1 : i32
      %dma_start3A_782 = arith.constant 40 : i32
      %dma_start3A_783 = arith.constant 0 : i32
      %dma_start3A_784 = tpu.memref_slice %arg6[%dma_start3A_780, %dma_start3A_781, %dma_start3A_782, %dma_start3A_783] : memref<2x4x200x32xf32, #tpu.memory_space<vmem>> -> memref<1x1x40x32xf32, #tpu.memory_space<vmem>>
      %dma_start3A_785 = tpu.memref_squeeze %dma_start3A_784 : memref<1x1x40x32xf32, #tpu.memory_space<vmem>> -> memref<40x32xf32, #tpu.memory_space<vmem>>
      %dma_start3A_786 = arith.constant 40 : i32
      %dma_start3A_787 = tpu.memref_slice %arg5[%dma_start3A_778, %dma_start3A_779, %dma_start3A_786] : memref<2x4x200xi32, #tpu.memory_space<vmem>> -> memref<1x1x40xi32, #tpu.memory_space<vmem>>
      %dma_start3A_788 = tpu.memref_squeeze %dma_start3A_787 : memref<1x1x40xi32, #tpu.memory_space<vmem>> -> memref<40xi32, #tpu.memory_space<vmem>>
      %dma_start3A_789 = arith.constant 0 : i32
      %dma_start3A_790 = arith.constant 0 : i32
      %dma_start3A_791 = tpu.memref_slice %arg3[%dma_start3A_789, %dma_start3A_790] : memref<1000000x32xf32, #tpu.memory_space<hbm>> -> memref<1000000x32xf32, #tpu.memory_space<hbm>>
      tpu.enqueue_indirect_dma source(%dma_start3A_791 : memref<1000000x32xf32, #tpu.memory_space<hbm>>) target(%dma_start3A_785 : memref<40x32xf32, #tpu.memory_space<vmem>>) offsets(%dma_start3A_788 : memref<40xi32, #tpu.memory_space<vmem>>) semaphore(%arg10 : memref<!tpu.dma_semaphore, #tpu.memory_space<semaphore_mem>>)
      %dma_start3A_792 = arith.constant 1 : i32
      %dma_start3A_793 = arith.constant 1 : i32
      %dma_start3A_794 = arith.constant 1 : i32
      %dma_start3A_795 = arith.constant 1 : i32
      %dma_start3A_796 = arith.constant 80 : i32
      %dma_start3A_797 = arith.constant 0 : i32
      %dma_start3A_798 = tpu.memref_slice %arg6[%dma_start3A_794, %dma_start3A_795, %dma_start3A_796, %dma_start3A_797] : memref<2x4x200x32xf32, #tpu.memory_space<vmem>> -> memref<1x1x40x32xf32, #tpu.memory_space<vmem>>
      %dma_start3A_799 = tpu.memref_squeeze %dma_start3A_798 : memref<1x1x40x32xf32, #tpu.memory_space<vmem>> -> memref<40x32xf32, #tpu.memory_space<vmem>>
      %dma_start3A_800 = arith.constant 80 : i32
      %dma_start3A_801 = tpu.memref_slice %arg5[%dma_start3A_792, %dma_start3A_793, %dma_start3A_800] : memref<2x4x200xi32, #tpu.memory_space<vmem>> -> memref<1x1x40xi32, #tpu.memory_space<vmem>>
      %dma_start3A_802 = tpu.memref_squeeze %dma_start3A_801 : memref<1x1x40xi32, #tpu.memory_space<vmem>> -> memref<40xi32, #tpu.memory_space<vmem>>
      %dma_start3A_803 = arith.constant 0 : i32
      %dma_start3A_804 = arith.constant 0 : i32
      %dma_start3A_805 = tpu.memref_slice %arg3[%dma_start3A_803, %dma_start3A_804] : memref<1000000x32xf32, #tpu.memory_space<hbm>> -> memref<1000000x32xf32, #tpu.memory_space<hbm>>
      tpu.enqueue_indirect_dma source(%dma_start3A_805 : memref<1000000x32xf32, #tpu.memory_space<hbm>>) target(%dma_start3A_799 : memref<40x32xf32, #tpu.memory_space<vmem>>) offsets(%dma_start3A_802 : memref<40xi32, #tpu.memory_space<vmem>>) semaphore(%arg10 : memref<!tpu.dma_semaphore, #tpu.memory_space<semaphore_mem>>)
      %dma_start3A_806 = arith.constant 1 : i32
      %dma_start3A_807 = arith.constant 1 : i32
      %dma_start3A_808 = arith.constant 1 : i32
      %dma_start3A_809 = arith.constant 1 : i32
      %dma_start3A_810 = arith.constant 120 : i32
      %dma_start3A_811 = arith.constant 0 : i32
      %dma_start3A_812 = tpu.memref_slice %arg6[%dma_start3A_808, %dma_start3A_809, %dma_start3A_810, %dma_start3A_811] : memref<2x4x200x32xf32, #tpu.memory_space<vmem>> -> memref<1x1x40x32xf32, #tpu.memory_space<vmem>>
      %dma_start3A_813 = tpu.memref_squeeze %dma_start3A_812 : memref<1x1x40x32xf32, #tpu.memory_space<vmem>> -> memref<40x32xf32, #tpu.memory_space<vmem>>
      %dma_start3A_814 = arith.constant 120 : i32
      %dma_start3A_815 = tpu.memref_slice %arg5[%dma_start3A_806, %dma_start3A_807, %dma_start3A_814] : memref<2x4x200xi32, #tpu.memory_space<vmem>> -> memref<1x1x40xi32, #tpu.memory_space<vmem>>
      %dma_start3A_816 = tpu.memref_squeeze %dma_start3A_815 : memref<1x1x40xi32, #tpu.memory_space<vmem>> -> memref<40xi32, #tpu.memory_space<vmem>>
      %dma_start3A_817 = arith.constant 0 : i32
      %dma_start3A_818 = arith.constant 0 : i32
      %dma_start3A_819 = tpu.memref_slice %arg3[%dma_start3A_817, %dma_start3A_818] : memref<1000000x32xf32, #tpu.memory_space<hbm>> -> memref<1000000x32xf32, #tpu.memory_space<hbm>>
      tpu.enqueue_indirect_dma source(%dma_start3A_819 : memref<1000000x32xf32, #tpu.memory_space<hbm>>) target(%dma_start3A_813 : memref<40x32xf32, #tpu.memory_space<vmem>>) offsets(%dma_start3A_816 : memref<40xi32, #tpu.memory_space<vmem>>) semaphore(%arg10 : memref<!tpu.dma_semaphore, #tpu.memory_space<semaphore_mem>>)
      %dma_start3A_820 = arith.constant 1 : i32
      %dma_start3A_821 = arith.constant 1 : i32
      %dma_start3A_822 = arith.constant 1 : i32
      %dma_start3A_823 = arith.constant 1 : i32
      %dma_start3A_824 = arith.constant 160 : i32
      %dma_start3A_825 = arith.constant 0 : i32
      %dma_start3A_826 = tpu.memref_slice %arg6[%dma_start3A_822, %dma_start3A_823, %dma_start3A_824, %dma_start3A_825] : memref<2x4x200x32xf32, #tpu.memory_space<vmem>> -> memref<1x1x40x32xf32, #tpu.memory_space<vmem>>
      %dma_start3A_827 = tpu.memref_squeeze %dma_start3A_826 : memref<1x1x40x32xf32, #tpu.memory_space<vmem>> -> memref<40x32xf32, #tpu.memory_space<vmem>>
      %dma_start3A_828 = arith.constant 160 : i32
      %dma_start3A_829 = tpu.memref_slice %arg5[%dma_start3A_820, %dma_start3A_821, %dma_start3A_828] : memref<2x4x200xi32, #tpu.memory_space<vmem>> -> memref<1x1x40xi32, #tpu.memory_space<vmem>>
      %dma_start3A_830 = tpu.memref_squeeze %dma_start3A_829 : memref<1x1x40xi32, #tpu.memory_space<vmem>> -> memref<40xi32, #tpu.memory_space<vmem>>
      %dma_start3A_831 = arith.constant 0 : i32
      %dma_start3A_832 = arith.constant 0 : i32
      %dma_start3A_833 = tpu.memref_slice %arg3[%dma_start3A_831, %dma_start3A_832] : memref<1000000x32xf32, #tpu.memory_space<hbm>> -> memref<1000000x32xf32, #tpu.memory_space<hbm>>
      tpu.enqueue_indirect_dma source(%dma_start3A_833 : memref<1000000x32xf32, #tpu.memory_space<hbm>>) target(%dma_start3A_827 : memref<40x32xf32, #tpu.memory_space<vmem>>) offsets(%dma_start3A_830 : memref<40xi32, #tpu.memory_space<vmem>>) semaphore(%arg10 : memref<!tpu.dma_semaphore, #tpu.memory_space<semaphore_mem>>)
      %dma_start3A_834 = arith.constant 1 : i32
      %dma_start3A_835 = arith.constant 2 : i32
      %dma_start3A_836 = arith.constant 1 : i32
      %dma_start3A_837 = arith.constant 2 : i32
      %dma_start3A_838 = arith.constant 0 : i32
      %dma_start3A_839 = arith.constant 0 : i32
      %dma_start3A_840 = tpu.memref_slice %arg6[%dma_start3A_836, %dma_start3A_837, %dma_start3A_838, %dma_start3A_839] : memref<2x4x200x32xf32, #tpu.memory_space<vmem>> -> memref<1x1x40x32xf32, #tpu.memory_space<vmem>>
      %dma_start3A_841 = tpu.memref_squeeze %dma_start3A_840 : memref<1x1x40x32xf32, #tpu.memory_space<vmem>> -> memref<40x32xf32, #tpu.memory_space<vmem>>
      %dma_start3A_842 = arith.constant 0 : i32
      %dma_start3A_843 = tpu.memref_slice %arg5[%dma_start3A_834, %dma_start3A_835, %dma_start3A_842] : memref<2x4x200xi32, #tpu.memory_space<vmem>> -> memref<1x1x40xi32, #tpu.memory_space<vmem>>
      %dma_start3A_844 = tpu.memref_squeeze %dma_start3A_843 : memref<1x1x40xi32, #tpu.memory_space<vmem>> -> memref<40xi32, #tpu.memory_space<vmem>>
      %dma_start3A_845 = arith.constant 0 : i32
      %dma_start3A_846 = arith.constant 0 : i32
      %dma_start3A_847 = tpu.memref_slice %arg3[%dma_start3A_845, %dma_start3A_846] : memref<1000000x32xf32, #tpu.memory_space<hbm>> -> memref<1000000x32xf32, #tpu.memory_space<hbm>>
      tpu.enqueue_indirect_dma source(%dma_start3A_847 : memref<1000000x32xf32, #tpu.memory_space<hbm>>) target(%dma_start3A_841 : memref<40x32xf32, #tpu.memory_space<vmem>>) offsets(%dma_start3A_844 : memref<40xi32, #tpu.memory_space<vmem>>) semaphore(%arg10 : memref<!tpu.dma_semaphore, #tpu.memory_space<semaphore_mem>>)
      %dma_start3A_848 = arith.constant 1 : i32
      %dma_start3A_849 = arith.constant 2 : i32
      %dma_start3A_850 = arith.constant 1 : i32
      %dma_start3A_851 = arith.constant 2 : i32
      %dma_start3A_852 = arith.constant 40 : i32
      %dma_start3A_853 = arith.constant 0 : i32
      %dma_start3A_854 = tpu.memref_slice %arg6[%dma_start3A_850, %dma_start3A_851, %dma_start3A_852, %dma_start3A_853] : memref<2x4x200x32xf32, #tpu.memory_space<vmem>> -> memref<1x1x40x32xf32, #tpu.memory_space<vmem>>
      %dma_start3A_855 = tpu.memref_squeeze %dma_start3A_854 : memref<1x1x40x32xf32, #tpu.memory_space<vmem>> -> memref<40x32xf32, #tpu.memory_space<vmem>>
      %dma_start3A_856 = arith.constant 40 : i32
      %dma_start3A_857 = tpu.memref_slice %arg5[%dma_start3A_848, %dma_start3A_849, %dma_start3A_856] : memref<2x4x200xi32, #tpu.memory_space<vmem>> -> memref<1x1x40xi32, #tpu.memory_space<vmem>>
      %dma_start3A_858 = tpu.memref_squeeze %dma_start3A_857 : memref<1x1x40xi32, #tpu.memory_space<vmem>> -> memref<40xi32, #tpu.memory_space<vmem>>
      %dma_start3A_859 = arith.constant 0 : i32
      %dma_start3A_860 = arith.constant 0 : i32
      %dma_start3A_861 = tpu.memref_slice %arg3[%dma_start3A_859, %dma_start3A_860] : memref<1000000x32xf32, #tpu.memory_space<hbm>> -> memref<1000000x32xf32, #tpu.memory_space<hbm>>
      tpu.enqueue_indirect_dma source(%dma_start3A_861 : memref<1000000x32xf32, #tpu.memory_space<hbm>>) target(%dma_start3A_855 : memref<40x32xf32, #tpu.memory_space<vmem>>) offsets(%dma_start3A_858 : memref<40xi32, #tpu.memory_space<vmem>>) semaphore(%arg10 : memref<!tpu.dma_semaphore, #tpu.memory_space<semaphore_mem>>)
      %dma_start3A_862 = arith.constant 1 : i32
      %dma_start3A_863 = arith.constant 2 : i32
      %dma_start3A_864 = arith.constant 1 : i32
      %dma_start3A_865 = arith.constant 2 : i32
      %dma_start3A_866 = arith.constant 80 : i32
      %dma_start3A_867 = arith.constant 0 : i32
      %dma_start3A_868 = tpu.memref_slice %arg6[%dma_start3A_864, %dma_start3A_865, %dma_start3A_866, %dma_start3A_867] : memref<2x4x200x32xf32, #tpu.memory_space<vmem>> -> memref<1x1x40x32xf32, #tpu.memory_space<vmem>>
      %dma_start3A_869 = tpu.memref_squeeze %dma_start3A_868 : memref<1x1x40x32xf32, #tpu.memory_space<vmem>> -> memref<40x32xf32, #tpu.memory_space<vmem>>
      %dma_start3A_870 = arith.constant 80 : i32
      %dma_start3A_871 = tpu.memref_slice %arg5[%dma_start3A_862, %dma_start3A_863, %dma_start3A_870] : memref<2x4x200xi32, #tpu.memory_space<vmem>> -> memref<1x1x40xi32, #tpu.memory_space<vmem>>
      %dma_start3A_872 = tpu.memref_squeeze %dma_start3A_871 : memref<1x1x40xi32, #tpu.memory_space<vmem>> -> memref<40xi32, #tpu.memory_space<vmem>>
      %dma_start3A_873 = arith.constant 0 : i32
      %dma_start3A_874 = arith.constant 0 : i32
      %dma_start3A_875 = tpu.memref_slice %arg3[%dma_start3A_873, %dma_start3A_874] : memref<1000000x32xf32, #tpu.memory_space<hbm>> -> memref<1000000x32xf32, #tpu.memory_space<hbm>>
      tpu.enqueue_indirect_dma source(%dma_start3A_875 : memref<1000000x32xf32, #tpu.memory_space<hbm>>) target(%dma_start3A_869 : memref<40x32xf32, #tpu.memory_space<vmem>>) offsets(%dma_start3A_872 : memref<40xi32, #tpu.memory_space<vmem>>) semaphore(%arg10 : memref<!tpu.dma_semaphore, #tpu.memory_space<semaphore_mem>>)
      %dma_start3A_876 = arith.constant 1 : i32
      %dma_start3A_877 = arith.constant 2 : i32
      %dma_start3A_878 = arith.constant 1 : i32
      %dma_start3A_879 = arith.constant 2 : i32
      %dma_start3A_880 = arith.constant 120 : i32
      %dma_start3A_881 = arith.constant 0 : i32
      %dma_start3A_882 = tpu.memref_slice %arg6[%dma_start3A_878, %dma_start3A_879, %dma_start3A_880, %dma_start3A_881] : memref<2x4x200x32xf32, #tpu.memory_space<vmem>> -> memref<1x1x40x32xf32, #tpu.memory_space<vmem>>
      %dma_start3A_883 = tpu.memref_squeeze %dma_start3A_882 : memref<1x1x40x32xf32, #tpu.memory_space<vmem>> -> memref<40x32xf32, #tpu.memory_space<vmem>>
      %dma_start3A_884 = arith.constant 120 : i32
      %dma_start3A_885 = tpu.memref_slice %arg5[%dma_start3A_876, %dma_start3A_877, %dma_start3A_884] : memref<2x4x200xi32, #tpu.memory_space<vmem>> -> memref<1x1x40xi32, #tpu.memory_space<vmem>>
      %dma_start3A_886 = tpu.memref_squeeze %dma_start3A_885 : memref<1x1x40xi32, #tpu.memory_space<vmem>> -> memref<40xi32, #tpu.memory_space<vmem>>
      %dma_start3A_887 = arith.constant 0 : i32
      %dma_start3A_888 = arith.constant 0 : i32
      %dma_start3A_889 = tpu.memref_slice %arg3[%dma_start3A_887, %dma_start3A_888] : memref<1000000x32xf32, #tpu.memory_space<hbm>> -> memref<1000000x32xf32, #tpu.memory_space<hbm>>
      tpu.enqueue_indirect_dma source(%dma_start3A_889 : memref<1000000x32xf32, #tpu.memory_space<hbm>>) target(%dma_start3A_883 : memref<40x32xf32, #tpu.memory_space<vmem>>) offsets(%dma_start3A_886 : memref<40xi32, #tpu.memory_space<vmem>>) semaphore(%arg10 : memref<!tpu.dma_semaphore, #tpu.memory_space<semaphore_mem>>)
      %dma_start3A_890 = arith.constant 1 : i32
      %dma_start3A_891 = arith.constant 2 : i32
      %dma_start3A_892 = arith.constant 1 : i32
      %dma_start3A_893 = arith.constant 2 : i32
      %dma_start3A_894 = arith.constant 160 : i32
      %dma_start3A_895 = arith.constant 0 : i32
      %dma_start3A_896 = tpu.memref_slice %arg6[%dma_start3A_892, %dma_start3A_893, %dma_start3A_894, %dma_start3A_895] : memref<2x4x200x32xf32, #tpu.memory_space<vmem>> -> memref<1x1x40x32xf32, #tpu.memory_space<vmem>>
      %dma_start3A_897 = tpu.memref_squeeze %dma_start3A_896 : memref<1x1x40x32xf32, #tpu.memory_space<vmem>> -> memref<40x32xf32, #tpu.memory_space<vmem>>
      %dma_start3A_898 = arith.constant 160 : i32
      %dma_start3A_899 = tpu.memref_slice %arg5[%dma_start3A_890, %dma_start3A_891, %dma_start3A_898] : memref<2x4x200xi32, #tpu.memory_space<vmem>> -> memref<1x1x40xi32, #tpu.memory_space<vmem>>
      %dma_start3A_900 = tpu.memref_squeeze %dma_start3A_899 : memref<1x1x40xi32, #tpu.memory_space<vmem>> -> memref<40xi32, #tpu.memory_space<vmem>>
      %dma_start3A_901 = arith.constant 0 : i32
      %dma_start3A_902 = arith.constant 0 : i32
      %dma_start3A_903 = tpu.memref_slice %arg3[%dma_start3A_901, %dma_start3A_902] : memref<1000000x32xf32, #tpu.memory_space<hbm>> -> memref<1000000x32xf32, #tpu.memory_space<hbm>>
      tpu.enqueue_indirect_dma source(%dma_start3A_903 : memref<1000000x32xf32, #tpu.memory_space<hbm>>) target(%dma_start3A_897 : memref<40x32xf32, #tpu.memory_space<vmem>>) offsets(%dma_start3A_900 : memref<40xi32, #tpu.memory_space<vmem>>) semaphore(%arg10 : memref<!tpu.dma_semaphore, #tpu.memory_space<semaphore_mem>>)
      %dma_start3A_904 = arith.constant 1 : i32
      %dma_start3A_905 = arith.constant 3 : i32
      %dma_start3A_906 = arith.constant 1 : i32
      %dma_start3A_907 = arith.constant 3 : i32
      %dma_start3A_908 = arith.constant 0 : i32
      %dma_start3A_909 = arith.constant 0 : i32
      %dma_start3A_910 = tpu.memref_slice %arg6[%dma_start3A_906, %dma_start3A_907, %dma_start3A_908, %dma_start3A_909] : memref<2x4x200x32xf32, #tpu.memory_space<vmem>> -> memref<1x1x40x32xf32, #tpu.memory_space<vmem>>
      %dma_start3A_911 = tpu.memref_squeeze %dma_start3A_910 : memref<1x1x40x32xf32, #tpu.memory_space<vmem>> -> memref<40x32xf32, #tpu.memory_space<vmem>>
      %dma_start3A_912 = arith.constant 0 : i32
      %dma_start3A_913 = tpu.memref_slice %arg5[%dma_start3A_904, %dma_start3A_905, %dma_start3A_912] : memref<2x4x200xi32, #tpu.memory_space<vmem>> -> memref<1x1x40xi32, #tpu.memory_space<vmem>>
      %dma_start3A_914 = tpu.memref_squeeze %dma_start3A_913 : memref<1x1x40xi32, #tpu.memory_space<vmem>> -> memref<40xi32, #tpu.memory_space<vmem>>
      %dma_start3A_915 = arith.constant 0 : i32
      %dma_start3A_916 = arith.constant 0 : i32
      %dma_start3A_917 = tpu.memref_slice %arg3[%dma_start3A_915, %dma_start3A_916] : memref<1000000x32xf32, #tpu.memory_space<hbm>> -> memref<1000000x32xf32, #tpu.memory_space<hbm>>
      tpu.enqueue_indirect_dma source(%dma_start3A_917 : memref<1000000x32xf32, #tpu.memory_space<hbm>>) target(%dma_start3A_911 : memref<40x32xf32, #tpu.memory_space<vmem>>) offsets(%dma_start3A_914 : memref<40xi32, #tpu.memory_space<vmem>>) semaphore(%arg10 : memref<!tpu.dma_semaphore, #tpu.memory_space<semaphore_mem>>)
      %dma_start3A_918 = arith.constant 1 : i32
      %dma_start3A_919 = arith.constant 3 : i32
      %dma_start3A_920 = arith.constant 1 : i32
      %dma_start3A_921 = arith.constant 3 : i32
      %dma_start3A_922 = arith.constant 40 : i32
      %dma_start3A_923 = arith.constant 0 : i32
      %dma_start3A_924 = tpu.memref_slice %arg6[%dma_start3A_920, %dma_start3A_921, %dma_start3A_922, %dma_start3A_923] : memref<2x4x200x32xf32, #tpu.memory_space<vmem>> -> memref<1x1x40x32xf32, #tpu.memory_space<vmem>>
      %dma_start3A_925 = tpu.memref_squeeze %dma_start3A_924 : memref<1x1x40x32xf32, #tpu.memory_space<vmem>> -> memref<40x32xf32, #tpu.memory_space<vmem>>
      %dma_start3A_926 = arith.constant 40 : i32
      %dma_start3A_927 = tpu.memref_slice %arg5[%dma_start3A_918, %dma_start3A_919, %dma_start3A_926] : memref<2x4x200xi32, #tpu.memory_space<vmem>> -> memref<1x1x40xi32, #tpu.memory_space<vmem>>
      %dma_start3A_928 = tpu.memref_squeeze %dma_start3A_927 : memref<1x1x40xi32, #tpu.memory_space<vmem>> -> memref<40xi32, #tpu.memory_space<vmem>>
      %dma_start3A_929 = arith.constant 0 : i32
      %dma_start3A_930 = arith.constant 0 : i32
      %dma_start3A_931 = tpu.memref_slice %arg3[%dma_start3A_929, %dma_start3A_930] : memref<1000000x32xf32, #tpu.memory_space<hbm>> -> memref<1000000x32xf32, #tpu.memory_space<hbm>>
      tpu.enqueue_indirect_dma source(%dma_start3A_931 : memref<1000000x32xf32, #tpu.memory_space<hbm>>) target(%dma_start3A_925 : memref<40x32xf32, #tpu.memory_space<vmem>>) offsets(%dma_start3A_928 : memref<40xi32, #tpu.memory_space<vmem>>) semaphore(%arg10 : memref<!tpu.dma_semaphore, #tpu.memory_space<semaphore_mem>>)
      %dma_start3A_932 = arith.constant 1 : i32
      %dma_start3A_933 = arith.constant 3 : i32
      %dma_start3A_934 = arith.constant 1 : i32
      %dma_start3A_935 = arith.constant 3 : i32
      %dma_start3A_936 = arith.constant 80 : i32
      %dma_start3A_937 = arith.constant 0 : i32
      %dma_start3A_938 = tpu.memref_slice %arg6[%dma_start3A_934, %dma_start3A_935, %dma_start3A_936, %dma_start3A_937] : memref<2x4x200x32xf32, #tpu.memory_space<vmem>> -> memref<1x1x40x32xf32, #tpu.memory_space<vmem>>
      %dma_start3A_939 = tpu.memref_squeeze %dma_start3A_938 : memref<1x1x40x32xf32, #tpu.memory_space<vmem>> -> memref<40x32xf32, #tpu.memory_space<vmem>>
      %dma_start3A_940 = arith.constant 80 : i32
      %dma_start3A_941 = tpu.memref_slice %arg5[%dma_start3A_932, %dma_start3A_933, %dma_start3A_940] : memref<2x4x200xi32, #tpu.memory_space<vmem>> -> memref<1x1x40xi32, #tpu.memory_space<vmem>>
      %dma_start3A_942 = tpu.memref_squeeze %dma_start3A_941 : memref<1x1x40xi32, #tpu.memory_space<vmem>> -> memref<40xi32, #tpu.memory_space<vmem>>
      %dma_start3A_943 = arith.constant 0 : i32
      %dma_start3A_944 = arith.constant 0 : i32
      %dma_start3A_945 = tpu.memref_slice %arg3[%dma_start3A_943, %dma_start3A_944] : memref<1000000x32xf32, #tpu.memory_space<hbm>> -> memref<1000000x32xf32, #tpu.memory_space<hbm>>
      tpu.enqueue_indirect_dma source(%dma_start3A_945 : memref<1000000x32xf32, #tpu.memory_space<hbm>>) target(%dma_start3A_939 : memref<40x32xf32, #tpu.memory_space<vmem>>) offsets(%dma_start3A_942 : memref<40xi32, #tpu.memory_space<vmem>>) semaphore(%arg10 : memref<!tpu.dma_semaphore, #tpu.memory_space<semaphore_mem>>)
      %dma_start3A_946 = arith.constant 1 : i32
      %dma_start3A_947 = arith.constant 3 : i32
      %dma_start3A_948 = arith.constant 1 : i32
      %dma_start3A_949 = arith.constant 3 : i32
      %dma_start3A_950 = arith.constant 120 : i32
      %dma_start3A_951 = arith.constant 0 : i32
      %dma_start3A_952 = tpu.memref_slice %arg6[%dma_start3A_948, %dma_start3A_949, %dma_start3A_950, %dma_start3A_951] : memref<2x4x200x32xf32, #tpu.memory_space<vmem>> -> memref<1x1x40x32xf32, #tpu.memory_space<vmem>>
      %dma_start3A_953 = tpu.memref_squeeze %dma_start3A_952 : memref<1x1x40x32xf32, #tpu.memory_space<vmem>> -> memref<40x32xf32, #tpu.memory_space<vmem>>
      %dma_start3A_954 = arith.constant 120 : i32
      %dma_start3A_955 = tpu.memref_slice %arg5[%dma_start3A_946, %dma_start3A_947, %dma_start3A_954] : memref<2x4x200xi32, #tpu.memory_space<vmem>> -> memref<1x1x40xi32, #tpu.memory_space<vmem>>
      %dma_start3A_956 = tpu.memref_squeeze %dma_start3A_955 : memref<1x1x40xi32, #tpu.memory_space<vmem>> -> memref<40xi32, #tpu.memory_space<vmem>>
      %dma_start3A_957 = arith.constant 0 : i32
      %dma_start3A_958 = arith.constant 0 : i32
      %dma_start3A_959 = tpu.memref_slice %arg3[%dma_start3A_957, %dma_start3A_958] : memref<1000000x32xf32, #tpu.memory_space<hbm>> -> memref<1000000x32xf32, #tpu.memory_space<hbm>>
      tpu.enqueue_indirect_dma source(%dma_start3A_959 : memref<1000000x32xf32, #tpu.memory_space<hbm>>) target(%dma_start3A_953 : memref<40x32xf32, #tpu.memory_space<vmem>>) offsets(%dma_start3A_956 : memref<40xi32, #tpu.memory_space<vmem>>) semaphore(%arg10 : memref<!tpu.dma_semaphore, #tpu.memory_space<semaphore_mem>>)
      %dma_start3A_960 = arith.constant 1 : i32
      %dma_start3A_961 = arith.constant 3 : i32
      %dma_start3A_962 = arith.constant 1 : i32
      %dma_start3A_963 = arith.constant 3 : i32
      %dma_start3A_964 = arith.constant 160 : i32
      %dma_start3A_965 = arith.constant 0 : i32
      %dma_start3A_966 = tpu.memref_slice %arg6[%dma_start3A_962, %dma_start3A_963, %dma_start3A_964, %dma_start3A_965] : memref<2x4x200x32xf32, #tpu.memory_space<vmem>> -> memref<1x1x40x32xf32, #tpu.memory_space<vmem>>
      %dma_start3A_967 = tpu.memref_squeeze %dma_start3A_966 : memref<1x1x40x32xf32, #tpu.memory_space<vmem>> -> memref<40x32xf32, #tpu.memory_space<vmem>>
      %dma_start3A_968 = arith.constant 160 : i32
      %dma_start3A_969 = tpu.memref_slice %arg5[%dma_start3A_960, %dma_start3A_961, %dma_start3A_968] : memref<2x4x200xi32, #tpu.memory_space<vmem>> -> memref<1x1x40xi32, #tpu.memory_space<vmem>>
      %dma_start3A_970 = tpu.memref_squeeze %dma_start3A_969 : memref<1x1x40xi32, #tpu.memory_space<vmem>> -> memref<40xi32, #tpu.memory_space<vmem>>
      %dma_start3A_971 = arith.constant 0 : i32
      %dma_start3A_972 = arith.constant 0 : i32
      %dma_start3A_973 = tpu.memref_slice %arg3[%dma_start3A_971, %dma_start3A_972] : memref<1000000x32xf32, #tpu.memory_space<hbm>> -> memref<1000000x32xf32, #tpu.memory_space<hbm>>
      tpu.enqueue_indirect_dma source(%dma_start3A_973 : memref<1000000x32xf32, #tpu.memory_space<hbm>>) target(%dma_start3A_967 : memref<40x32xf32, #tpu.memory_space<vmem>>) offsets(%dma_start3A_970 : memref<40xi32, #tpu.memory_space<vmem>>) semaphore(%arg10 : memref<!tpu.dma_semaphore, #tpu.memory_space<semaphore_mem>>)
      %ge3A_974 = arith.constant 1 : i32
      %ge3A_975 = arith.cmpi sge, %add3A_673, %ge3A_974 : i32
      %convert_element_type3A_976 = arith.extui %ge3A_975 : i1 to i32
      %cond3A_977 = arith.constant 0 : i32
      %cond3A_978 = arith.cmpi ne, %convert_element_type3A_976, %cond3A_977 : i32
      scf.if %cond3A_978 {
        %dma_wait3A_986 = arith.constant 0 : i32
        %dma_wait3A_987 = arith.constant 0 : i32
        %dma_wait3A_988 = arith.constant 0 : i32
        %dma_wait3A_989 = arith.constant 0 : i32
        %dma_wait3A_990 = arith.constant 0 : i32
        %dma_wait3A_991 = arith.constant 0 : i32
        %dma_wait3A_992 = tpu.memref_slice %arg6[%dma_wait3A_988, %dma_wait3A_989, %dma_wait3A_990, %dma_wait3A_991] : memref<2x4x200x32xf32, #tpu.memory_space<vmem>> -> memref<1x1x40x32xf32, #tpu.memory_space<vmem>>
        %dma_wait3A_993 = tpu.memref_squeeze %dma_wait3A_992 : memref<1x1x40x32xf32, #tpu.memory_space<vmem>> -> memref<40x32xf32, #tpu.memory_space<vmem>>
        %dma_wait3A_994 = arith.constant 0 : i32
        %dma_wait3A_995 = tpu.memref_slice %arg5[%dma_wait3A_986, %dma_wait3A_987, %dma_wait3A_994] : memref<2x4x200xi32, #tpu.memory_space<vmem>> -> memref<1x1x40xi32, #tpu.memory_space<vmem>>
        %dma_wait3A_996 = tpu.memref_squeeze %dma_wait3A_995 : memref<1x1x40xi32, #tpu.memory_space<vmem>> -> memref<40xi32, #tpu.memory_space<vmem>>
        %dma_wait3A_997 = arith.constant 0 : i32
        %dma_wait3A_998 = arith.constant 0 : i32
        %dma_wait3A_999 = tpu.memref_slice %arg3[%dma_wait3A_997, %dma_wait3A_998] : memref<1000000x32xf32, #tpu.memory_space<hbm>> -> memref<1000000x32xf32, #tpu.memory_space<hbm>>
        tpu.wait_indirect_dma semaphore(%arg9 : memref<!tpu.dma_semaphore, #tpu.memory_space<semaphore_mem>>) src(%dma_wait3A_999 : memref<1000000x32xf32, #tpu.memory_space<hbm>>) dst(%dma_wait3A_993 : memref<40x32xf32, #tpu.memory_space<vmem>>)
        %dma_wait3A_1000 = arith.constant 0 : i32
        %dma_wait3A_1001 = arith.constant 0 : i32
        %dma_wait3A_1002 = arith.constant 0 : i32
        %dma_wait3A_1003 = arith.constant 0 : i32
        %dma_wait3A_1004 = arith.constant 40 : i32
        %dma_wait3A_1005 = arith.constant 0 : i32
        %dma_wait3A_1006 = tpu.memref_slice %arg6[%dma_wait3A_1002, %dma_wait3A_1003, %dma_wait3A_1004, %dma_wait3A_1005] : memref<2x4x200x32xf32, #tpu.memory_space<vmem>> -> memref<1x1x40x32xf32, #tpu.memory_space<vmem>>
        %dma_wait3A_1007 = tpu.memref_squeeze %dma_wait3A_1006 : memref<1x1x40x32xf32, #tpu.memory_space<vmem>> -> memref<40x32xf32, #tpu.memory_space<vmem>>
        %dma_wait3A_1008 = arith.constant 40 : i32
        %dma_wait3A_1009 = tpu.memref_slice %arg5[%dma_wait3A_1000, %dma_wait3A_1001, %dma_wait3A_1008] : memref<2x4x200xi32, #tpu.memory_space<vmem>> -> memref<1x1x40xi32, #tpu.memory_space<vmem>>
        %dma_wait3A_1010 = tpu.memref_squeeze %dma_wait3A_1009 : memref<1x1x40xi32, #tpu.memory_space<vmem>> -> memref<40xi32, #tpu.memory_space<vmem>>
        %dma_wait3A_1011 = arith.constant 0 : i32
        %dma_wait3A_1012 = arith.constant 0 : i32
        %dma_wait3A_1013 = tpu.memref_slice %arg3[%dma_wait3A_1011, %dma_wait3A_1012] : memref<1000000x32xf32, #tpu.memory_space<hbm>> -> memref<1000000x32xf32, #tpu.memory_space<hbm>>
        tpu.wait_indirect_dma semaphore(%arg9 : memref<!tpu.dma_semaphore, #tpu.memory_space<semaphore_mem>>) src(%dma_wait3A_1013 : memref<1000000x32xf32, #tpu.memory_space<hbm>>) dst(%dma_wait3A_1007 : memref<40x32xf32, #tpu.memory_space<vmem>>)
        %dma_wait3A_1014 = arith.constant 0 : i32
        %dma_wait3A_1015 = arith.constant 0 : i32
        %dma_wait3A_1016 = arith.constant 0 : i32
        %dma_wait3A_1017 = arith.constant 0 : i32
        %dma_wait3A_1018 = arith.constant 80 : i32
        %dma_wait3A_1019 = arith.constant 0 : i32
        %dma_wait3A_1020 = tpu.memref_slice %arg6[%dma_wait3A_1016, %dma_wait3A_1017, %dma_wait3A_1018, %dma_wait3A_1019] : memref<2x4x200x32xf32, #tpu.memory_space<vmem>> -> memref<1x1x40x32xf32, #tpu.memory_space<vmem>>
        %dma_wait3A_1021 = tpu.memref_squeeze %dma_wait3A_1020 : memref<1x1x40x32xf32, #tpu.memory_space<vmem>> -> memref<40x32xf32, #tpu.memory_space<vmem>>
        %dma_wait3A_1022 = arith.constant 80 : i32
        %dma_wait3A_1023 = tpu.memref_slice %arg5[%dma_wait3A_1014, %dma_wait3A_1015, %dma_wait3A_1022] : memref<2x4x200xi32, #tpu.memory_space<vmem>> -> memref<1x1x40xi32, #tpu.memory_space<vmem>>
        %dma_wait3A_1024 = tpu.memref_squeeze %dma_wait3A_1023 : memref<1x1x40xi32, #tpu.memory_space<vmem>> -> memref<40xi32, #tpu.memory_space<vmem>>
        %dma_wait3A_1025 = arith.constant 0 : i32
        %dma_wait3A_1026 = arith.constant 0 : i32
        %dma_wait3A_1027 = tpu.memref_slice %arg3[%dma_wait3A_1025, %dma_wait3A_1026] : memref<1000000x32xf32, #tpu.memory_space<hbm>> -> memref<1000000x32xf32, #tpu.memory_space<hbm>>
        tpu.wait_indirect_dma semaphore(%arg9 : memref<!tpu.dma_semaphore, #tpu.memory_space<semaphore_mem>>) src(%dma_wait3A_1027 : memref<1000000x32xf32, #tpu.memory_space<hbm>>) dst(%dma_wait3A_1021 : memref<40x32xf32, #tpu.memory_space<vmem>>)
        %dma_wait3A_1028 = arith.constant 0 : i32
        %dma_wait3A_1029 = arith.constant 0 : i32
        %dma_wait3A_1030 = arith.constant 0 : i32
        %dma_wait3A_1031 = arith.constant 0 : i32
        %dma_wait3A_1032 = arith.constant 120 : i32
        %dma_wait3A_1033 = arith.constant 0 : i32
        %dma_wait3A_1034 = tpu.memref_slice %arg6[%dma_wait3A_1030, %dma_wait3A_1031, %dma_wait3A_1032, %dma_wait3A_1033] : memref<2x4x200x32xf32, #tpu.memory_space<vmem>> -> memref<1x1x40x32xf32, #tpu.memory_space<vmem>>
        %dma_wait3A_1035 = tpu.memref_squeeze %dma_wait3A_1034 : memref<1x1x40x32xf32, #tpu.memory_space<vmem>> -> memref<40x32xf32, #tpu.memory_space<vmem>>
        %dma_wait3A_1036 = arith.constant 120 : i32
        %dma_wait3A_1037 = tpu.memref_slice %arg5[%dma_wait3A_1028, %dma_wait3A_1029, %dma_wait3A_1036] : memref<2x4x200xi32, #tpu.memory_space<vmem>> -> memref<1x1x40xi32, #tpu.memory_space<vmem>>
        %dma_wait3A_1038 = tpu.memref_squeeze %dma_wait3A_1037 : memref<1x1x40xi32, #tpu.memory_space<vmem>> -> memref<40xi32, #tpu.memory_space<vmem>>
        %dma_wait3A_1039 = arith.constant 0 : i32
        %dma_wait3A_1040 = arith.constant 0 : i32
        %dma_wait3A_1041 = tpu.memref_slice %arg3[%dma_wait3A_1039, %dma_wait3A_1040] : memref<1000000x32xf32, #tpu.memory_space<hbm>> -> memref<1000000x32xf32, #tpu.memory_space<hbm>>
        tpu.wait_indirect_dma semaphore(%arg9 : memref<!tpu.dma_semaphore, #tpu.memory_space<semaphore_mem>>) src(%dma_wait3A_1041 : memref<1000000x32xf32, #tpu.memory_space<hbm>>) dst(%dma_wait3A_1035 : memref<40x32xf32, #tpu.memory_space<vmem>>)
        %dma_wait3A_1042 = arith.constant 0 : i32
        %dma_wait3A_1043 = arith.constant 0 : i32
        %dma_wait3A_1044 = arith.constant 0 : i32
        %dma_wait3A_1045 = arith.constant 0 : i32
        %dma_wait3A_1046 = arith.constant 160 : i32
        %dma_wait3A_1047 = arith.constant 0 : i32
        %dma_wait3A_1048 = tpu.memref_slice %arg6[%dma_wait3A_1044, %dma_wait3A_1045, %dma_wait3A_1046, %dma_wait3A_1047] : memref<2x4x200x32xf32, #tpu.memory_space<vmem>> -> memref<1x1x40x32xf32, #tpu.memory_space<vmem>>
        %dma_wait3A_1049 = tpu.memref_squeeze %dma_wait3A_1048 : memref<1x1x40x32xf32, #tpu.memory_space<vmem>> -> memref<40x32xf32, #tpu.memory_space<vmem>>
        %dma_wait3A_1050 = arith.constant 160 : i32
        %dma_wait3A_1051 = tpu.memref_slice %arg5[%dma_wait3A_1042, %dma_wait3A_1043, %dma_wait3A_1050] : memref<2x4x200xi32, #tpu.memory_space<vmem>> -> memref<1x1x40xi32, #tpu.memory_space<vmem>>
        %dma_wait3A_1052 = tpu.memref_squeeze %dma_wait3A_1051 : memref<1x1x40xi32, #tpu.memory_space<vmem>> -> memref<40xi32, #tpu.memory_space<vmem>>
        %dma_wait3A_1053 = arith.constant 0 : i32
        %dma_wait3A_1054 = arith.constant 0 : i32
        %dma_wait3A_1055 = tpu.memref_slice %arg3[%dma_wait3A_1053, %dma_wait3A_1054] : memref<1000000x32xf32, #tpu.memory_space<hbm>> -> memref<1000000x32xf32, #tpu.memory_space<hbm>>
        tpu.wait_indirect_dma semaphore(%arg9 : memref<!tpu.dma_semaphore, #tpu.memory_space<semaphore_mem>>) src(%dma_wait3A_1055 : memref<1000000x32xf32, #tpu.memory_space<hbm>>) dst(%dma_wait3A_1049 : memref<40x32xf32, #tpu.memory_space<vmem>>)
        %dma_wait3A_1056 = arith.constant 0 : i32
        %dma_wait3A_1057 = arith.constant 1 : i32
        %dma_wait3A_1058 = arith.constant 0 : i32
        %dma_wait3A_1059 = arith.constant 1 : i32
        %dma_wait3A_1060 = arith.constant 0 : i32
        %dma_wait3A_1061 = arith.constant 0 : i32
        %dma_wait3A_1062 = tpu.memref_slice %arg6[%dma_wait3A_1058, %dma_wait3A_1059, %dma_wait3A_1060, %dma_wait3A_1061] : memref<2x4x200x32xf32, #tpu.memory_space<vmem>> -> memref<1x1x40x32xf32, #tpu.memory_space<vmem>>
        %dma_wait3A_1063 = tpu.memref_squeeze %dma_wait3A_1062 : memref<1x1x40x32xf32, #tpu.memory_space<vmem>> -> memref<40x32xf32, #tpu.memory_space<vmem>>
        %dma_wait3A_1064 = arith.constant 0 : i32
        %dma_wait3A_1065 = tpu.memref_slice %arg5[%dma_wait3A_1056, %dma_wait3A_1057, %dma_wait3A_1064] : memref<2x4x200xi32, #tpu.memory_space<vmem>> -> memref<1x1x40xi32, #tpu.memory_space<vmem>>
        %dma_wait3A_1066 = tpu.memref_squeeze %dma_wait3A_1065 : memref<1x1x40xi32, #tpu.memory_space<vmem>> -> memref<40xi32, #tpu.memory_space<vmem>>
        %dma_wait3A_1067 = arith.constant 0 : i32
        %dma_wait3A_1068 = arith.constant 0 : i32
        %dma_wait3A_1069 = tpu.memref_slice %arg3[%dma_wait3A_1067, %dma_wait3A_1068] : memref<1000000x32xf32, #tpu.memory_space<hbm>> -> memref<1000000x32xf32, #tpu.memory_space<hbm>>
        tpu.wait_indirect_dma semaphore(%arg9 : memref<!tpu.dma_semaphore, #tpu.memory_space<semaphore_mem>>) src(%dma_wait3A_1069 : memref<1000000x32xf32, #tpu.memory_space<hbm>>) dst(%dma_wait3A_1063 : memref<40x32xf32, #tpu.memory_space<vmem>>)
        %dma_wait3A_1070 = arith.constant 0 : i32
        %dma_wait3A_1071 = arith.constant 1 : i32
        %dma_wait3A_1072 = arith.constant 0 : i32
        %dma_wait3A_1073 = arith.constant 1 : i32
        %dma_wait3A_1074 = arith.constant 40 : i32
        %dma_wait3A_1075 = arith.constant 0 : i32
        %dma_wait3A_1076 = tpu.memref_slice %arg6[%dma_wait3A_1072, %dma_wait3A_1073, %dma_wait3A_1074, %dma_wait3A_1075] : memref<2x4x200x32xf32, #tpu.memory_space<vmem>> -> memref<1x1x40x32xf32, #tpu.memory_space<vmem>>
        %dma_wait3A_1077 = tpu.memref_squeeze %dma_wait3A_1076 : memref<1x1x40x32xf32, #tpu.memory_space<vmem>> -> memref<40x32xf32, #tpu.memory_space<vmem>>
        %dma_wait3A_1078 = arith.constant 40 : i32
        %dma_wait3A_1079 = tpu.memref_slice %arg5[%dma_wait3A_1070, %dma_wait3A_1071, %dma_wait3A_1078] : memref<2x4x200xi32, #tpu.memory_space<vmem>> -> memref<1x1x40xi32, #tpu.memory_space<vmem>>
        %dma_wait3A_1080 = tpu.memref_squeeze %dma_wait3A_1079 : memref<1x1x40xi32, #tpu.memory_space<vmem>> -> memref<40xi32, #tpu.memory_space<vmem>>
        %dma_wait3A_1081 = arith.constant 0 : i32
        %dma_wait3A_1082 = arith.constant 0 : i32
        %dma_wait3A_1083 = tpu.memref_slice %arg3[%dma_wait3A_1081, %dma_wait3A_1082] : memref<1000000x32xf32, #tpu.memory_space<hbm>> -> memref<1000000x32xf32, #tpu.memory_space<hbm>>
        tpu.wait_indirect_dma semaphore(%arg9 : memref<!tpu.dma_semaphore, #tpu.memory_space<semaphore_mem>>) src(%dma_wait3A_1083 : memref<1000000x32xf32, #tpu.memory_space<hbm>>) dst(%dma_wait3A_1077 : memref<40x32xf32, #tpu.memory_space<vmem>>)
        %dma_wait3A_1084 = arith.constant 0 : i32
        %dma_wait3A_1085 = arith.constant 1 : i32
        %dma_wait3A_1086 = arith.constant 0 : i32
        %dma_wait3A_1087 = arith.constant 1 : i32
        %dma_wait3A_1088 = arith.constant 80 : i32
        %dma_wait3A_1089 = arith.constant 0 : i32
        %dma_wait3A_1090 = tpu.memref_slice %arg6[%dma_wait3A_1086, %dma_wait3A_1087, %dma_wait3A_1088, %dma_wait3A_1089] : memref<2x4x200x32xf32, #tpu.memory_space<vmem>> -> memref<1x1x40x32xf32, #tpu.memory_space<vmem>>
        %dma_wait3A_1091 = tpu.memref_squeeze %dma_wait3A_1090 : memref<1x1x40x32xf32, #tpu.memory_space<vmem>> -> memref<40x32xf32, #tpu.memory_space<vmem>>
        %dma_wait3A_1092 = arith.constant 80 : i32
        %dma_wait3A_1093 = tpu.memref_slice %arg5[%dma_wait3A_1084, %dma_wait3A_1085, %dma_wait3A_1092] : memref<2x4x200xi32, #tpu.memory_space<vmem>> -> memref<1x1x40xi32, #tpu.memory_space<vmem>>
        %dma_wait3A_1094 = tpu.memref_squeeze %dma_wait3A_1093 : memref<1x1x40xi32, #tpu.memory_space<vmem>> -> memref<40xi32, #tpu.memory_space<vmem>>
        %dma_wait3A_1095 = arith.constant 0 : i32
        %dma_wait3A_1096 = arith.constant 0 : i32
        %dma_wait3A_1097 = tpu.memref_slice %arg3[%dma_wait3A_1095, %dma_wait3A_1096] : memref<1000000x32xf32, #tpu.memory_space<hbm>> -> memref<1000000x32xf32, #tpu.memory_space<hbm>>
        tpu.wait_indirect_dma semaphore(%arg9 : memref<!tpu.dma_semaphore, #tpu.memory_space<semaphore_mem>>) src(%dma_wait3A_1097 : memref<1000000x32xf32, #tpu.memory_space<hbm>>) dst(%dma_wait3A_1091 : memref<40x32xf32, #tpu.memory_space<vmem>>)
        %dma_wait3A_1098 = arith.constant 0 : i32
        %dma_wait3A_1099 = arith.constant 1 : i32
        %dma_wait3A_1100 = arith.constant 0 : i32
        %dma_wait3A_1101 = arith.constant 1 : i32
        %dma_wait3A_1102 = arith.constant 120 : i32
        %dma_wait3A_1103 = arith.constant 0 : i32
        %dma_wait3A_1104 = tpu.memref_slice %arg6[%dma_wait3A_1100, %dma_wait3A_1101, %dma_wait3A_1102, %dma_wait3A_1103] : memref<2x4x200x32xf32, #tpu.memory_space<vmem>> -> memref<1x1x40x32xf32, #tpu.memory_space<vmem>>
        %dma_wait3A_1105 = tpu.memref_squeeze %dma_wait3A_1104 : memref<1x1x40x32xf32, #tpu.memory_space<vmem>> -> memref<40x32xf32, #tpu.memory_space<vmem>>
        %dma_wait3A_1106 = arith.constant 120 : i32
        %dma_wait3A_1107 = tpu.memref_slice %arg5[%dma_wait3A_1098, %dma_wait3A_1099, %dma_wait3A_1106] : memref<2x4x200xi32, #tpu.memory_space<vmem>> -> memref<1x1x40xi32, #tpu.memory_space<vmem>>
        %dma_wait3A_1108 = tpu.memref_squeeze %dma_wait3A_1107 : memref<1x1x40xi32, #tpu.memory_space<vmem>> -> memref<40xi32, #tpu.memory_space<vmem>>
        %dma_wait3A_1109 = arith.constant 0 : i32
        %dma_wait3A_1110 = arith.constant 0 : i32
        %dma_wait3A_1111 = tpu.memref_slice %arg3[%dma_wait3A_1109, %dma_wait3A_1110] : memref<1000000x32xf32, #tpu.memory_space<hbm>> -> memref<1000000x32xf32, #tpu.memory_space<hbm>>
        tpu.wait_indirect_dma semaphore(%arg9 : memref<!tpu.dma_semaphore, #tpu.memory_space<semaphore_mem>>) src(%dma_wait3A_1111 : memref<1000000x32xf32, #tpu.memory_space<hbm>>) dst(%dma_wait3A_1105 : memref<40x32xf32, #tpu.memory_space<vmem>>)
        %dma_wait3A_1112 = arith.constant 0 : i32
        %dma_wait3A_1113 = arith.constant 1 : i32
        %dma_wait3A_1114 = arith.constant 0 : i32
        %dma_wait3A_1115 = arith.constant 1 : i32
        %dma_wait3A_1116 = arith.constant 160 : i32
        %dma_wait3A_1117 = arith.constant 0 : i32
        %dma_wait3A_1118 = tpu.memref_slice %arg6[%dma_wait3A_1114, %dma_wait3A_1115, %dma_wait3A_1116, %dma_wait3A_1117] : memref<2x4x200x32xf32, #tpu.memory_space<vmem>> -> memref<1x1x40x32xf32, #tpu.memory_space<vmem>>
        %dma_wait3A_1119 = tpu.memref_squeeze %dma_wait3A_1118 : memref<1x1x40x32xf32, #tpu.memory_space<vmem>> -> memref<40x32xf32, #tpu.memory_space<vmem>>
        %dma_wait3A_1120 = arith.constant 160 : i32
        %dma_wait3A_1121 = tpu.memref_slice %arg5[%dma_wait3A_1112, %dma_wait3A_1113, %dma_wait3A_1120] : memref<2x4x200xi32, #tpu.memory_space<vmem>> -> memref<1x1x40xi32, #tpu.memory_space<vmem>>
        %dma_wait3A_1122 = tpu.memref_squeeze %dma_wait3A_1121 : memref<1x1x40xi32, #tpu.memory_space<vmem>> -> memref<40xi32, #tpu.memory_space<vmem>>
        %dma_wait3A_1123 = arith.constant 0 : i32
        %dma_wait3A_1124 = arith.constant 0 : i32
        %dma_wait3A_1125 = tpu.memref_slice %arg3[%dma_wait3A_1123, %dma_wait3A_1124] : memref<1000000x32xf32, #tpu.memory_space<hbm>> -> memref<1000000x32xf32, #tpu.memory_space<hbm>>
        tpu.wait_indirect_dma semaphore(%arg9 : memref<!tpu.dma_semaphore, #tpu.memory_space<semaphore_mem>>) src(%dma_wait3A_1125 : memref<1000000x32xf32, #tpu.memory_space<hbm>>) dst(%dma_wait3A_1119 : memref<40x32xf32, #tpu.memory_space<vmem>>)
        %dma_wait3A_1126 = arith.constant 0 : i32
        %dma_wait3A_1127 = arith.constant 2 : i32
        %dma_wait3A_1128 = arith.constant 0 : i32
        %dma_wait3A_1129 = arith.constant 2 : i32
        %dma_wait3A_1130 = arith.constant 0 : i32
        %dma_wait3A_1131 = arith.constant 0 : i32
        %dma_wait3A_1132 = tpu.memref_slice %arg6[%dma_wait3A_1128, %dma_wait3A_1129, %dma_wait3A_1130, %dma_wait3A_1131] : memref<2x4x200x32xf32, #tpu.memory_space<vmem>> -> memref<1x1x40x32xf32, #tpu.memory_space<vmem>>
        %dma_wait3A_1133 = tpu.memref_squeeze %dma_wait3A_1132 : memref<1x1x40x32xf32, #tpu.memory_space<vmem>> -> memref<40x32xf32, #tpu.memory_space<vmem>>
        %dma_wait3A_1134 = arith.constant 0 : i32
        %dma_wait3A_1135 = tpu.memref_slice %arg5[%dma_wait3A_1126, %dma_wait3A_1127, %dma_wait3A_1134] : memref<2x4x200xi32, #tpu.memory_space<vmem>> -> memref<1x1x40xi32, #tpu.memory_space<vmem>>
        %dma_wait3A_1136 = tpu.memref_squeeze %dma_wait3A_1135 : memref<1x1x40xi32, #tpu.memory_space<vmem>> -> memref<40xi32, #tpu.memory_space<vmem>>
        %dma_wait3A_1137 = arith.constant 0 : i32
        %dma_wait3A_1138 = arith.constant 0 : i32
        %dma_wait3A_1139 = tpu.memref_slice %arg3[%dma_wait3A_1137, %dma_wait3A_1138] : memref<1000000x32xf32, #tpu.memory_space<hbm>> -> memref<1000000x32xf32, #tpu.memory_space<hbm>>
        tpu.wait_indirect_dma semaphore(%arg9 : memref<!tpu.dma_semaphore, #tpu.memory_space<semaphore_mem>>) src(%dma_wait3A_1139 : memref<1000000x32xf32, #tpu.memory_space<hbm>>) dst(%dma_wait3A_1133 : memref<40x32xf32, #tpu.memory_space<vmem>>)
        %dma_wait3A_1140 = arith.constant 0 : i32
        %dma_wait3A_1141 = arith.constant 2 : i32
        %dma_wait3A_1142 = arith.constant 0 : i32
        %dma_wait3A_1143 = arith.constant 2 : i32
        %dma_wait3A_1144 = arith.constant 40 : i32
        %dma_wait3A_1145 = arith.constant 0 : i32
        %dma_wait3A_1146 = tpu.memref_slice %arg6[%dma_wait3A_1142, %dma_wait3A_1143, %dma_wait3A_1144, %dma_wait3A_1145] : memref<2x4x200x32xf32, #tpu.memory_space<vmem>> -> memref<1x1x40x32xf32, #tpu.memory_space<vmem>>
        %dma_wait3A_1147 = tpu.memref_squeeze %dma_wait3A_1146 : memref<1x1x40x32xf32, #tpu.memory_space<vmem>> -> memref<40x32xf32, #tpu.memory_space<vmem>>
        %dma_wait3A_1148 = arith.constant 40 : i32
        %dma_wait3A_1149 = tpu.memref_slice %arg5[%dma_wait3A_1140, %dma_wait3A_1141, %dma_wait3A_1148] : memref<2x4x200xi32, #tpu.memory_space<vmem>> -> memref<1x1x40xi32, #tpu.memory_space<vmem>>
        %dma_wait3A_1150 = tpu.memref_squeeze %dma_wait3A_1149 : memref<1x1x40xi32, #tpu.memory_space<vmem>> -> memref<40xi32, #tpu.memory_space<vmem>>
        %dma_wait3A_1151 = arith.constant 0 : i32
        %dma_wait3A_1152 = arith.constant 0 : i32
        %dma_wait3A_1153 = tpu.memref_slice %arg3[%dma_wait3A_1151, %dma_wait3A_1152] : memref<1000000x32xf32, #tpu.memory_space<hbm>> -> memref<1000000x32xf32, #tpu.memory_space<hbm>>
        tpu.wait_indirect_dma semaphore(%arg9 : memref<!tpu.dma_semaphore, #tpu.memory_space<semaphore_mem>>) src(%dma_wait3A_1153 : memref<1000000x32xf32, #tpu.memory_space<hbm>>) dst(%dma_wait3A_1147 : memref<40x32xf32, #tpu.memory_space<vmem>>)
        %dma_wait3A_1154 = arith.constant 0 : i32
        %dma_wait3A_1155 = arith.constant 2 : i32
        %dma_wait3A_1156 = arith.constant 0 : i32
        %dma_wait3A_1157 = arith.constant 2 : i32
        %dma_wait3A_1158 = arith.constant 80 : i32
        %dma_wait3A_1159 = arith.constant 0 : i32
        %dma_wait3A_1160 = tpu.memref_slice %arg6[%dma_wait3A_1156, %dma_wait3A_1157, %dma_wait3A_1158, %dma_wait3A_1159] : memref<2x4x200x32xf32, #tpu.memory_space<vmem>> -> memref<1x1x40x32xf32, #tpu.memory_space<vmem>>
        %dma_wait3A_1161 = tpu.memref_squeeze %dma_wait3A_1160 : memref<1x1x40x32xf32, #tpu.memory_space<vmem>> -> memref<40x32xf32, #tpu.memory_space<vmem>>
        %dma_wait3A_1162 = arith.constant 80 : i32
        %dma_wait3A_1163 = tpu.memref_slice %arg5[%dma_wait3A_1154, %dma_wait3A_1155, %dma_wait3A_1162] : memref<2x4x200xi32, #tpu.memory_space<vmem>> -> memref<1x1x40xi32, #tpu.memory_space<vmem>>
        %dma_wait3A_1164 = tpu.memref_squeeze %dma_wait3A_1163 : memref<1x1x40xi32, #tpu.memory_space<vmem>> -> memref<40xi32, #tpu.memory_space<vmem>>
        %dma_wait3A_1165 = arith.constant 0 : i32
        %dma_wait3A_1166 = arith.constant 0 : i32
        %dma_wait3A_1167 = tpu.memref_slice %arg3[%dma_wait3A_1165, %dma_wait3A_1166] : memref<1000000x32xf32, #tpu.memory_space<hbm>> -> memref<1000000x32xf32, #tpu.memory_space<hbm>>
        tpu.wait_indirect_dma semaphore(%arg9 : memref<!tpu.dma_semaphore, #tpu.memory_space<semaphore_mem>>) src(%dma_wait3A_1167 : memref<1000000x32xf32, #tpu.memory_space<hbm>>) dst(%dma_wait3A_1161 : memref<40x32xf32, #tpu.memory_space<vmem>>)
        %dma_wait3A_1168 = arith.constant 0 : i32
        %dma_wait3A_1169 = arith.constant 2 : i32
        %dma_wait3A_1170 = arith.constant 0 : i32
        %dma_wait3A_1171 = arith.constant 2 : i32
        %dma_wait3A_1172 = arith.constant 120 : i32
        %dma_wait3A_1173 = arith.constant 0 : i32
        %dma_wait3A_1174 = tpu.memref_slice %arg6[%dma_wait3A_1170, %dma_wait3A_1171, %dma_wait3A_1172, %dma_wait3A_1173] : memref<2x4x200x32xf32, #tpu.memory_space<vmem>> -> memref<1x1x40x32xf32, #tpu.memory_space<vmem>>
        %dma_wait3A_1175 = tpu.memref_squeeze %dma_wait3A_1174 : memref<1x1x40x32xf32, #tpu.memory_space<vmem>> -> memref<40x32xf32, #tpu.memory_space<vmem>>
        %dma_wait3A_1176 = arith.constant 120 : i32
        %dma_wait3A_1177 = tpu.memref_slice %arg5[%dma_wait3A_1168, %dma_wait3A_1169, %dma_wait3A_1176] : memref<2x4x200xi32, #tpu.memory_space<vmem>> -> memref<1x1x40xi32, #tpu.memory_space<vmem>>
        %dma_wait3A_1178 = tpu.memref_squeeze %dma_wait3A_1177 : memref<1x1x40xi32, #tpu.memory_space<vmem>> -> memref<40xi32, #tpu.memory_space<vmem>>
        %dma_wait3A_1179 = arith.constant 0 : i32
        %dma_wait3A_1180 = arith.constant 0 : i32
        %dma_wait3A_1181 = tpu.memref_slice %arg3[%dma_wait3A_1179, %dma_wait3A_1180] : memref<1000000x32xf32, #tpu.memory_space<hbm>> -> memref<1000000x32xf32, #tpu.memory_space<hbm>>
        tpu.wait_indirect_dma semaphore(%arg9 : memref<!tpu.dma_semaphore, #tpu.memory_space<semaphore_mem>>) src(%dma_wait3A_1181 : memref<1000000x32xf32, #tpu.memory_space<hbm>>) dst(%dma_wait3A_1175 : memref<40x32xf32, #tpu.memory_space<vmem>>)
        %dma_wait3A_1182 = arith.constant 0 : i32
        %dma_wait3A_1183 = arith.constant 2 : i32
        %dma_wait3A_1184 = arith.constant 0 : i32
        %dma_wait3A_1185 = arith.constant 2 : i32
        %dma_wait3A_1186 = arith.constant 160 : i32
        %dma_wait3A_1187 = arith.constant 0 : i32
        %dma_wait3A_1188 = tpu.memref_slice %arg6[%dma_wait3A_1184, %dma_wait3A_1185, %dma_wait3A_1186, %dma_wait3A_1187] : memref<2x4x200x32xf32, #tpu.memory_space<vmem>> -> memref<1x1x40x32xf32, #tpu.memory_space<vmem>>
        %dma_wait3A_1189 = tpu.memref_squeeze %dma_wait3A_1188 : memref<1x1x40x32xf32, #tpu.memory_space<vmem>> -> memref<40x32xf32, #tpu.memory_space<vmem>>
        %dma_wait3A_1190 = arith.constant 160 : i32
        %dma_wait3A_1191 = tpu.memref_slice %arg5[%dma_wait3A_1182, %dma_wait3A_1183, %dma_wait3A_1190] : memref<2x4x200xi32, #tpu.memory_space<vmem>> -> memref<1x1x40xi32, #tpu.memory_space<vmem>>
        %dma_wait3A_1192 = tpu.memref_squeeze %dma_wait3A_1191 : memref<1x1x40xi32, #tpu.memory_space<vmem>> -> memref<40xi32, #tpu.memory_space<vmem>>
        %dma_wait3A_1193 = arith.constant 0 : i32
        %dma_wait3A_1194 = arith.constant 0 : i32
        %dma_wait3A_1195 = tpu.memref_slice %arg3[%dma_wait3A_1193, %dma_wait3A_1194] : memref<1000000x32xf32, #tpu.memory_space<hbm>> -> memref<1000000x32xf32, #tpu.memory_space<hbm>>
        tpu.wait_indirect_dma semaphore(%arg9 : memref<!tpu.dma_semaphore, #tpu.memory_space<semaphore_mem>>) src(%dma_wait3A_1195 : memref<1000000x32xf32, #tpu.memory_space<hbm>>) dst(%dma_wait3A_1189 : memref<40x32xf32, #tpu.memory_space<vmem>>)
        %dma_wait3A_1196 = arith.constant 0 : i32
        %dma_wait3A_1197 = arith.constant 3 : i32
        %dma_wait3A_1198 = arith.constant 0 : i32
        %dma_wait3A_1199 = arith.constant 3 : i32
        %dma_wait3A_1200 = arith.constant 0 : i32
        %dma_wait3A_1201 = arith.constant 0 : i32
        %dma_wait3A_1202 = tpu.memref_slice %arg6[%dma_wait3A_1198, %dma_wait3A_1199, %dma_wait3A_1200, %dma_wait3A_1201] : memref<2x4x200x32xf32, #tpu.memory_space<vmem>> -> memref<1x1x40x32xf32, #tpu.memory_space<vmem>>
        %dma_wait3A_1203 = tpu.memref_squeeze %dma_wait3A_1202 : memref<1x1x40x32xf32, #tpu.memory_space<vmem>> -> memref<40x32xf32, #tpu.memory_space<vmem>>
        %dma_wait3A_1204 = arith.constant 0 : i32
        %dma_wait3A_1205 = tpu.memref_slice %arg5[%dma_wait3A_1196, %dma_wait3A_1197, %dma_wait3A_1204] : memref<2x4x200xi32, #tpu.memory_space<vmem>> -> memref<1x1x40xi32, #tpu.memory_space<vmem>>
        %dma_wait3A_1206 = tpu.memref_squeeze %dma_wait3A_1205 : memref<1x1x40xi32, #tpu.memory_space<vmem>> -> memref<40xi32, #tpu.memory_space<vmem>>
        %dma_wait3A_1207 = arith.constant 0 : i32
        %dma_wait3A_1208 = arith.constant 0 : i32
        %dma_wait3A_1209 = tpu.memref_slice %arg3[%dma_wait3A_1207, %dma_wait3A_1208] : memref<1000000x32xf32, #tpu.memory_space<hbm>> -> memref<1000000x32xf32, #tpu.memory_space<hbm>>
        tpu.wait_indirect_dma semaphore(%arg9 : memref<!tpu.dma_semaphore, #tpu.memory_space<semaphore_mem>>) src(%dma_wait3A_1209 : memref<1000000x32xf32, #tpu.memory_space<hbm>>) dst(%dma_wait3A_1203 : memref<40x32xf32, #tpu.memory_space<vmem>>)
        %dma_wait3A_1210 = arith.constant 0 : i32
        %dma_wait3A_1211 = arith.constant 3 : i32
        %dma_wait3A_1212 = arith.constant 0 : i32
        %dma_wait3A_1213 = arith.constant 3 : i32
        %dma_wait3A_1214 = arith.constant 40 : i32
        %dma_wait3A_1215 = arith.constant 0 : i32
        %dma_wait3A_1216 = tpu.memref_slice %arg6[%dma_wait3A_1212, %dma_wait3A_1213, %dma_wait3A_1214, %dma_wait3A_1215] : memref<2x4x200x32xf32, #tpu.memory_space<vmem>> -> memref<1x1x40x32xf32, #tpu.memory_space<vmem>>
        %dma_wait3A_1217 = tpu.memref_squeeze %dma_wait3A_1216 : memref<1x1x40x32xf32, #tpu.memory_space<vmem>> -> memref<40x32xf32, #tpu.memory_space<vmem>>
        %dma_wait3A_1218 = arith.constant 40 : i32
        %dma_wait3A_1219 = tpu.memref_slice %arg5[%dma_wait3A_1210, %dma_wait3A_1211, %dma_wait3A_1218] : memref<2x4x200xi32, #tpu.memory_space<vmem>> -> memref<1x1x40xi32, #tpu.memory_space<vmem>>
        %dma_wait3A_1220 = tpu.memref_squeeze %dma_wait3A_1219 : memref<1x1x40xi32, #tpu.memory_space<vmem>> -> memref<40xi32, #tpu.memory_space<vmem>>
        %dma_wait3A_1221 = arith.constant 0 : i32
        %dma_wait3A_1222 = arith.constant 0 : i32
        %dma_wait3A_1223 = tpu.memref_slice %arg3[%dma_wait3A_1221, %dma_wait3A_1222] : memref<1000000x32xf32, #tpu.memory_space<hbm>> -> memref<1000000x32xf32, #tpu.memory_space<hbm>>
        tpu.wait_indirect_dma semaphore(%arg9 : memref<!tpu.dma_semaphore, #tpu.memory_space<semaphore_mem>>) src(%dma_wait3A_1223 : memref<1000000x32xf32, #tpu.memory_space<hbm>>) dst(%dma_wait3A_1217 : memref<40x32xf32, #tpu.memory_space<vmem>>)
        %dma_wait3A_1224 = arith.constant 0 : i32
        %dma_wait3A_1225 = arith.constant 3 : i32
        %dma_wait3A_1226 = arith.constant 0 : i32
        %dma_wait3A_1227 = arith.constant 3 : i32
        %dma_wait3A_1228 = arith.constant 80 : i32
        %dma_wait3A_1229 = arith.constant 0 : i32
        %dma_wait3A_1230 = tpu.memref_slice %arg6[%dma_wait3A_1226, %dma_wait3A_1227, %dma_wait3A_1228, %dma_wait3A_1229] : memref<2x4x200x32xf32, #tpu.memory_space<vmem>> -> memref<1x1x40x32xf32, #tpu.memory_space<vmem>>
        %dma_wait3A_1231 = tpu.memref_squeeze %dma_wait3A_1230 : memref<1x1x40x32xf32, #tpu.memory_space<vmem>> -> memref<40x32xf32, #tpu.memory_space<vmem>>
        %dma_wait3A_1232 = arith.constant 80 : i32
        %dma_wait3A_1233 = tpu.memref_slice %arg5[%dma_wait3A_1224, %dma_wait3A_1225, %dma_wait3A_1232] : memref<2x4x200xi32, #tpu.memory_space<vmem>> -> memref<1x1x40xi32, #tpu.memory_space<vmem>>
        %dma_wait3A_1234 = tpu.memref_squeeze %dma_wait3A_1233 : memref<1x1x40xi32, #tpu.memory_space<vmem>> -> memref<40xi32, #tpu.memory_space<vmem>>
        %dma_wait3A_1235 = arith.constant 0 : i32
        %dma_wait3A_1236 = arith.constant 0 : i32
        %dma_wait3A_1237 = tpu.memref_slice %arg3[%dma_wait3A_1235, %dma_wait3A_1236] : memref<1000000x32xf32, #tpu.memory_space<hbm>> -> memref<1000000x32xf32, #tpu.memory_space<hbm>>
        tpu.wait_indirect_dma semaphore(%arg9 : memref<!tpu.dma_semaphore, #tpu.memory_space<semaphore_mem>>) src(%dma_wait3A_1237 : memref<1000000x32xf32, #tpu.memory_space<hbm>>) dst(%dma_wait3A_1231 : memref<40x32xf32, #tpu.memory_space<vmem>>)
        %dma_wait3A_1238 = arith.constant 0 : i32
        %dma_wait3A_1239 = arith.constant 3 : i32
        %dma_wait3A_1240 = arith.constant 0 : i32
        %dma_wait3A_1241 = arith.constant 3 : i32
        %dma_wait3A_1242 = arith.constant 120 : i32
        %dma_wait3A_1243 = arith.constant 0 : i32
        %dma_wait3A_1244 = tpu.memref_slice %arg6[%dma_wait3A_1240, %dma_wait3A_1241, %dma_wait3A_1242, %dma_wait3A_1243] : memref<2x4x200x32xf32, #tpu.memory_space<vmem>> -> memref<1x1x40x32xf32, #tpu.memory_space<vmem>>
        %dma_wait3A_1245 = tpu.memref_squeeze %dma_wait3A_1244 : memref<1x1x40x32xf32, #tpu.memory_space<vmem>> -> memref<40x32xf32, #tpu.memory_space<vmem>>
        %dma_wait3A_1246 = arith.constant 120 : i32
        %dma_wait3A_1247 = tpu.memref_slice %arg5[%dma_wait3A_1238, %dma_wait3A_1239, %dma_wait3A_1246] : memref<2x4x200xi32, #tpu.memory_space<vmem>> -> memref<1x1x40xi32, #tpu.memory_space<vmem>>
        %dma_wait3A_1248 = tpu.memref_squeeze %dma_wait3A_1247 : memref<1x1x40xi32, #tpu.memory_space<vmem>> -> memref<40xi32, #tpu.memory_space<vmem>>
        %dma_wait3A_1249 = arith.constant 0 : i32
        %dma_wait3A_1250 = arith.constant 0 : i32
        %dma_wait3A_1251 = tpu.memref_slice %arg3[%dma_wait3A_1249, %dma_wait3A_1250] : memref<1000000x32xf32, #tpu.memory_space<hbm>> -> memref<1000000x32xf32, #tpu.memory_space<hbm>>
        tpu.wait_indirect_dma semaphore(%arg9 : memref<!tpu.dma_semaphore, #tpu.memory_space<semaphore_mem>>) src(%dma_wait3A_1251 : memref<1000000x32xf32, #tpu.memory_space<hbm>>) dst(%dma_wait3A_1245 : memref<40x32xf32, #tpu.memory_space<vmem>>)
        %dma_wait3A_1252 = arith.constant 0 : i32
        %dma_wait3A_1253 = arith.constant 3 : i32
        %dma_wait3A_1254 = arith.constant 0 : i32
        %dma_wait3A_1255 = arith.constant 3 : i32
        %dma_wait3A_1256 = arith.constant 160 : i32
        %dma_wait3A_1257 = arith.constant 0 : i32
        %dma_wait3A_1258 = tpu.memref_slice %arg6[%dma_wait3A_1254, %dma_wait3A_1255, %dma_wait3A_1256, %dma_wait3A_1257] : memref<2x4x200x32xf32, #tpu.memory_space<vmem>> -> memref<1x1x40x32xf32, #tpu.memory_space<vmem>>
        %dma_wait3A_1259 = tpu.memref_squeeze %dma_wait3A_1258 : memref<1x1x40x32xf32, #tpu.memory_space<vmem>> -> memref<40x32xf32, #tpu.memory_space<vmem>>
        %dma_wait3A_1260 = arith.constant 160 : i32
        %dma_wait3A_1261 = tpu.memref_slice %arg5[%dma_wait3A_1252, %dma_wait3A_1253, %dma_wait3A_1260] : memref<2x4x200xi32, #tpu.memory_space<vmem>> -> memref<1x1x40xi32, #tpu.memory_space<vmem>>
        %dma_wait3A_1262 = tpu.memref_squeeze %dma_wait3A_1261 : memref<1x1x40xi32, #tpu.memory_space<vmem>> -> memref<40xi32, #tpu.memory_space<vmem>>
        %dma_wait3A_1263 = arith.constant 0 : i32
        %dma_wait3A_1264 = arith.constant 0 : i32
        %dma_wait3A_1265 = tpu.memref_slice %arg3[%dma_wait3A_1263, %dma_wait3A_1264] : memref<1000000x32xf32, #tpu.memory_space<hbm>> -> memref<1000000x32xf32, #tpu.memory_space<hbm>>
        tpu.wait_indirect_dma semaphore(%arg9 : memref<!tpu.dma_semaphore, #tpu.memory_space<semaphore_mem>>) src(%dma_wait3A_1265 : memref<1000000x32xf32, #tpu.memory_space<hbm>>) dst(%dma_wait3A_1259 : memref<40x32xf32, #tpu.memory_space<vmem>>)
        %sub3A = arith.constant 1 : i32
        %sub3A_1266 = arith.subi %add3A_673, %sub3A : i32
        %mul3A_1267 = arith.constant 4 : i32
        %mul3A_1268 = arith.muli %sub3A_1266, %mul3A_1267 : i32
        %add3A_1269 = arith.addi %mul3A_2, %mul3A_1268 : i32
        %dma_start3A_1270 = arith.constant 0 : i32
        %dma_start3A_1271 = arith.constant 0 : i32
        %dma_start3A_1272 = arith.constant 0 : i32
        %dma_start3A_1273 = arith.constant 0 : i32
        %dma_start3A_1274 = tpu.memref_slice %arg6[%dma_start3A_1270, %dma_start3A_1271, %dma_start3A_1272, %dma_start3A_1273] : memref<2x4x200x32xf32, #tpu.memory_space<vmem>> -> memref<1x4x200x32xf32, #tpu.memory_space<vmem>>
        %dma_start3A_1275 = tpu.memref_squeeze %dma_start3A_1274 : memref<1x4x200x32xf32, #tpu.memory_space<vmem>> -> memref<4x200x32xf32, #tpu.memory_space<vmem>>
        %dma_start3A_1276 = arith.constant 0 : i32
        %dma_start3A_1277 = arith.constant 0 : i32
        %dma_start3A_1278 = tpu.memref_slice %arg4[%add3A_1269, %dma_start3A_1276, %dma_start3A_1277] : memref<16384x200x32xf32, #tpu.memory_space<hbm>> -> memref<4x200x32xf32, #tpu.memory_space<hbm>>
        %dma_start3A_1279 = arith.constant 0 : i32
        %dma_start3A_1280 = arith.constant 0 : i32
        %dma_start3A_1281 = tpu.memref_slice %arg4[%add3A_1269, %dma_start3A_1279, %dma_start3A_1280] : memref<16384x200x32xf32, #tpu.memory_space<hbm>> -> memref<4x200x32xf32, #tpu.memory_space<hbm>>
        %dma_start3A_1282 = arith.constant 0 : i32
        %dma_start3A_1283 = arith.constant 0 : i32
        %dma_start3A_1284 = arith.constant 0 : i32
        %dma_start3A_1285 = tpu.memref_slice %arg6[%dma_start3A_1270, %dma_start3A_1282, %dma_start3A_1283, %dma_start3A_1284] : memref<2x4x200x32xf32, #tpu.memory_space<vmem>> -> memref<1x4x200x32xf32, #tpu.memory_space<vmem>>
        %dma_start3A_1286 = tpu.memref_squeeze %dma_start3A_1285 : memref<1x4x200x32xf32, #tpu.memory_space<vmem>> -> memref<4x200x32xf32, #tpu.memory_space<vmem>>
        tpu.enqueue_dma source(%dma_start3A_1286 : memref<4x200x32xf32, #tpu.memory_space<vmem>>) target(%dma_start3A_1281 : memref<4x200x32xf32, #tpu.memory_space<hbm>>) target_semaphore(%arg11 : memref<!tpu.dma_semaphore, #tpu.memory_space<semaphore_mem>>)
      } else {
      }
      %add3A_979 = arith.constant 1 : i32
      %add3A_980 = arith.addi %add3A_673, %add3A_979 : i32
      %lt3A_981 = arith.constant 128 : i32
      %lt3A_982 = arith.cmpi slt, %add3A_980, %lt3A_981 : i32
      %convert_element_type3A_983 = arith.extui %lt3A_982 : i1 to i32
      %cond3A_984 = arith.constant 0 : i32
      %cond3A_985 = arith.cmpi ne, %convert_element_type3A_983, %cond3A_984 : i32
      scf.if %cond3A_985 {
        %add3A_986 = arith.constant 1 : i32
        %add3A_987 = arith.addi %add3A_673, %add3A_986 : i32
        %mul3A_988 = arith.constant 4 : i32
        %mul3A_989 = arith.muli %add3A_987, %mul3A_988 : i32
        %add3A_990 = arith.addi %mul3A_2, %mul3A_989 : i32
        %dma_start3A_991 = arith.constant 0 : i32
        %dma_start3A_992 = arith.constant 0 : i32
        %dma_start3A_993 = arith.constant 0 : i32
        %dma_start3A_994 = tpu.memref_slice %arg5[%dma_start3A_991, %dma_start3A_992, %dma_start3A_993] : memref<2x4x200xi32, #tpu.memory_space<vmem>> -> memref<1x4x200xi32, #tpu.memory_space<vmem>>
        %dma_start3A_995 = tpu.memref_squeeze %dma_start3A_994 : memref<1x4x200xi32, #tpu.memory_space<vmem>> -> memref<4x200xi32, #tpu.memory_space<vmem>>
        %dma_start3A_996 = arith.constant 0 : i32
        %dma_start3A_997 = tpu.memref_slice %arg2[%add3A_990, %dma_start3A_996] : memref<16384x200xi32, #tpu.memory_space<hbm>> -> memref<4x200xi32, #tpu.memory_space<hbm>>
        %dma_start3A_998 = arith.constant 0 : i32
        %dma_start3A_999 = arith.constant 0 : i32
        %dma_start3A_1000 = tpu.memref_slice %arg5[%dma_start3A_991, %dma_start3A_998, %dma_start3A_999] : memref<2x4x200xi32, #tpu.memory_space<vmem>> -> memref<1x4x200xi32, #tpu.memory_space<vmem>>
        %dma_start3A_1001 = tpu.memref_squeeze %dma_start3A_1000 : memref<1x4x200xi32, #tpu.memory_space<vmem>> -> memref<4x200xi32, #tpu.memory_space<vmem>>
        %dma_start3A_1002 = arith.constant 0 : i32
        %dma_start3A_1003 = tpu.memref_slice %arg2[%add3A_990, %dma_start3A_1002] : memref<16384x200xi32, #tpu.memory_space<hbm>> -> memref<4x200xi32, #tpu.memory_space<hbm>>
        tpu.enqueue_dma source(%dma_start3A_1003 : memref<4x200xi32, #tpu.memory_space<hbm>>) target(%dma_start3A_1001 : memref<4x200xi32, #tpu.memory_space<vmem>>) target_semaphore(%arg7 : memref<!tpu.dma_semaphore, #tpu.memory_space<semaphore_mem>>)
      } else {
      }
    }
    %scan3A_20 = arith.constant 64 : i32
    %dma_wait3A = arith.constant 1 : i32
    %dma_wait3A_21 = arith.constant 0 : i32
    %dma_wait3A_22 = arith.constant 1 : i32
    %dma_wait3A_23 = arith.constant 0 : i32
    %dma_wait3A_24 = arith.constant 0 : i32
    %dma_wait3A_25 = arith.constant 0 : i32
    %dma_wait3A_26 = tpu.memref_slice %arg6[%dma_wait3A_22, %dma_wait3A_23, %dma_wait3A_24, %dma_wait3A_25] : memref<2x4x200x32xf32, #tpu.memory_space<vmem>> -> memref<1x1x40x32xf32, #tpu.memory_space<vmem>>
    %dma_wait3A_27 = tpu.memref_squeeze %dma_wait3A_26 : memref<1x1x40x32xf32, #tpu.memory_space<vmem>> -> memref<40x32xf32, #tpu.memory_space<vmem>>
    %dma_wait3A_28 = arith.constant 0 : i32
    %dma_wait3A_29 = tpu.memref_slice %arg5[%dma_wait3A, %dma_wait3A_21, %dma_wait3A_28] : memref<2x4x200xi32, #tpu.memory_space<vmem>> -> memref<1x1x40xi32, #tpu.memory_space<vmem>>
    %dma_wait3A_30 = tpu.memref_squeeze %dma_wait3A_29 : memref<1x1x40xi32, #tpu.memory_space<vmem>> -> memref<40xi32, #tpu.memory_space<vmem>>
    %dma_wait3A_31 = arith.constant 0 : i32
    %dma_wait3A_32 = arith.constant 0 : i32
    %dma_wait3A_33 = tpu.memref_slice %arg3[%dma_wait3A_31, %dma_wait3A_32] : memref<1000000x32xf32, #tpu.memory_space<hbm>> -> memref<1000000x32xf32, #tpu.memory_space<hbm>>
    tpu.wait_indirect_dma semaphore(%arg10 : memref<!tpu.dma_semaphore, #tpu.memory_space<semaphore_mem>>) src(%dma_wait3A_33 : memref<1000000x32xf32, #tpu.memory_space<hbm>>) dst(%dma_wait3A_27 : memref<40x32xf32, #tpu.memory_space<vmem>>)
    %dma_wait3A_34 = arith.constant 1 : i32
    %dma_wait3A_35 = arith.constant 0 : i32
    %dma_wait3A_36 = arith.constant 1 : i32
    %dma_wait3A_37 = arith.constant 0 : i32
    %dma_wait3A_38 = arith.constant 40 : i32
    %dma_wait3A_39 = arith.constant 0 : i32
    %dma_wait3A_40 = tpu.memref_slice %arg6[%dma_wait3A_36, %dma_wait3A_37, %dma_wait3A_38, %dma_wait3A_39] : memref<2x4x200x32xf32, #tpu.memory_space<vmem>> -> memref<1x1x40x32xf32, #tpu.memory_space<vmem>>
    %dma_wait3A_41 = tpu.memref_squeeze %dma_wait3A_40 : memref<1x1x40x32xf32, #tpu.memory_space<vmem>> -> memref<40x32xf32, #tpu.memory_space<vmem>>
    %dma_wait3A_42 = arith.constant 40 : i32
    %dma_wait3A_43 = tpu.memref_slice %arg5[%dma_wait3A_34, %dma_wait3A_35, %dma_wait3A_42] : memref<2x4x200xi32, #tpu.memory_space<vmem>> -> memref<1x1x40xi32, #tpu.memory_space<vmem>>
    %dma_wait3A_44 = tpu.memref_squeeze %dma_wait3A_43 : memref<1x1x40xi32, #tpu.memory_space<vmem>> -> memref<40xi32, #tpu.memory_space<vmem>>
    %dma_wait3A_45 = arith.constant 0 : i32
    %dma_wait3A_46 = arith.constant 0 : i32
    %dma_wait3A_47 = tpu.memref_slice %arg3[%dma_wait3A_45, %dma_wait3A_46] : memref<1000000x32xf32, #tpu.memory_space<hbm>> -> memref<1000000x32xf32, #tpu.memory_space<hbm>>
    tpu.wait_indirect_dma semaphore(%arg10 : memref<!tpu.dma_semaphore, #tpu.memory_space<semaphore_mem>>) src(%dma_wait3A_47 : memref<1000000x32xf32, #tpu.memory_space<hbm>>) dst(%dma_wait3A_41 : memref<40x32xf32, #tpu.memory_space<vmem>>)
    %dma_wait3A_48 = arith.constant 1 : i32
    %dma_wait3A_49 = arith.constant 0 : i32
    %dma_wait3A_50 = arith.constant 1 : i32
    %dma_wait3A_51 = arith.constant 0 : i32
    %dma_wait3A_52 = arith.constant 80 : i32
    %dma_wait3A_53 = arith.constant 0 : i32
    %dma_wait3A_54 = tpu.memref_slice %arg6[%dma_wait3A_50, %dma_wait3A_51, %dma_wait3A_52, %dma_wait3A_53] : memref<2x4x200x32xf32, #tpu.memory_space<vmem>> -> memref<1x1x40x32xf32, #tpu.memory_space<vmem>>
    %dma_wait3A_55 = tpu.memref_squeeze %dma_wait3A_54 : memref<1x1x40x32xf32, #tpu.memory_space<vmem>> -> memref<40x32xf32, #tpu.memory_space<vmem>>
    %dma_wait3A_56 = arith.constant 80 : i32
    %dma_wait3A_57 = tpu.memref_slice %arg5[%dma_wait3A_48, %dma_wait3A_49, %dma_wait3A_56] : memref<2x4x200xi32, #tpu.memory_space<vmem>> -> memref<1x1x40xi32, #tpu.memory_space<vmem>>
    %dma_wait3A_58 = tpu.memref_squeeze %dma_wait3A_57 : memref<1x1x40xi32, #tpu.memory_space<vmem>> -> memref<40xi32, #tpu.memory_space<vmem>>
    %dma_wait3A_59 = arith.constant 0 : i32
    %dma_wait3A_60 = arith.constant 0 : i32
    %dma_wait3A_61 = tpu.memref_slice %arg3[%dma_wait3A_59, %dma_wait3A_60] : memref<1000000x32xf32, #tpu.memory_space<hbm>> -> memref<1000000x32xf32, #tpu.memory_space<hbm>>
    tpu.wait_indirect_dma semaphore(%arg10 : memref<!tpu.dma_semaphore, #tpu.memory_space<semaphore_mem>>) src(%dma_wait3A_61 : memref<1000000x32xf32, #tpu.memory_space<hbm>>) dst(%dma_wait3A_55 : memref<40x32xf32, #tpu.memory_space<vmem>>)
    %dma_wait3A_62 = arith.constant 1 : i32
    %dma_wait3A_63 = arith.constant 0 : i32
    %dma_wait3A_64 = arith.constant 1 : i32
    %dma_wait3A_65 = arith.constant 0 : i32
    %dma_wait3A_66 = arith.constant 120 : i32
    %dma_wait3A_67 = arith.constant 0 : i32
    %dma_wait3A_68 = tpu.memref_slice %arg6[%dma_wait3A_64, %dma_wait3A_65, %dma_wait3A_66, %dma_wait3A_67] : memref<2x4x200x32xf32, #tpu.memory_space<vmem>> -> memref<1x1x40x32xf32, #tpu.memory_space<vmem>>
    %dma_wait3A_69 = tpu.memref_squeeze %dma_wait3A_68 : memref<1x1x40x32xf32, #tpu.memory_space<vmem>> -> memref<40x32xf32, #tpu.memory_space<vmem>>
    %dma_wait3A_70 = arith.constant 120 : i32
    %dma_wait3A_71 = tpu.memref_slice %arg5[%dma_wait3A_62, %dma_wait3A_63, %dma_wait3A_70] : memref<2x4x200xi32, #tpu.memory_space<vmem>> -> memref<1x1x40xi32, #tpu.memory_space<vmem>>
    %dma_wait3A_72 = tpu.memref_squeeze %dma_wait3A_71 : memref<1x1x40xi32, #tpu.memory_space<vmem>> -> memref<40xi32, #tpu.memory_space<vmem>>
    %dma_wait3A_73 = arith.constant 0 : i32
    %dma_wait3A_74 = arith.constant 0 : i32
    %dma_wait3A_75 = tpu.memref_slice %arg3[%dma_wait3A_73, %dma_wait3A_74] : memref<1000000x32xf32, #tpu.memory_space<hbm>> -> memref<1000000x32xf32, #tpu.memory_space<hbm>>
    tpu.wait_indirect_dma semaphore(%arg10 : memref<!tpu.dma_semaphore, #tpu.memory_space<semaphore_mem>>) src(%dma_wait3A_75 : memref<1000000x32xf32, #tpu.memory_space<hbm>>) dst(%dma_wait3A_69 : memref<40x32xf32, #tpu.memory_space<vmem>>)
    %dma_wait3A_76 = arith.constant 1 : i32
    %dma_wait3A_77 = arith.constant 0 : i32
    %dma_wait3A_78 = arith.constant 1 : i32
    %dma_wait3A_79 = arith.constant 0 : i32
    %dma_wait3A_80 = arith.constant 160 : i32
    %dma_wait3A_81 = arith.constant 0 : i32
    %dma_wait3A_82 = tpu.memref_slice %arg6[%dma_wait3A_78, %dma_wait3A_79, %dma_wait3A_80, %dma_wait3A_81] : memref<2x4x200x32xf32, #tpu.memory_space<vmem>> -> memref<1x1x40x32xf32, #tpu.memory_space<vmem>>
    %dma_wait3A_83 = tpu.memref_squeeze %dma_wait3A_82 : memref<1x1x40x32xf32, #tpu.memory_space<vmem>> -> memref<40x32xf32, #tpu.memory_space<vmem>>
    %dma_wait3A_84 = arith.constant 160 : i32
    %dma_wait3A_85 = tpu.memref_slice %arg5[%dma_wait3A_76, %dma_wait3A_77, %dma_wait3A_84] : memref<2x4x200xi32, #tpu.memory_space<vmem>> -> memref<1x1x40xi32, #tpu.memory_space<vmem>>
    %dma_wait3A_86 = tpu.memref_squeeze %dma_wait3A_85 : memref<1x1x40xi32, #tpu.memory_space<vmem>> -> memref<40xi32, #tpu.memory_space<vmem>>
    %dma_wait3A_87 = arith.constant 0 : i32
    %dma_wait3A_88 = arith.constant 0 : i32
    %dma_wait3A_89 = tpu.memref_slice %arg3[%dma_wait3A_87, %dma_wait3A_88] : memref<1000000x32xf32, #tpu.memory_space<hbm>> -> memref<1000000x32xf32, #tpu.memory_space<hbm>>
    tpu.wait_indirect_dma semaphore(%arg10 : memref<!tpu.dma_semaphore, #tpu.memory_space<semaphore_mem>>) src(%dma_wait3A_89 : memref<1000000x32xf32, #tpu.memory_space<hbm>>) dst(%dma_wait3A_83 : memref<40x32xf32, #tpu.memory_space<vmem>>)
    %dma_wait3A_90 = arith.constant 1 : i32
    %dma_wait3A_91 = arith.constant 1 : i32
    %dma_wait3A_92 = arith.constant 1 : i32
    %dma_wait3A_93 = arith.constant 1 : i32
    %dma_wait3A_94 = arith.constant 0 : i32
    %dma_wait3A_95 = arith.constant 0 : i32
    %dma_wait3A_96 = tpu.memref_slice %arg6[%dma_wait3A_92, %dma_wait3A_93, %dma_wait3A_94, %dma_wait3A_95] : memref<2x4x200x32xf32, #tpu.memory_space<vmem>> -> memref<1x1x40x32xf32, #tpu.memory_space<vmem>>
    %dma_wait3A_97 = tpu.memref_squeeze %dma_wait3A_96 : memref<1x1x40x32xf32, #tpu.memory_space<vmem>> -> memref<40x32xf32, #tpu.memory_space<vmem>>
    %dma_wait3A_98 = arith.constant 0 : i32
    %dma_wait3A_99 = tpu.memref_slice %arg5[%dma_wait3A_90, %dma_wait3A_91, %dma_wait3A_98] : memref<2x4x200xi32, #tpu.memory_space<vmem>> -> memref<1x1x40xi32, #tpu.memory_space<vmem>>
    %dma_wait3A_100 = tpu.memref_squeeze %dma_wait3A_99 : memref<1x1x40xi32, #tpu.memory_space<vmem>> -> memref<40xi32, #tpu.memory_space<vmem>>
    %dma_wait3A_101 = arith.constant 0 : i32
    %dma_wait3A_102 = arith.constant 0 : i32
    %dma_wait3A_103 = tpu.memref_slice %arg3[%dma_wait3A_101, %dma_wait3A_102] : memref<1000000x32xf32, #tpu.memory_space<hbm>> -> memref<1000000x32xf32, #tpu.memory_space<hbm>>
    tpu.wait_indirect_dma semaphore(%arg10 : memref<!tpu.dma_semaphore, #tpu.memory_space<semaphore_mem>>) src(%dma_wait3A_103 : memref<1000000x32xf32, #tpu.memory_space<hbm>>) dst(%dma_wait3A_97 : memref<40x32xf32, #tpu.memory_space<vmem>>)
    %dma_wait3A_104 = arith.constant 1 : i32
    %dma_wait3A_105 = arith.constant 1 : i32
    %dma_wait3A_106 = arith.constant 1 : i32
    %dma_wait3A_107 = arith.constant 1 : i32
    %dma_wait3A_108 = arith.constant 40 : i32
    %dma_wait3A_109 = arith.constant 0 : i32
    %dma_wait3A_110 = tpu.memref_slice %arg6[%dma_wait3A_106, %dma_wait3A_107, %dma_wait3A_108, %dma_wait3A_109] : memref<2x4x200x32xf32, #tpu.memory_space<vmem>> -> memref<1x1x40x32xf32, #tpu.memory_space<vmem>>
    %dma_wait3A_111 = tpu.memref_squeeze %dma_wait3A_110 : memref<1x1x40x32xf32, #tpu.memory_space<vmem>> -> memref<40x32xf32, #tpu.memory_space<vmem>>
    %dma_wait3A_112 = arith.constant 40 : i32
    %dma_wait3A_113 = tpu.memref_slice %arg5[%dma_wait3A_104, %dma_wait3A_105, %dma_wait3A_112] : memref<2x4x200xi32, #tpu.memory_space<vmem>> -> memref<1x1x40xi32, #tpu.memory_space<vmem>>
    %dma_wait3A_114 = tpu.memref_squeeze %dma_wait3A_113 : memref<1x1x40xi32, #tpu.memory_space<vmem>> -> memref<40xi32, #tpu.memory_space<vmem>>
    %dma_wait3A_115 = arith.constant 0 : i32
    %dma_wait3A_116 = arith.constant 0 : i32
    %dma_wait3A_117 = tpu.memref_slice %arg3[%dma_wait3A_115, %dma_wait3A_116] : memref<1000000x32xf32, #tpu.memory_space<hbm>> -> memref<1000000x32xf32, #tpu.memory_space<hbm>>
    tpu.wait_indirect_dma semaphore(%arg10 : memref<!tpu.dma_semaphore, #tpu.memory_space<semaphore_mem>>) src(%dma_wait3A_117 : memref<1000000x32xf32, #tpu.memory_space<hbm>>) dst(%dma_wait3A_111 : memref<40x32xf32, #tpu.memory_space<vmem>>)
    %dma_wait3A_118 = arith.constant 1 : i32
    %dma_wait3A_119 = arith.constant 1 : i32
    %dma_wait3A_120 = arith.constant 1 : i32
    %dma_wait3A_121 = arith.constant 1 : i32
    %dma_wait3A_122 = arith.constant 80 : i32
    %dma_wait3A_123 = arith.constant 0 : i32
    %dma_wait3A_124 = tpu.memref_slice %arg6[%dma_wait3A_120, %dma_wait3A_121, %dma_wait3A_122, %dma_wait3A_123] : memref<2x4x200x32xf32, #tpu.memory_space<vmem>> -> memref<1x1x40x32xf32, #tpu.memory_space<vmem>>
    %dma_wait3A_125 = tpu.memref_squeeze %dma_wait3A_124 : memref<1x1x40x32xf32, #tpu.memory_space<vmem>> -> memref<40x32xf32, #tpu.memory_space<vmem>>
    %dma_wait3A_126 = arith.constant 80 : i32
    %dma_wait3A_127 = tpu.memref_slice %arg5[%dma_wait3A_118, %dma_wait3A_119, %dma_wait3A_126] : memref<2x4x200xi32, #tpu.memory_space<vmem>> -> memref<1x1x40xi32, #tpu.memory_space<vmem>>
    %dma_wait3A_128 = tpu.memref_squeeze %dma_wait3A_127 : memref<1x1x40xi32, #tpu.memory_space<vmem>> -> memref<40xi32, #tpu.memory_space<vmem>>
    %dma_wait3A_129 = arith.constant 0 : i32
    %dma_wait3A_130 = arith.constant 0 : i32
    %dma_wait3A_131 = tpu.memref_slice %arg3[%dma_wait3A_129, %dma_wait3A_130] : memref<1000000x32xf32, #tpu.memory_space<hbm>> -> memref<1000000x32xf32, #tpu.memory_space<hbm>>
    tpu.wait_indirect_dma semaphore(%arg10 : memref<!tpu.dma_semaphore, #tpu.memory_space<semaphore_mem>>) src(%dma_wait3A_131 : memref<1000000x32xf32, #tpu.memory_space<hbm>>) dst(%dma_wait3A_125 : memref<40x32xf32, #tpu.memory_space<vmem>>)
    %dma_wait3A_132 = arith.constant 1 : i32
    %dma_wait3A_133 = arith.constant 1 : i32
    %dma_wait3A_134 = arith.constant 1 : i32
    %dma_wait3A_135 = arith.constant 1 : i32
    %dma_wait3A_136 = arith.constant 120 : i32
    %dma_wait3A_137 = arith.constant 0 : i32
    %dma_wait3A_138 = tpu.memref_slice %arg6[%dma_wait3A_134, %dma_wait3A_135, %dma_wait3A_136, %dma_wait3A_137] : memref<2x4x200x32xf32, #tpu.memory_space<vmem>> -> memref<1x1x40x32xf32, #tpu.memory_space<vmem>>
    %dma_wait3A_139 = tpu.memref_squeeze %dma_wait3A_138 : memref<1x1x40x32xf32, #tpu.memory_space<vmem>> -> memref<40x32xf32, #tpu.memory_space<vmem>>
    %dma_wait3A_140 = arith.constant 120 : i32
    %dma_wait3A_141 = tpu.memref_slice %arg5[%dma_wait3A_132, %dma_wait3A_133, %dma_wait3A_140] : memref<2x4x200xi32, #tpu.memory_space<vmem>> -> memref<1x1x40xi32, #tpu.memory_space<vmem>>
    %dma_wait3A_142 = tpu.memref_squeeze %dma_wait3A_141 : memref<1x1x40xi32, #tpu.memory_space<vmem>> -> memref<40xi32, #tpu.memory_space<vmem>>
    %dma_wait3A_143 = arith.constant 0 : i32
    %dma_wait3A_144 = arith.constant 0 : i32
    %dma_wait3A_145 = tpu.memref_slice %arg3[%dma_wait3A_143, %dma_wait3A_144] : memref<1000000x32xf32, #tpu.memory_space<hbm>> -> memref<1000000x32xf32, #tpu.memory_space<hbm>>
    tpu.wait_indirect_dma semaphore(%arg10 : memref<!tpu.dma_semaphore, #tpu.memory_space<semaphore_mem>>) src(%dma_wait3A_145 : memref<1000000x32xf32, #tpu.memory_space<hbm>>) dst(%dma_wait3A_139 : memref<40x32xf32, #tpu.memory_space<vmem>>)
    %dma_wait3A_146 = arith.constant 1 : i32
    %dma_wait3A_147 = arith.constant 1 : i32
    %dma_wait3A_148 = arith.constant 1 : i32
    %dma_wait3A_149 = arith.constant 1 : i32
    %dma_wait3A_150 = arith.constant 160 : i32
    %dma_wait3A_151 = arith.constant 0 : i32
    %dma_wait3A_152 = tpu.memref_slice %arg6[%dma_wait3A_148, %dma_wait3A_149, %dma_wait3A_150, %dma_wait3A_151] : memref<2x4x200x32xf32, #tpu.memory_space<vmem>> -> memref<1x1x40x32xf32, #tpu.memory_space<vmem>>
    %dma_wait3A_153 = tpu.memref_squeeze %dma_wait3A_152 : memref<1x1x40x32xf32, #tpu.memory_space<vmem>> -> memref<40x32xf32, #tpu.memory_space<vmem>>
    %dma_wait3A_154 = arith.constant 160 : i32
    %dma_wait3A_155 = tpu.memref_slice %arg5[%dma_wait3A_146, %dma_wait3A_147, %dma_wait3A_154] : memref<2x4x200xi32, #tpu.memory_space<vmem>> -> memref<1x1x40xi32, #tpu.memory_space<vmem>>
    %dma_wait3A_156 = tpu.memref_squeeze %dma_wait3A_155 : memref<1x1x40xi32, #tpu.memory_space<vmem>> -> memref<40xi32, #tpu.memory_space<vmem>>
    %dma_wait3A_157 = arith.constant 0 : i32
    %dma_wait3A_158 = arith.constant 0 : i32
    %dma_wait3A_159 = tpu.memref_slice %arg3[%dma_wait3A_157, %dma_wait3A_158] : memref<1000000x32xf32, #tpu.memory_space<hbm>> -> memref<1000000x32xf32, #tpu.memory_space<hbm>>
    tpu.wait_indirect_dma semaphore(%arg10 : memref<!tpu.dma_semaphore, #tpu.memory_space<semaphore_mem>>) src(%dma_wait3A_159 : memref<1000000x32xf32, #tpu.memory_space<hbm>>) dst(%dma_wait3A_153 : memref<40x32xf32, #tpu.memory_space<vmem>>)
    %dma_wait3A_160 = arith.constant 1 : i32
    %dma_wait3A_161 = arith.constant 2 : i32
    %dma_wait3A_162 = arith.constant 1 : i32
    %dma_wait3A_163 = arith.constant 2 : i32
    %dma_wait3A_164 = arith.constant 0 : i32
    %dma_wait3A_165 = arith.constant 0 : i32
    %dma_wait3A_166 = tpu.memref_slice %arg6[%dma_wait3A_162, %dma_wait3A_163, %dma_wait3A_164, %dma_wait3A_165] : memref<2x4x200x32xf32, #tpu.memory_space<vmem>> -> memref<1x1x40x32xf32, #tpu.memory_space<vmem>>
    %dma_wait3A_167 = tpu.memref_squeeze %dma_wait3A_166 : memref<1x1x40x32xf32, #tpu.memory_space<vmem>> -> memref<40x32xf32, #tpu.memory_space<vmem>>
    %dma_wait3A_168 = arith.constant 0 : i32
    %dma_wait3A_169 = tpu.memref_slice %arg5[%dma_wait3A_160, %dma_wait3A_161, %dma_wait3A_168] : memref<2x4x200xi32, #tpu.memory_space<vmem>> -> memref<1x1x40xi32, #tpu.memory_space<vmem>>
    %dma_wait3A_170 = tpu.memref_squeeze %dma_wait3A_169 : memref<1x1x40xi32, #tpu.memory_space<vmem>> -> memref<40xi32, #tpu.memory_space<vmem>>
    %dma_wait3A_171 = arith.constant 0 : i32
    %dma_wait3A_172 = arith.constant 0 : i32
    %dma_wait3A_173 = tpu.memref_slice %arg3[%dma_wait3A_171, %dma_wait3A_172] : memref<1000000x32xf32, #tpu.memory_space<hbm>> -> memref<1000000x32xf32, #tpu.memory_space<hbm>>
    tpu.wait_indirect_dma semaphore(%arg10 : memref<!tpu.dma_semaphore, #tpu.memory_space<semaphore_mem>>) src(%dma_wait3A_173 : memref<1000000x32xf32, #tpu.memory_space<hbm>>) dst(%dma_wait3A_167 : memref<40x32xf32, #tpu.memory_space<vmem>>)
    %dma_wait3A_174 = arith.constant 1 : i32
    %dma_wait3A_175 = arith.constant 2 : i32
    %dma_wait3A_176 = arith.constant 1 : i32
    %dma_wait3A_177 = arith.constant 2 : i32
    %dma_wait3A_178 = arith.constant 40 : i32
    %dma_wait3A_179 = arith.constant 0 : i32
    %dma_wait3A_180 = tpu.memref_slice %arg6[%dma_wait3A_176, %dma_wait3A_177, %dma_wait3A_178, %dma_wait3A_179] : memref<2x4x200x32xf32, #tpu.memory_space<vmem>> -> memref<1x1x40x32xf32, #tpu.memory_space<vmem>>
    %dma_wait3A_181 = tpu.memref_squeeze %dma_wait3A_180 : memref<1x1x40x32xf32, #tpu.memory_space<vmem>> -> memref<40x32xf32, #tpu.memory_space<vmem>>
    %dma_wait3A_182 = arith.constant 40 : i32
    %dma_wait3A_183 = tpu.memref_slice %arg5[%dma_wait3A_174, %dma_wait3A_175, %dma_wait3A_182] : memref<2x4x200xi32, #tpu.memory_space<vmem>> -> memref<1x1x40xi32, #tpu.memory_space<vmem>>
    %dma_wait3A_184 = tpu.memref_squeeze %dma_wait3A_183 : memref<1x1x40xi32, #tpu.memory_space<vmem>> -> memref<40xi32, #tpu.memory_space<vmem>>
    %dma_wait3A_185 = arith.constant 0 : i32
    %dma_wait3A_186 = arith.constant 0 : i32
    %dma_wait3A_187 = tpu.memref_slice %arg3[%dma_wait3A_185, %dma_wait3A_186] : memref<1000000x32xf32, #tpu.memory_space<hbm>> -> memref<1000000x32xf32, #tpu.memory_space<hbm>>
    tpu.wait_indirect_dma semaphore(%arg10 : memref<!tpu.dma_semaphore, #tpu.memory_space<semaphore_mem>>) src(%dma_wait3A_187 : memref<1000000x32xf32, #tpu.memory_space<hbm>>) dst(%dma_wait3A_181 : memref<40x32xf32, #tpu.memory_space<vmem>>)
    %dma_wait3A_188 = arith.constant 1 : i32
    %dma_wait3A_189 = arith.constant 2 : i32
    %dma_wait3A_190 = arith.constant 1 : i32
    %dma_wait3A_191 = arith.constant 2 : i32
    %dma_wait3A_192 = arith.constant 80 : i32
    %dma_wait3A_193 = arith.constant 0 : i32
    %dma_wait3A_194 = tpu.memref_slice %arg6[%dma_wait3A_190, %dma_wait3A_191, %dma_wait3A_192, %dma_wait3A_193] : memref<2x4x200x32xf32, #tpu.memory_space<vmem>> -> memref<1x1x40x32xf32, #tpu.memory_space<vmem>>
    %dma_wait3A_195 = tpu.memref_squeeze %dma_wait3A_194 : memref<1x1x40x32xf32, #tpu.memory_space<vmem>> -> memref<40x32xf32, #tpu.memory_space<vmem>>
    %dma_wait3A_196 = arith.constant 80 : i32
    %dma_wait3A_197 = tpu.memref_slice %arg5[%dma_wait3A_188, %dma_wait3A_189, %dma_wait3A_196] : memref<2x4x200xi32, #tpu.memory_space<vmem>> -> memref<1x1x40xi32, #tpu.memory_space<vmem>>
    %dma_wait3A_198 = tpu.memref_squeeze %dma_wait3A_197 : memref<1x1x40xi32, #tpu.memory_space<vmem>> -> memref<40xi32, #tpu.memory_space<vmem>>
    %dma_wait3A_199 = arith.constant 0 : i32
    %dma_wait3A_200 = arith.constant 0 : i32
    %dma_wait3A_201 = tpu.memref_slice %arg3[%dma_wait3A_199, %dma_wait3A_200] : memref<1000000x32xf32, #tpu.memory_space<hbm>> -> memref<1000000x32xf32, #tpu.memory_space<hbm>>
    tpu.wait_indirect_dma semaphore(%arg10 : memref<!tpu.dma_semaphore, #tpu.memory_space<semaphore_mem>>) src(%dma_wait3A_201 : memref<1000000x32xf32, #tpu.memory_space<hbm>>) dst(%dma_wait3A_195 : memref<40x32xf32, #tpu.memory_space<vmem>>)
    %dma_wait3A_202 = arith.constant 1 : i32
    %dma_wait3A_203 = arith.constant 2 : i32
    %dma_wait3A_204 = arith.constant 1 : i32
    %dma_wait3A_205 = arith.constant 2 : i32
    %dma_wait3A_206 = arith.constant 120 : i32
    %dma_wait3A_207 = arith.constant 0 : i32
    %dma_wait3A_208 = tpu.memref_slice %arg6[%dma_wait3A_204, %dma_wait3A_205, %dma_wait3A_206, %dma_wait3A_207] : memref<2x4x200x32xf32, #tpu.memory_space<vmem>> -> memref<1x1x40x32xf32, #tpu.memory_space<vmem>>
    %dma_wait3A_209 = tpu.memref_squeeze %dma_wait3A_208 : memref<1x1x40x32xf32, #tpu.memory_space<vmem>> -> memref<40x32xf32, #tpu.memory_space<vmem>>
    %dma_wait3A_210 = arith.constant 120 : i32
    %dma_wait3A_211 = tpu.memref_slice %arg5[%dma_wait3A_202, %dma_wait3A_203, %dma_wait3A_210] : memref<2x4x200xi32, #tpu.memory_space<vmem>> -> memref<1x1x40xi32, #tpu.memory_space<vmem>>
    %dma_wait3A_212 = tpu.memref_squeeze %dma_wait3A_211 : memref<1x1x40xi32, #tpu.memory_space<vmem>> -> memref<40xi32, #tpu.memory_space<vmem>>
    %dma_wait3A_213 = arith.constant 0 : i32
    %dma_wait3A_214 = arith.constant 0 : i32
    %dma_wait3A_215 = tpu.memref_slice %arg3[%dma_wait3A_213, %dma_wait3A_214] : memref<1000000x32xf32, #tpu.memory_space<hbm>> -> memref<1000000x32xf32, #tpu.memory_space<hbm>>
    tpu.wait_indirect_dma semaphore(%arg10 : memref<!tpu.dma_semaphore, #tpu.memory_space<semaphore_mem>>) src(%dma_wait3A_215 : memref<1000000x32xf32, #tpu.memory_space<hbm>>) dst(%dma_wait3A_209 : memref<40x32xf32, #tpu.memory_space<vmem>>)
    %dma_wait3A_216 = arith.constant 1 : i32
    %dma_wait3A_217 = arith.constant 2 : i32
    %dma_wait3A_218 = arith.constant 1 : i32
    %dma_wait3A_219 = arith.constant 2 : i32
    %dma_wait3A_220 = arith.constant 160 : i32
    %dma_wait3A_221 = arith.constant 0 : i32
    %dma_wait3A_222 = tpu.memref_slice %arg6[%dma_wait3A_218, %dma_wait3A_219, %dma_wait3A_220, %dma_wait3A_221] : memref<2x4x200x32xf32, #tpu.memory_space<vmem>> -> memref<1x1x40x32xf32, #tpu.memory_space<vmem>>
    %dma_wait3A_223 = tpu.memref_squeeze %dma_wait3A_222 : memref<1x1x40x32xf32, #tpu.memory_space<vmem>> -> memref<40x32xf32, #tpu.memory_space<vmem>>
    %dma_wait3A_224 = arith.constant 160 : i32
    %dma_wait3A_225 = tpu.memref_slice %arg5[%dma_wait3A_216, %dma_wait3A_217, %dma_wait3A_224] : memref<2x4x200xi32, #tpu.memory_space<vmem>> -> memref<1x1x40xi32, #tpu.memory_space<vmem>>
    %dma_wait3A_226 = tpu.memref_squeeze %dma_wait3A_225 : memref<1x1x40xi32, #tpu.memory_space<vmem>> -> memref<40xi32, #tpu.memory_space<vmem>>
    %dma_wait3A_227 = arith.constant 0 : i32
    %dma_wait3A_228 = arith.constant 0 : i32
    %dma_wait3A_229 = tpu.memref_slice %arg3[%dma_wait3A_227, %dma_wait3A_228] : memref<1000000x32xf32, #tpu.memory_space<hbm>> -> memref<1000000x32xf32, #tpu.memory_space<hbm>>
    tpu.wait_indirect_dma semaphore(%arg10 : memref<!tpu.dma_semaphore, #tpu.memory_space<semaphore_mem>>) src(%dma_wait3A_229 : memref<1000000x32xf32, #tpu.memory_space<hbm>>) dst(%dma_wait3A_223 : memref<40x32xf32, #tpu.memory_space<vmem>>)
    %dma_wait3A_230 = arith.constant 1 : i32
    %dma_wait3A_231 = arith.constant 3 : i32
    %dma_wait3A_232 = arith.constant 1 : i32
    %dma_wait3A_233 = arith.constant 3 : i32
    %dma_wait3A_234 = arith.constant 0 : i32
    %dma_wait3A_235 = arith.constant 0 : i32
    %dma_wait3A_236 = tpu.memref_slice %arg6[%dma_wait3A_232, %dma_wait3A_233, %dma_wait3A_234, %dma_wait3A_235] : memref<2x4x200x32xf32, #tpu.memory_space<vmem>> -> memref<1x1x40x32xf32, #tpu.memory_space<vmem>>
    %dma_wait3A_237 = tpu.memref_squeeze %dma_wait3A_236 : memref<1x1x40x32xf32, #tpu.memory_space<vmem>> -> memref<40x32xf32, #tpu.memory_space<vmem>>
    %dma_wait3A_238 = arith.constant 0 : i32
    %dma_wait3A_239 = tpu.memref_slice %arg5[%dma_wait3A_230, %dma_wait3A_231, %dma_wait3A_238] : memref<2x4x200xi32, #tpu.memory_space<vmem>> -> memref<1x1x40xi32, #tpu.memory_space<vmem>>
    %dma_wait3A_240 = tpu.memref_squeeze %dma_wait3A_239 : memref<1x1x40xi32, #tpu.memory_space<vmem>> -> memref<40xi32, #tpu.memory_space<vmem>>
    %dma_wait3A_241 = arith.constant 0 : i32
    %dma_wait3A_242 = arith.constant 0 : i32
    %dma_wait3A_243 = tpu.memref_slice %arg3[%dma_wait3A_241, %dma_wait3A_242] : memref<1000000x32xf32, #tpu.memory_space<hbm>> -> memref<1000000x32xf32, #tpu.memory_space<hbm>>
    tpu.wait_indirect_dma semaphore(%arg10 : memref<!tpu.dma_semaphore, #tpu.memory_space<semaphore_mem>>) src(%dma_wait3A_243 : memref<1000000x32xf32, #tpu.memory_space<hbm>>) dst(%dma_wait3A_237 : memref<40x32xf32, #tpu.memory_space<vmem>>)
    %dma_wait3A_244 = arith.constant 1 : i32
    %dma_wait3A_245 = arith.constant 3 : i32
    %dma_wait3A_246 = arith.constant 1 : i32
    %dma_wait3A_247 = arith.constant 3 : i32
    %dma_wait3A_248 = arith.constant 40 : i32
    %dma_wait3A_249 = arith.constant 0 : i32
    %dma_wait3A_250 = tpu.memref_slice %arg6[%dma_wait3A_246, %dma_wait3A_247, %dma_wait3A_248, %dma_wait3A_249] : memref<2x4x200x32xf32, #tpu.memory_space<vmem>> -> memref<1x1x40x32xf32, #tpu.memory_space<vmem>>
    %dma_wait3A_251 = tpu.memref_squeeze %dma_wait3A_250 : memref<1x1x40x32xf32, #tpu.memory_space<vmem>> -> memref<40x32xf32, #tpu.memory_space<vmem>>
    %dma_wait3A_252 = arith.constant 40 : i32
    %dma_wait3A_253 = tpu.memref_slice %arg5[%dma_wait3A_244, %dma_wait3A_245, %dma_wait3A_252] : memref<2x4x200xi32, #tpu.memory_space<vmem>> -> memref<1x1x40xi32, #tpu.memory_space<vmem>>
    %dma_wait3A_254 = tpu.memref_squeeze %dma_wait3A_253 : memref<1x1x40xi32, #tpu.memory_space<vmem>> -> memref<40xi32, #tpu.memory_space<vmem>>
    %dma_wait3A_255 = arith.constant 0 : i32
    %dma_wait3A_256 = arith.constant 0 : i32
    %dma_wait3A_257 = tpu.memref_slice %arg3[%dma_wait3A_255, %dma_wait3A_256] : memref<1000000x32xf32, #tpu.memory_space<hbm>> -> memref<1000000x32xf32, #tpu.memory_space<hbm>>
    tpu.wait_indirect_dma semaphore(%arg10 : memref<!tpu.dma_semaphore, #tpu.memory_space<semaphore_mem>>) src(%dma_wait3A_257 : memref<1000000x32xf32, #tpu.memory_space<hbm>>) dst(%dma_wait3A_251 : memref<40x32xf32, #tpu.memory_space<vmem>>)
    %dma_wait3A_258 = arith.constant 1 : i32
    %dma_wait3A_259 = arith.constant 3 : i32
    %dma_wait3A_260 = arith.constant 1 : i32
    %dma_wait3A_261 = arith.constant 3 : i32
    %dma_wait3A_262 = arith.constant 80 : i32
    %dma_wait3A_263 = arith.constant 0 : i32
    %dma_wait3A_264 = tpu.memref_slice %arg6[%dma_wait3A_260, %dma_wait3A_261, %dma_wait3A_262, %dma_wait3A_263] : memref<2x4x200x32xf32, #tpu.memory_space<vmem>> -> memref<1x1x40x32xf32, #tpu.memory_space<vmem>>
    %dma_wait3A_265 = tpu.memref_squeeze %dma_wait3A_264 : memref<1x1x40x32xf32, #tpu.memory_space<vmem>> -> memref<40x32xf32, #tpu.memory_space<vmem>>
    %dma_wait3A_266 = arith.constant 80 : i32
    %dma_wait3A_267 = tpu.memref_slice %arg5[%dma_wait3A_258, %dma_wait3A_259, %dma_wait3A_266] : memref<2x4x200xi32, #tpu.memory_space<vmem>> -> memref<1x1x40xi32, #tpu.memory_space<vmem>>
    %dma_wait3A_268 = tpu.memref_squeeze %dma_wait3A_267 : memref<1x1x40xi32, #tpu.memory_space<vmem>> -> memref<40xi32, #tpu.memory_space<vmem>>
    %dma_wait3A_269 = arith.constant 0 : i32
    %dma_wait3A_270 = arith.constant 0 : i32
    %dma_wait3A_271 = tpu.memref_slice %arg3[%dma_wait3A_269, %dma_wait3A_270] : memref<1000000x32xf32, #tpu.memory_space<hbm>> -> memref<1000000x32xf32, #tpu.memory_space<hbm>>
    tpu.wait_indirect_dma semaphore(%arg10 : memref<!tpu.dma_semaphore, #tpu.memory_space<semaphore_mem>>) src(%dma_wait3A_271 : memref<1000000x32xf32, #tpu.memory_space<hbm>>) dst(%dma_wait3A_265 : memref<40x32xf32, #tpu.memory_space<vmem>>)
    %dma_wait3A_272 = arith.constant 1 : i32
    %dma_wait3A_273 = arith.constant 3 : i32
    %dma_wait3A_274 = arith.constant 1 : i32
    %dma_wait3A_275 = arith.constant 3 : i32
    %dma_wait3A_276 = arith.constant 120 : i32
    %dma_wait3A_277 = arith.constant 0 : i32
    %dma_wait3A_278 = tpu.memref_slice %arg6[%dma_wait3A_274, %dma_wait3A_275, %dma_wait3A_276, %dma_wait3A_277] : memref<2x4x200x32xf32, #tpu.memory_space<vmem>> -> memref<1x1x40x32xf32, #tpu.memory_space<vmem>>
    %dma_wait3A_279 = tpu.memref_squeeze %dma_wait3A_278 : memref<1x1x40x32xf32, #tpu.memory_space<vmem>> -> memref<40x32xf32, #tpu.memory_space<vmem>>
    %dma_wait3A_280 = arith.constant 120 : i32
    %dma_wait3A_281 = tpu.memref_slice %arg5[%dma_wait3A_272, %dma_wait3A_273, %dma_wait3A_280] : memref<2x4x200xi32, #tpu.memory_space<vmem>> -> memref<1x1x40xi32, #tpu.memory_space<vmem>>
    %dma_wait3A_282 = tpu.memref_squeeze %dma_wait3A_281 : memref<1x1x40xi32, #tpu.memory_space<vmem>> -> memref<40xi32, #tpu.memory_space<vmem>>
    %dma_wait3A_283 = arith.constant 0 : i32
    %dma_wait3A_284 = arith.constant 0 : i32
    %dma_wait3A_285 = tpu.memref_slice %arg3[%dma_wait3A_283, %dma_wait3A_284] : memref<1000000x32xf32, #tpu.memory_space<hbm>> -> memref<1000000x32xf32, #tpu.memory_space<hbm>>
    tpu.wait_indirect_dma semaphore(%arg10 : memref<!tpu.dma_semaphore, #tpu.memory_space<semaphore_mem>>) src(%dma_wait3A_285 : memref<1000000x32xf32, #tpu.memory_space<hbm>>) dst(%dma_wait3A_279 : memref<40x32xf32, #tpu.memory_space<vmem>>)
    %dma_wait3A_286 = arith.constant 1 : i32
    %dma_wait3A_287 = arith.constant 3 : i32
    %dma_wait3A_288 = arith.constant 1 : i32
    %dma_wait3A_289 = arith.constant 3 : i32
    %dma_wait3A_290 = arith.constant 160 : i32
    %dma_wait3A_291 = arith.constant 0 : i32
    %dma_wait3A_292 = tpu.memref_slice %arg6[%dma_wait3A_288, %dma_wait3A_289, %dma_wait3A_290, %dma_wait3A_291] : memref<2x4x200x32xf32, #tpu.memory_space<vmem>> -> memref<1x1x40x32xf32, #tpu.memory_space<vmem>>
    %dma_wait3A_293 = tpu.memref_squeeze %dma_wait3A_292 : memref<1x1x40x32xf32, #tpu.memory_space<vmem>> -> memref<40x32xf32, #tpu.memory_space<vmem>>
    %dma_wait3A_294 = arith.constant 160 : i32
    %dma_wait3A_295 = tpu.memref_slice %arg5[%dma_wait3A_286, %dma_wait3A_287, %dma_wait3A_294] : memref<2x4x200xi32, #tpu.memory_space<vmem>> -> memref<1x1x40xi32, #tpu.memory_space<vmem>>
    %dma_wait3A_296 = tpu.memref_squeeze %dma_wait3A_295 : memref<1x1x40xi32, #tpu.memory_space<vmem>> -> memref<40xi32, #tpu.memory_space<vmem>>
    %dma_wait3A_297 = arith.constant 0 : i32
    %dma_wait3A_298 = arith.constant 0 : i32
    %dma_wait3A_299 = tpu.memref_slice %arg3[%dma_wait3A_297, %dma_wait3A_298] : memref<1000000x32xf32, #tpu.memory_space<hbm>> -> memref<1000000x32xf32, #tpu.memory_space<hbm>>
    tpu.wait_indirect_dma semaphore(%arg10 : memref<!tpu.dma_semaphore, #tpu.memory_space<semaphore_mem>>) src(%dma_wait3A_299 : memref<1000000x32xf32, #tpu.memory_space<hbm>>) dst(%dma_wait3A_293 : memref<40x32xf32, #tpu.memory_space<vmem>>)
    %add3A_300 = arith.constant 508 : i32
    %add3A_301 = arith.addi %mul3A_2, %add3A_300 : i32
    %dma_start3A_302 = arith.constant 1 : i32
    %dma_start3A_303 = arith.constant 0 : i32
    %dma_start3A_304 = arith.constant 0 : i32
    %dma_start3A_305 = arith.constant 0 : i32
    %dma_start3A_306 = tpu.memref_slice %arg6[%dma_start3A_302, %dma_start3A_303, %dma_start3A_304, %dma_start3A_305] : memref<2x4x200x32xf32, #tpu.memory_space<vmem>> -> memref<1x4x200x32xf32, #tpu.memory_space<vmem>>
    %dma_start3A_307 = tpu.memref_squeeze %dma_start3A_306 : memref<1x4x200x32xf32, #tpu.memory_space<vmem>> -> memref<4x200x32xf32, #tpu.memory_space<vmem>>
    %dma_start3A_308 = arith.constant 0 : i32
    %dma_start3A_309 = arith.constant 0 : i32
    %dma_start3A_310 = tpu.memref_slice %arg4[%add3A_301, %dma_start3A_308, %dma_start3A_309] : memref<16384x200x32xf32, #tpu.memory_space<hbm>> -> memref<4x200x32xf32, #tpu.memory_space<hbm>>
    %dma_start3A_311 = arith.constant 0 : i32
    %dma_start3A_312 = arith.constant 0 : i32
    %dma_start3A_313 = tpu.memref_slice %arg4[%add3A_301, %dma_start3A_311, %dma_start3A_312] : memref<16384x200x32xf32, #tpu.memory_space<hbm>> -> memref<4x200x32xf32, #tpu.memory_space<hbm>>
    %dma_start3A_314 = arith.constant 0 : i32
    %dma_start3A_315 = arith.constant 0 : i32
    %dma_start3A_316 = arith.constant 0 : i32
    %dma_start3A_317 = tpu.memref_slice %arg6[%dma_start3A_302, %dma_start3A_314, %dma_start3A_315, %dma_start3A_316] : memref<2x4x200x32xf32, #tpu.memory_space<vmem>> -> memref<1x4x200x32xf32, #tpu.memory_space<vmem>>
    %dma_start3A_318 = tpu.memref_squeeze %dma_start3A_317 : memref<1x4x200x32xf32, #tpu.memory_space<vmem>> -> memref<4x200x32xf32, #tpu.memory_space<vmem>>
    tpu.enqueue_dma source(%dma_start3A_318 : memref<4x200x32xf32, #tpu.memory_space<vmem>>) target(%dma_start3A_313 : memref<4x200x32xf32, #tpu.memory_space<hbm>>) target_semaphore(%arg12 : memref<!tpu.dma_semaphore, #tpu.memory_space<semaphore_mem>>)
    %add3A_319 = arith.constant 0 : i32
    %add3A_320 = arith.addi %mul3A_2, %add3A_319 : i32
    %dma_wait3A_321 = arith.constant 0 : i32
    %dma_wait3A_322 = arith.constant 0 : i32
    %dma_wait3A_323 = arith.constant 0 : i32
    %dma_wait3A_324 = arith.constant 0 : i32
    %dma_wait3A_325 = tpu.memref_slice %arg6[%dma_wait3A_321, %dma_wait3A_322, %dma_wait3A_323, %dma_wait3A_324] : memref<2x4x200x32xf32, #tpu.memory_space<vmem>> -> memref<1x4x200x32xf32, #tpu.memory_space<vmem>>
    %dma_wait3A_326 = tpu.memref_squeeze %dma_wait3A_325 : memref<1x4x200x32xf32, #tpu.memory_space<vmem>> -> memref<4x200x32xf32, #tpu.memory_space<vmem>>
    %dma_wait3A_327 = arith.constant 0 : i32
    %dma_wait3A_328 = arith.constant 0 : i32
    %dma_wait3A_329 = tpu.memref_slice %arg4[%add3A_320, %dma_wait3A_327, %dma_wait3A_328] : memref<16384x200x32xf32, #tpu.memory_space<hbm>> -> memref<4x200x32xf32, #tpu.memory_space<hbm>>
    %dma_wait3A_330 = arith.constant 0 : i32
    %dma_wait3A_331 = arith.constant 0 : i32
    %dma_wait3A_332 = tpu.memref_slice %arg4[%add3A_320, %dma_wait3A_330, %dma_wait3A_331] : memref<16384x200x32xf32, #tpu.memory_space<hbm>> -> memref<4x200x32xf32, #tpu.memory_space<hbm>>
    %dma_wait3A_333 = arith.constant 0 : i32
    %dma_wait3A_334 = arith.constant 0 : i32
    %dma_wait3A_335 = arith.constant 0 : i32
    %dma_wait3A_336 = tpu.memref_slice %arg6[%dma_wait3A_321, %dma_wait3A_333, %dma_wait3A_334, %dma_wait3A_335] : memref<2x4x200x32xf32, #tpu.memory_space<vmem>> -> memref<1x4x200x32xf32, #tpu.memory_space<vmem>>
    %dma_wait3A_337 = tpu.memref_squeeze %dma_wait3A_336 : memref<1x4x200x32xf32, #tpu.memory_space<vmem>> -> memref<4x200x32xf32, #tpu.memory_space<vmem>>
    tpu.wait_dma2 semaphore(%arg11 : memref<!tpu.dma_semaphore, #tpu.memory_space<semaphore_mem>>) src(%dma_wait3A_337 : memref<4x200x32xf32, #tpu.memory_space<vmem>>) dst(%dma_wait3A_332 : memref<4x200x32xf32, #tpu.memory_space<hbm>>)
    %add3A_338 = arith.constant 0 : i32
    %add3A_339 = arith.addi %mul3A_2, %add3A_338 : i32
    %dma_wait3A_340 = arith.constant 1 : i32
    %dma_wait3A_341 = arith.constant 0 : i32
    %dma_wait3A_342 = arith.constant 0 : i32
    %dma_wait3A_343 = arith.constant 0 : i32
    %dma_wait3A_344 = tpu.memref_slice %arg6[%dma_wait3A_340, %dma_wait3A_341, %dma_wait3A_342, %dma_wait3A_343] : memref<2x4x200x32xf32, #tpu.memory_space<vmem>> -> memref<1x4x200x32xf32, #tpu.memory_space<vmem>>
    %dma_wait3A_345 = tpu.memref_squeeze %dma_wait3A_344 : memref<1x4x200x32xf32, #tpu.memory_space<vmem>> -> memref<4x200x32xf32, #tpu.memory_space<vmem>>
    %dma_wait3A_346 = arith.constant 0 : i32
    %dma_wait3A_347 = arith.constant 0 : i32
    %dma_wait3A_348 = tpu.memref_slice %arg4[%add3A_339, %dma_wait3A_346, %dma_wait3A_347] : memref<16384x200x32xf32, #tpu.memory_space<hbm>> -> memref<4x200x32xf32, #tpu.memory_space<hbm>>
    %dma_wait3A_349 = arith.constant 0 : i32
    %dma_wait3A_350 = arith.constant 0 : i32
    %dma_wait3A_351 = tpu.memref_slice %arg4[%add3A_339, %dma_wait3A_349, %dma_wait3A_350] : memref<16384x200x32xf32, #tpu.memory_space<hbm>> -> memref<4x200x32xf32, #tpu.memory_space<hbm>>
    %dma_wait3A_352 = arith.constant 0 : i32
    %dma_wait3A_353 = arith.constant 0 : i32
    %dma_wait3A_354 = arith.constant 0 : i32
    %dma_wait3A_355 = tpu.memref_slice %arg6[%dma_wait3A_340, %dma_wait3A_352, %dma_wait3A_353, %dma_wait3A_354] : memref<2x4x200x32xf32, #tpu.memory_space<vmem>> -> memref<1x4x200x32xf32, #tpu.memory_space<vmem>>
    %dma_wait3A_356 = tpu.memref_squeeze %dma_wait3A_355 : memref<1x4x200x32xf32, #tpu.memory_space<vmem>> -> memref<4x200x32xf32, #tpu.memory_space<vmem>>
    tpu.wait_dma2 semaphore(%arg12 : memref<!tpu.dma_semaphore, #tpu.memory_space<semaphore_mem>>) src(%dma_wait3A_356 : memref<4x200x32xf32, #tpu.memory_space<vmem>>) dst(%dma_wait3A_351 : memref<4x200x32xf32, #tpu.memory_space<hbm>>)
    return
  }
}

</mosaic_0001>

<sc_bundles>
// kernel: _sc_gather.3.cloned.1.call-start
scs
__scs_entry_jumppad:
0x0: {  	(pc) =	sbr.rel $0x88, $3  }
0x1: {  	(tag) =	ssettag $0x0;
	lr =	simm.s32 $0x1  }
0x2: {  	[smem:$0x3F9F] =	sst lr;
	_ =	strace $0xD0000000  }
0x3: {  	_ = 	snop  }
0x4: {  	_ = 	snop  }
0x5: {  	_ = 	snop  }
0x6: {  	_ = 	snop  }
0x7: {  	_ = 	snop  }
__scs_overlays_trampoline_lowered:
0x8: {  	[smem:$0x3FAE] =	sst s0  }
0x9: {  	[smem:$0x3FAF] =	sst s1  }
0xa: {  	[smem:$0x3FB0] =	sst s2  }
0xb: {  	[smem:$0x3FB1] =	sst s3  }
0xc: {  	[smem:$0x3FB2] =	sst s4  }
0xd: {  	[smem:$0x3FB3] =	sst s5  }
0xe: {  	[smem:$0x3FB4] =	sst s6  }
0xf: {  	[smem:$0x3FB5] =	sst s7  }
0x10: {  	[smem:$0x3FB6] =	sst s8  }
0x11: {  	[smem:$0x3FB7] =	sst s9;
	s0 =	simm.s32 @!p0 $0x0  }
0x12: {  	s1 =	sld [smem:$0x3F9D];
	s0 =	simm.s32 @p0 $0x1  }
0x13: {  	[smem:$0x3FB8] =	sst s0;
	s0 =	simm.s32 @!p1 $0x0  }
0x14: {  	s2 =	sld [smem:$0x3F9C];
	s0 =	simm.s32 @p1 $0x1  }
0x15: {  	[smem:$0x3FB9] =	sst s0;
	s0 =	simm.s32 @!p2 $0x0  }
0x16: {  	s3 =	sld [smem:$0x3FDB];
	s0 =	simm.s32 @p2 $0x1  }
0x17: {  	s4 =	simm.s32 $0x1BF5;
	[smem:$0x3FBB] =	sst s0  }
0x18: {  	s0 =	sld [smem:$0x3F9E];
	_ =	swait.ge [sflag:s4], $0x0  }
0x19: {  	s7 =	sld [smem:$0x3F9F]  }
0x1a: {  	s8 =	sadd.s32 $0xFFFFE003, lr  }
0x1b: {  	s9 =	sadd.s32 $0xFFFFFEF7, lr;
	s5 =	simm.s32 $0xFFFFFFFF;
	p2 =	slt.u32 s8, $0xFFFFF086  }
0x1c: {  	p1 =	slt.u32 s9, $0xF7A;
	s5 =	simm.s32 @!p2 $0x0  }
0x1d: {  	s5 =	simm.s32 @p1 $0x1;
	p0 =	seq.s32 s7, s2  }
0x1e: {  	s7 =	smul.u32 @!p0 $0xF7A, s2;
	p2 =	seq.s32 @!p0 s5, $0x0  }
0x1f: {  	s9 =	smul.u32 $0xF7A, s1;
	s8 =	simm.s32 @!p0 $0x1BF5;
	p2 =	por !p2, p0  }
0x20: {  	[sflag:s8] =	ssyncset.s32 @!p0 $0xFFFFF086;
	s6 =	sadd.s32 @!p0 s3, s7;
	s7 =	simm.s32 @!p0 $0x108  }
0x21: {  	s3 =	sadd.s32 s3, s9;
	s6 =	sadd.s32 @!p0 $0x88, s6;
	s7 =	simm.s32 @p2 $0x1082  }
0x22: {  	[simem:s7], [sflag:s8] =	dma.local @!p0 [hbm:s6], $0xF7A  }
0x23: {  	s9 =	sor.u32 $0xD0000000, s2;
	s6 =	simm.s32 $0x108;
	_ =	swait.ge @!p0 [sflag:s8], $0x0  }
0x24: {  	s3 =	sadd.s32 $0x88, s3;
	s6 =	simm.s32 @!p1 $0x1082;
	[sflag:s4] =	ssyncset.s32 $0xFFFFF086  }
0x25: {  	[simem:s6], [sflag:s4] =	dma.local [hbm:s3], $0xF7A  }
0x26: {  	[smem:$0x3F9F] =	sst s1;
	(tag) =	ssettag s2;
	_ =	strace s9  }
0x27: {  	s1 =	sld [smem:$0x3FAF]  }
0x28: {  	s2 =	sld [smem:$0x3FB0]  }
0x29: {  	s4 =	sld [smem:$0x3FB2]  }
0x2a: {  	p0 =	seq.s32 s5, $0x0;
	s5 =	sld [smem:$0x3FB3]  }
0x2b: {  	s6 =	sld [smem:$0x3FB4]  }
0x2c: {  	s7 =	sld [smem:$0x3FB5]  }
0x2d: {  	s3 =	simm.s32 $0x108;
	s8 =	sld [smem:$0x3FB6]  }
0x2e: {  	s3 =	simm.s32 @!p0 $0x1082;
	s9 =	sld [smem:$0x3FB7]  }
0x2f: {  	lr =	sadd.s32 s0, s3;
	s0 =	sld [smem:$0x3FAE]  }
0x30: {  	s3 =	sld [smem:$0x3FB1]  }
0x31: {  	[smem:$0x3FBA] =	sst s10  }
0x32: {  	s10 =	sld [smem:$0x3FB8];
	_ =	sdelay $0x3  }
0x33: {  	p0 =	seq.s32 s10, $0x1;
	s10 =	sld [smem:$0x3FBA];
	_ =	sdelay $0x3  }
0x34: {  	[smem:$0x3FBA] =	sst s10  }
0x35: {  	s10 =	sld [smem:$0x3FB9];
	_ =	sdelay $0x3  }
0x36: {  	p1 =	seq.s32 s10, $0x1;
	s10 =	sld [smem:$0x3FBA];
	_ =	sdelay $0x3  }
0x37: {  	[smem:$0x3FBA] =	sst s10  }
0x38: {  	s10 =	sld [smem:$0x3FBB]  }
0x39: {  	_ = 	snop;
	(pc) =	sbr.ind lr, $3  }
0x3a: {  	_ = 	snop  }
0x3b: {  	_ = 	snop  }
0x3c: {  	p2 =	seq.s32 s10, $0x1;
	s10 =	sld [smem:$0x3FBA]  }
0x3d: {  	_ =	shalt  }
0x3e: {  	_ =	shalt  }
0x3f: {  	_ =	shalt  }
0x40: {  	_ =	shalt  }
0x41: {  	_ =	shalt  }
0x42: {  	_ =	shalt  }
0x43: {  	_ =	shalt  }
0x44: {  	_ =	shalt  }
0x45: {  	_ =	shalt  }
0x46: {  	_ =	shalt  }
0x47: {  	_ =	shalt  }
0x48: {  	_ =	shalt  }
0x49: {  	_ =	shalt  }
0x4a: {  	_ =	shalt  }
0x4b: {  	_ =	shalt  }
0x4c: {  	_ =	shalt  }
0x4d: {  	_ =	shalt  }
0x4e: {  	_ =	shalt  }
0x4f: {  	_ =	shalt  }
0x50: {  	_ =	shalt  }
0x51: {  	_ =	shalt  }
0x52: {  	_ =	shalt  }
0x53: {  	_ =	shalt  }
0x54: {  	_ =	shalt  }
0x55: {  	_ =	shalt  }
0x56: {  	_ =	shalt  }
0x57: {  	_ =	shalt  }
0x58: {  	_ =	shalt  }
0x59: {  	_ =	shalt  }
0x5a: {  	_ =	shalt  }
0x5b: {  	_ =	shalt  }
0x5c: {  	_ =	shalt  }
0x5d: {  	_ =	shalt  }
0x5e: {  	_ =	shalt  }
0x5f: {  	_ =	shalt  }
0x60: {  	_ =	shalt  }
0x61: {  	_ =	shalt  }
0x62: {  	_ =	shalt  }
0x63: {  	_ =	shalt  }
0x64: {  	_ =	shalt  }
0x65: {  	_ =	shalt  }
0x66: {  	_ =	shalt  }
0x67: {  	_ =	shalt  }
0x68: {  	_ =	shalt  }
0x69: {  	_ =	shalt  }
0x6a: {  	_ =	shalt  }
0x6b: {  	_ =	shalt  }
0x6c: {  	_ =	shalt  }
0x6d: {  	_ =	shalt  }
0x6e: {  	_ =	shalt  }
0x6f: {  	_ =	shalt  }
0x70: {  	_ =	shalt  }
0x71: {  	_ =	shalt  }
0x72: {  	_ =	shalt  }
0x73: {  	_ =	shalt  }
0x74: {  	_ =	shalt  }
0x75: {  	_ =	shalt  }
0x76: {  	_ =	shalt  }
0x77: {  	_ =	shalt  }
0x78: {  	_ =	shalt  }
0x79: {  	_ =	shalt  }
0x7a: {  	_ =	shalt  }
0x7b: {  	_ =	shalt  }
0x7c: {  	_ =	shalt  }
0x7d: {  	_ =	shalt  }
0x7e: {  	_ =	shalt  }
0x7f: {  	_ =	shalt  }
0x80: {  	_ =	shalt  }
0x81: {  	_ =	shalt  }
0x82: {  	_ =	shalt  }
0x83: {  	_ =	shalt  }
0x84: {  	_ =	shalt  }
0x85: {  	_ =	shalt  }
0x86: {  	_ =	shalt  }
0x87: {  	_ =	shalt  }
.Lfunc_end0:
.L_simem_size_0:
called_computation.1_lowered:
.L_overlay_start_0:
0x88: {  	s2 =	sld [smem:$0x3FD9]  }
0x89: {  	s3 =	sld [smem:$0x3FFE];
	_ =	sdelay $0x1  }
0x8a: {  	s1 =	srdreg.scid  }
0x8b: {  	s0 =	sand.u32 $0x1, s1  }
0x8c: {  	s17 =	sshll.u32 s0, $0xA;
	s2 =	sadd.s32 s3, s2  }
0x8d: {  	s2 =	sadd.s32 s2, s17  }
0x8e: {  	[smem:$0x3FC6] =	sst s2  }
0x8f: {  	_ = 	snop  }
0x90: {  	s2 =	sld [smem:$0x3FD0];
	(tm) =	ssettm $0x1  }
0x91: {  	s18 =	sld [smem:$0x3FFB];
	_ =	sdelay $0x3  }
0x92: {  	_ =	strace s18  }
0x93: {  	s3 =	sld [smem:$0x3FFC];
	_ =	sdelay $0x3  }
0x94: {  	_ =	strace s3  }
0x95: {  	s3 =	sld [smem:$0x3FFD];
	_ =	sdelay $0x3  }
0x96: {  	_ =	strace s3  }
0x97: {  	_ =	strace $0x8FFFFFFF  }
0x98: {  	s19 =	sld [smem:$0x3FDB];
	_ =	sdelay $0x1  }
0x99: {  	s4 =	simm.s32 $_scs_section_size  }
0x9a: {  	s5 =	simm.s32 $_size__tile_overlayer_lowered;
	s6 =	simm.s32 $_tile_overlayer_lowered  }
0x9b: {  	s22 =	simm.s32 $0x1BFF;
	s21 =	sshll.u32 s6, $0x1;
	s3 =	sadd.s32 s4, s19  }
0x9c: {  	s7 =	simm.s32 $0x0;
	s20 =	sshll.u32 s5, $0x1;
	s5 =	sadd.s32 s21, s3  }
0x9d: {  	[timem:s7], [sflag:s22] =	dma.local [hbm:s5], s20  }
0x9e: {  	_ =	swait.ge [sflag:s22], s20  }
0x9f: {  	s4 =	ssub.s32 $0x0, s20;
	[sflag:s22] =	ssyncset.done $0x0  }
0xa0: {  	[sflag:s22] =	ssyncadd.s32 s4;
	_ =	sdelay $0x1  }
0xa1: {  	s23 =	simm.s32 $0x1B8B  }
0xa2: {  	_ =	swait.ge [sflag:s23], $0x1  }
0xa3: {  	[sflag:s23] =	ssyncset.done $0x0  }
0xa4: {  	s25 =	simm.s32 $0x1B8E;
	s24 =	sld [smem:$0x3FFE];
	[sflag:s23] =	ssyncadd.s32 $0xFFFFFFFF  }
0xa5: {  	s26 =	simm.s32 $execute0_lowered;
	[smem:$0x3FD2] =	sst s25  }
0xa6: {  	s5 =	sshll.u32 s26, $0x1;
	_ =	strace $0x80000046;
	[dreg:$0x1] =	wrdreg $0xFFFFFFFF  }
0xa7: {  	s28 =	simm.s32 $_size_execute0_lowered;
	s3 =	sadd.s32 s3, s5;
	[dreg:$0x0] =	wrdreg $0x0  }
0xa8: {  	s5 =	sshll.u32 s28, $0x1;
	[dreg:$0x2] =	wrdreg s3  }
0xa9: {  	[dreg:$0x3] =	wrdreg s5  }
0xaa: {  	[dreg:$0x4] =	wrdreg $0xC0  }
0xab: {  	_ =	task [dreg:s7], $0x5FFFF  }
0xac: {  	[dreg:$0x1] =	wrdreg $0xFFFFFFFF  }
0xad: {  	[dreg:$0x0] =	wrdreg $0x60  }
0xae: {  	[dreg:$0x2] =	wrdreg s24  }
0xaf: {  	[dreg:$0x3] =	wrdreg s2  }
0xb0: {  	[dreg:$0x4] =	wrdreg $0x9  }
0xb1: {  	_ =	task.clear_ibuf [dreg:s7], $0x5FFFF;
	_ =	strace $0x90000046  }
0xb2: {  	s29 =	simm.s32 $0x9;
	_ =	strace $0x80000048  }
0xb3: {  	_ =	swait.ge [sflag:s29], $0x1  }
0xb4: {  	[sflag:s29] =	ssyncadd.s32 $0xFFFFFFFF  }
0xb5: {  	_ =	strace $0x90000048  }
0xb6: {  	_ =	sfence  }
0xb7: {  	s30 =	sld [smem:$0x0];
	_ =	sdelay $0x2  }
0xb8: {  	s31 =	sshll.u32 s1, $0xD;
	s1 =	sshrl.u32 s1, $0x2  }
0xb9: {  	s3 =	sand.u32 $0x4000, s31;
	s1 =	sadd.s32 s1, s30  }
0xba: {  	s0 =	sor.u32 s3, s0;
	s1 =	sshll.u32 s1, $0x11  }
0xbb: {  	s0 =	sor.u32 s1, s0  }
0xbc: {  	s0 =	sadd.s32 $0x8F2B, s0  }
0xbd: {  	[sflag:s0] =	ssyncadd.remote.s32 $0x1  }
0xbe: {  	_ =	sfence.sel $0xFFFF  }
0xbf: {  	[dreg:$0x0] =	wrdreg $0xFFFFFFFF;
	(pc) =	sbr.abs _section_cstart, $3  }
0xc0: {  	[dreg:$0x1] =	wrdreg $0xFFFFFFFF  }
0xc1: {  	_ =	task.clear_ibuf [dreg:s7], $0x2FFFF;
	_ =	strace $0x9FFFFFFF  }
0xc2: {  	(tm) =	ssettm $0x7FFFFFFF  }
0xc3: {  	_ =	shalt  }
tec
execute0_lowered:
.L_overlay_start_1:
0x0: {  	(tag) =	ssettag $0x1  }
0x1: {  	s0 =	srdreg.scid;
	s1 =	rddreg [dreg:$0x0]  }
0x2: {  	s10 =	stileid.u32;
	s11 =	rddreg [dreg:$0x1]  }
0x3: {  	s3 =	simm.s32 $0x0;
	s12 =	simm.s32 $0x28;
	s13 =	simm.s32 $0x640  }
0x4: {  	s28 =	simm.s32 $0x2;
	s29 =	simm.s32 $0x6A40;
	s14 =	simm.s32 $0x5C8  }
0x5: {  	s15 =	simm.s32 $0xBF40;
	s16 =	simm.s32 $0x5F0;
	s17 =	simm.s32 $0xC440  }
0x6: {  	s18 =	simm.s32 $0x618;
	s19 =	simm.s32 $0xC940;
	s20 =	simm.s32 $0x3  }
0x7: {  	s21 =	simm.s32 $0x4;
	s0 =	sand.u32 $0x1, s0;
	s8 =	smul.u32 $0x6400, s10  }
0x8: {  	s2 =	sshll.u32 s10, $0xA;
	[smem:$0x7FF] =	sst s3;
	s10 =	smul.u32 $0xC8000, s10  }
0x9: {  	s6 =	sadd.s32 $0x800, s1;
	s4 =	sshll.u32 s0, $0x9;
	s9 =	smul.u32 $0x3200, s0  }
0xa: {  	_ =	strace $0x80000047;
	s7 =	ssub.s32 $0x2, s0;
	s0 =	smul.u32 $0x64000, s0  }
0xb: {  	s2 =	sor.u32 s4, s2;
	s4 =	sadd.s32 $0xFA6C00, s1;
	s23 =	sshrl.u32 s7, $0x1  }
0xc: {  	s26 =	sadd.s32 s8, s6;
	s30 =	sadd.s32 s10, s11;
	s5 =	smul.u32 $0x19, s2  }
0xd: {  	s10 =	simm.s32 $0x5A0;
	s2 =	smul.u32 $0x1900, s2;
	s1 =	ssub.s32 s7, s23  }
0xe: {  	s8 =	sadd.s32 s9, s26;
	s0 =	sadd.s32 s0, s30;
	s26 =	simm.s32 $0x320  }
0xf: {  	s7 =	simm.s32 $0x578;
	s9 =	simm.s32 $0xB540;
	s1 =	smax.u32 s1, $0x1  }
0x10: {  	[dreg:$0x6] =	wrdreg s0;
	s0 =	simm.s32 $0xAB40;
	s24 =	sshrl.u32 s2, $0x3  }
.Ltmp0:
0x11: {  	s5 =	sadd.s32 s6, s5;
	[dreg:$0x5] =	wrdreg s1;
	(pc) =	sbr.rel .LBB2_1-.Ltmp0, $4  }
0x12: {  	s31 =	sadd.s32 $0xFFFF9C00, s2;
	s1 =	simm.s32 $0x528;
	s6 =	simm.s32 $0xB040  }
0x13: {  	s2 =	simm.s32 $0xBA40;
	[dreg:$0x3] =	wrdreg s5;
	s25 =	sadd.s32 s11, s24  }
0x14: {  	[dreg:$0x7] =	wrdreg s31;
	s11 =	simm.s32 $0x1;
	s5 =	sadd.s32 $0x63380, s25  }
0x15: {  	s24 =	simm.s32 $0x0;
	[dreg:$0x4] =	wrdreg s5;
	s5 =	simm.s32 $0x550  }
.LBB2_6:
0x16: {  	_ =	swait.ge [sflag:s21], $0x500  }
0x17: {  	[sflag:s21] =	ssyncset.done $0x0  }
0x18: {  	[sflag:s21] =	ssyncadd.s32 $0xFFFFFB00  }
0x19: {  	_ =	swait.ge [sflag:s21], $0x500  }
0x1a: {  	[sflag:s21] =	ssyncset.done $0x0  }
0x1b: {  	[sflag:s21] =	ssyncadd.s32 $0xFFFFFB00  }
0x1c: {  	_ =	swait.ge [sflag:s21], $0x500  }
0x1d: {  	[sflag:s21] =	ssyncset.done $0x0  }
0x1e: {  	[sflag:s21] =	ssyncadd.s32 $0xFFFFFB00  }
0x1f: {  	_ =	swait.ge [sflag:s21], $0x500  }
0x20: {  	[sflag:s21] =	ssyncset.done $0x0  }
0x21: {  	[sflag:s21] =	ssyncadd.s32 $0xFFFFFB00  }
0x22: {  	_ =	swait.ge [sflag:s21], $0x500  }
0x23: {  	[sflag:s21] =	ssyncset.done $0x0  }
0x24: {  	[sflag:s21] =	ssyncadd.s32 $0xFFFFFB00  }
0x25: {  	_ =	swait.ge [sflag:s21], $0x500  }
0x26: {  	[sflag:s21] =	ssyncset.done $0x0  }
0x27: {  	[sflag:s21] =	ssyncadd.s32 $0xFFFFFB00  }
0x28: {  	_ =	swait.ge [sflag:s21], $0x500  }
0x29: {  	[sflag:s21] =	ssyncset.done $0x0  }
0x2a: {  	[sflag:s21] =	ssyncadd.s32 $0xFFFFFB00  }
0x2b: {  	_ =	swait.ge [sflag:s21], $0x500  }
0x2c: {  	[sflag:s21] =	ssyncset.done $0x0  }
0x2d: {  	[sflag:s21] =	ssyncadd.s32 $0xFFFFFB00  }
0x2e: {  	_ =	swait.ge [sflag:s21], $0x500  }
0x2f: {  	[sflag:s21] =	ssyncset.done $0x0  }
0x30: {  	[sflag:s21] =	ssyncadd.s32 $0xFFFFFB00  }
0x31: {  	_ =	swait.ge [sflag:s21], $0x500  }
0x32: {  	[sflag:s21] =	ssyncset.done $0x0  }
0x33: {  	[sflag:s21] =	ssyncadd.s32 $0xFFFFFB00  }
0x34: {  	_ =	swait.ge [sflag:s21], $0x500  }
0x35: {  	[sflag:s21] =	ssyncset.done $0x0  }
0x36: {  	[sflag:s21] =	ssyncadd.s32 $0xFFFFFB00  }
0x37: {  	_ =	swait.ge [sflag:s21], $0x500  }
0x38: {  	[sflag:s21] =	ssyncset.done $0x0  }
0x39: {  	[sflag:s21] =	ssyncadd.s32 $0xFFFFFB00  }
0x3a: {  	_ =	swait.ge [sflag:s21], $0x500  }
0x3b: {  	[sflag:s21] =	ssyncset.done $0x0  }
0x3c: {  	[sflag:s21] =	ssyncadd.s32 $0xFFFFFB00  }
0x3d: {  	_ =	swait.ge [sflag:s21], $0x500  }
0x3e: {  	[sflag:s21] =	ssyncset.done $0x0  }
0x3f: {  	[sflag:s21] =	ssyncadd.s32 $0xFFFFFB00  }
0x40: {  	_ =	swait.ge [sflag:s21], $0x500  }
0x41: {  	[sflag:s21] =	ssyncset.done $0x0  }
0x42: {  	[sflag:s21] =	ssyncadd.s32 $0xFFFFFB00  }
0x43: {  	_ =	swait.ge [sflag:s21], $0x500  }
0x44: {  	[sflag:s21] =	ssyncset.done $0x0  }
0x45: {  	[sflag:s21] =	ssyncadd.s32 $0xFFFFFB00  }
0x46: {  	_ =	swait.ge [sflag:s21], $0x500  }
0x47: {  	[sflag:s21] =	ssyncset.done $0x0  }
0x48: {  	[sflag:s21] =	ssyncadd.s32 $0xFFFFFB00  }
0x49: {  	_ =	swait.ge [sflag:s21], $0x500  }
0x4a: {  	[sflag:s21] =	ssyncset.done $0x0  }
0x4b: {  	[sflag:s21] =	ssyncadd.s32 $0xFFFFFB00  }
0x4c: {  	_ =	swait.ge [sflag:s21], $0x500  }
0x4d: {  	[sflag:s21] =	ssyncset.done $0x0  }
0x4e: {  	[sflag:s21] =	ssyncadd.s32 $0xFFFFFB00  }
0x4f: {  	_ =	swait.ge [sflag:s21], $0x500  }
0x50: {  	[sflag:s21] =	ssyncset.done $0x0  }
0x51: {  	s30 =	simm.s32 $0x5;
	s22 =	rddreg [dreg:$0x4];
	[sflag:s21] =	ssyncadd.s32 $0xFFFFFB00  }
0x52: {  	[hbm4b:s22+s3] =	stream.linear.scatter [tilespmem:s29], [sflag:$0x6], $0x6400, $0x38;
	[tilespmem:$0xCE40] =	vst v63  }
0x53: {  	_ =	swait.ge [sflag:s30], $0x6400  }
0x54: {  	[sflag:s30] =	ssyncset.done $0x0  }
0x55: {  	s23 =	simm.s32 $0x6;
	[sflag:s30] =	ssyncadd.s32 $0xFFFF9C00  }
0x56: {  	_ =	swait.ge [sflag:s23], $0x6400  }
0x57: {  	s24 =	rddreg [dreg:$0x8]  }
0x58: {  	s31 =	rddreg [dreg:$0x5];
	s24 =	sadd.s32 $0x1, s24  }
0x59: {  	p0 =	sne.s32 s24, s31  }
.Ltmp1:
0x5a: {  	_ = 	snop;
	(pc) =	sbr.rel @!p0 .LBB2_7-.Ltmp1, $3  }
0x5b: {  	_ =	sdelay $0x1  }
0x5c: {  	[sflag:s23] =	ssyncset.done $0x0  }
0x5d: {  	[sflag:s23] =	ssyncadd.s32 $0xFFFF9C00  }
.LBB2_1:
0x5e: {  	[dreg:$0x8] =	wrdreg s24  }
0x5f: {  	s22 =	rddreg [dreg:$0x3]  }
0x60: {  	s23 =	rddreg [dreg:$0x6]  }
0x61: {  	[tilespmem:s3], [sflag:$0x1] =	stream.linear.gather [hbm4b:s22+s3], $0x320, $0x38;
	[tilespmem:$0xCE40] =	vst v63  }
0x62: {  	s24 =	simm.s32 $0x0;
	s22 =	rddreg [dreg:$0x7]  }
.LBB2_2:
0x63: {  	_ =	swait.ge [sflag:s11], $0x320  }
0x64: {  	p0 =	seq.s32 s24, $0x0;
	[sflag:s11] =	ssyncset.done $0x0  }
0x65: {  	s25 =	simm.s32 @!p0 $0x5;
	[sflag:s11] =	ssyncadd.s32 $0xFFFFFCE0  }
0x66: {  	_ =	swait.ge @!p0 [sflag:s25], $0x6400  }
0x67: {  	[sflag:s25] =	ssyncset.done @!p0 $0x0  }
0x68: {  	[sflag:s25] =	ssyncadd.s32 @!p0 $0xFFFF9C00  }
0x69: {  	[tilespmem:s13], [sflag:$0x3] =	stream.indirect.gather [hbm4b:s4+s12], $0x20, s3, s12, $0xb8;
	[tilespmem:$0xCE40] =	vst v63  }
0x6a: {  	s30 =	simm.s32 $0xB40  }
0x6b: {  	[tilespmem:s30], [sflag:$0x3] =	stream.indirect.gather [hbm4b:s4+s12], $0x20, s12, s12, $0xb8;
	[tilespmem:$0xCE40] =	vst v63  }
0x6c: {  	s31 =	simm.s32 $0x50;
	s30 =	simm.s32 $0x1040  }
0x6d: {  	[tilespmem:s30], [sflag:$0x3] =	stream.indirect.gather [hbm4b:s4+s12], $0x20, s31, s12, $0xb8;
	[tilespmem:$0xCE40] =	vst v63  }
0x6e: {  	s25 =	simm.s32 $0x78;
	s31 =	simm.s32 $0x1540  }
0x6f: {  	[tilespmem:s31], [sflag:$0x3] =	stream.indirect.gather [hbm4b:s4+s12], $0x20, s25, s12, $0xb8;
	[tilespmem:$0xCE40] =	vst v63  }
0x70: {  	s25 =	simm.s32 $0xA0;
	s31 =	simm.s32 $0x1A40  }
0x71: {  	[tilespmem:s31], [sflag:$0x3] =	stream.indirect.gather [hbm4b:s4+s12], $0x20, s25, s12, $0xb8;
	[tilespmem:$0xCE40] =	vst v63  }
0x72: {  	s25 =	simm.s32 $0xC8;
	s31 =	simm.s32 $0x1F40  }
0x73: {  	[tilespmem:s31], [sflag:$0x3] =	stream.indirect.gather [hbm4b:s4+s12], $0x20, s25, s12, $0xb8;
	[tilespmem:$0xCE40] =	vst v63  }
0x74: {  	s25 =	simm.s32 $0xF0;
	s31 =	simm.s32 $0x2440  }
0x75: {  	[tilespmem:s31], [sflag:$0x3] =	stream.indirect.gather [hbm4b:s4+s12], $0x20, s25, s12, $0xb8;
	[tilespmem:$0xCE40] =	vst v63  }
0x76: {  	s25 =	simm.s32 $0x118;
	s31 =	simm.s32 $0x2940  }
0x77: {  	[tilespmem:s31], [sflag:$0x3] =	stream.indirect.gather [hbm4b:s4+s12], $0x20, s25, s12, $0xb8;
	[tilespmem:$0xCE40] =	vst v63  }
0x78: {  	s25 =	simm.s32 $0x140;
	s31 =	simm.s32 $0x2E40  }
0x79: {  	[tilespmem:s31], [sflag:$0x3] =	stream.indirect.gather [hbm4b:s4+s12], $0x20, s25, s12, $0xb8;
	[tilespmem:$0xCE40] =	vst v63  }
0x7a: {  	s25 =	simm.s32 $0x168;
	s31 =	simm.s32 $0x3340  }
0x7b: {  	[tilespmem:s31], [sflag:$0x3] =	stream.indirect.gather [hbm4b:s4+s12], $0x20, s25, s12, $0xb8;
	[tilespmem:$0xCE40] =	vst v63  }
0x7c: {  	s25 =	simm.s32 $0x190;
	s31 =	simm.s32 $0x3840  }
0x7d: {  	[tilespmem:s31], [sflag:$0x3] =	stream.indirect.gather [hbm4b:s4+s12], $0x20, s25, s12, $0xb8;
	[tilespmem:$0xCE40] =	vst v63  }
0x7e: {  	s25 =	simm.s32 $0x1B8;
	s31 =	simm.s32 $0x3D40  }
0x7f: {  	[tilespmem:s31], [sflag:$0x3] =	stream.indirect.gather [hbm4b:s4+s12], $0x20, s25, s12, $0xb8;
	[tilespmem:$0xCE40] =	vst v63  }
0x80: {  	s25 =	simm.s32 $0x1E0;
	s31 =	simm.s32 $0x4240  }
0x81: {  	[tilespmem:s31], [sflag:$0x3] =	stream.indirect.gather [hbm4b:s4+s12], $0x20, s25, s12, $0xb8;
	[tilespmem:$0xCE40] =	vst v63  }
0x82: {  	s25 =	simm.s32 $0x208;
	s31 =	simm.s32 $0x4740  }
0x83: {  	[tilespmem:s31], [sflag:$0x3] =	stream.indirect.gather [hbm4b:s4+s12], $0x20, s25, s12, $0xb8;
	[tilespmem:$0xCE40] =	vst v63  }
0x84: {  	s25 =	simm.s32 $0x230;
	s31 =	simm.s32 $0x4C40  }
0x85: {  	[tilespmem:s31], [sflag:$0x3] =	stream.indirect.gather [hbm4b:s4+s12], $0x20, s25, s12, $0xb8;
	[tilespmem:$0xCE40] =	vst v63  }
0x86: {  	s25 =	simm.s32 $0x258;
	s31 =	simm.s32 $0x5140  }
0x87: {  	[tilespmem:s31], [sflag:$0x3] =	stream.indirect.gather [hbm4b:s4+s12], $0x20, s25, s12, $0xb8;
	[tilespmem:$0xCE40] =	vst v63  }
0x88: {  	s25 =	simm.s32 $0x280;
	s31 =	simm.s32 $0x5640  }
0x89: {  	[tilespmem:s31], [sflag:$0x3] =	stream.indirect.gather [hbm4b:s4+s12], $0x20, s25, s12, $0xb8;
	[tilespmem:$0xCE40] =	vst v63  }
0x8a: {  	s25 =	simm.s32 $0x2A8;
	s31 =	simm.s32 $0x5B40  }
0x8b: {  	[tilespmem:s31], [sflag:$0x3] =	stream.indirect.gather [hbm4b:s4+s12], $0x20, s25, s12, $0xb8;
	[tilespmem:$0xCE40] =	vst v63  }
.Ltmp2:
0x8c: {  	_ = 	snop;
	(pc) =	sbr.rel @p0 .LBB2_4-.Ltmp2, $4  }
0x8d: {  	s25 =	simm.s32 $0x2D0;
	s31 =	simm.s32 $0x6040  }
0x8e: {  	[tilespmem:s31], [sflag:$0x3] =	stream.indirect.gather [hbm4b:s4+s12], $0x20, s25, s12, $0xb8;
	[tilespmem:$0xCE40] =	vst v63  }
0x8f: {  	s25 =	simm.s32 $0x2F8;
	s31 =	simm.s32 $0x6540  }
0x90: {  	[tilespmem:s31], [sflag:$0x3] =	stream.indirect.gather [hbm4b:s4+s12], $0x20, s25, s12, $0xb8;
	[tilespmem:$0xCE40] =	vst v63  }
0x91: {  	_ =	swait.ge [sflag:s21], $0x500  }
0x92: {  	[sflag:s21] =	ssyncset.done $0x0  }
0x93: {  	[sflag:s21] =	ssyncadd.s32 $0xFFFFFB00  }
0x94: {  	_ =	swait.ge [sflag:s21], $0x500  }
0x95: {  	[sflag:s21] =	ssyncset.done $0x0  }
0x96: {  	[sflag:s21] =	ssyncadd.s32 $0xFFFFFB00  }
0x97: {  	_ =	swait.ge [sflag:s21], $0x500  }
0x98: {  	[sflag:s21] =	ssyncset.done $0x0  }
0x99: {  	[sflag:s21] =	ssyncadd.s32 $0xFFFFFB00  }
0x9a: {  	_ =	swait.ge [sflag:s21], $0x500  }
0x9b: {  	[sflag:s21] =	ssyncset.done $0x0  }
0x9c: {  	[sflag:s21] =	ssyncadd.s32 $0xFFFFFB00  }
0x9d: {  	_ =	swait.ge [sflag:s21], $0x500  }
0x9e: {  	[sflag:s21] =	ssyncset.done $0x0  }
0x9f: {  	[sflag:s21] =	ssyncadd.s32 $0xFFFFFB00  }
0xa0: {  	_ =	swait.ge [sflag:s21], $0x500  }
0xa1: {  	[sflag:s21] =	ssyncset.done $0x0  }
0xa2: {  	[sflag:s21] =	ssyncadd.s32 $0xFFFFFB00  }
0xa3: {  	_ =	swait.ge [sflag:s21], $0x500  }
0xa4: {  	[sflag:s21] =	ssyncset.done $0x0  }
0xa5: {  	[sflag:s21] =	ssyncadd.s32 $0xFFFFFB00  }
0xa6: {  	_ =	swait.ge [sflag:s21], $0x500  }
0xa7: {  	[sflag:s21] =	ssyncset.done $0x0  }
0xa8: {  	[sflag:s21] =	ssyncadd.s32 $0xFFFFFB00  }
0xa9: {  	_ =	swait.ge [sflag:s21], $0x500  }
0xaa: {  	[sflag:s21] =	ssyncset.done $0x0  }
0xab: {  	[sflag:s21] =	ssyncadd.s32 $0xFFFFFB00  }
0xac: {  	_ =	swait.ge [sflag:s21], $0x500  }
0xad: {  	[sflag:s21] =	ssyncset.done $0x0  }
0xae: {  	[sflag:s21] =	ssyncadd.s32 $0xFFFFFB00  }
0xaf: {  	_ =	swait.ge [sflag:s21], $0x500  }
0xb0: {  	[sflag:s21] =	ssyncset.done $0x0  }
0xb1: {  	[sflag:s21] =	ssyncadd.s32 $0xFFFFFB00  }
0xb2: {  	_ =	swait.ge [sflag:s21], $0x500  }
0xb3: {  	[sflag:s21] =	ssyncset.done $0x0  }
0xb4: {  	[sflag:s21] =	ssyncadd.s32 $0xFFFFFB00  }
0xb5: {  	_ =	swait.ge [sflag:s21], $0x500  }
0xb6: {  	[sflag:s21] =	ssyncset.done $0x0  }
0xb7: {  	[sflag:s21] =	ssyncadd.s32 $0xFFFFFB00  }
0xb8: {  	_ =	swait.ge [sflag:s21], $0x500  }
0xb9: {  	[sflag:s21] =	ssyncset.done $0x0  }
0xba: {  	[sflag:s21] =	ssyncadd.s32 $0xFFFFFB00  }
0xbb: {  	_ =	swait.ge [sflag:s21], $0x500  }
0xbc: {  	[sflag:s21] =	ssyncset.done $0x0  }
0xbd: {  	[sflag:s21] =	ssyncadd.s32 $0xFFFFFB00  }
0xbe: {  	_ =	swait.ge [sflag:s21], $0x500  }
0xbf: {  	[sflag:s21] =	ssyncset.done $0x0  }
0xc0: {  	[sflag:s21] =	ssyncadd.s32 $0xFFFFFB00  }
0xc1: {  	_ =	swait.ge [sflag:s21], $0x500  }
0xc2: {  	[sflag:s21] =	ssyncset.done $0x0  }
0xc3: {  	[sflag:s21] =	ssyncadd.s32 $0xFFFFFB00  }
0xc4: {  	_ =	swait.ge [sflag:s21], $0x500  }
0xc5: {  	[sflag:s21] =	ssyncset.done $0x0  }
0xc6: {  	[sflag:s21] =	ssyncadd.s32 $0xFFFFFB00  }
0xc7: {  	_ =	swait.ge [sflag:s21], $0x500  }
0xc8: {  	[sflag:s21] =	ssyncset.done $0x0  }
0xc9: {  	[sflag:s21] =	ssyncadd.s32 $0xFFFFFB00  }
0xca: {  	_ =	swait.ge [sflag:s21], $0x500  }
0xcb: {  	[sflag:s21] =	ssyncset.done $0x0  }
0xcc: {  	[sflag:s21] =	ssyncadd.s32 $0xFFFFFB00  }
0xcd: {  	s25 =	sshrl.u32 s22, $0x3;
	s30 =	rddreg [dreg:$0x1]  }
0xce: {  	s25 =	sadd.s32 s30, s25  }
0xcf: {  	[hbm4b:s25+s3] =	stream.linear.scatter [tilespmem:s29], [sflag:$0x6], $0x6400, $0x38;
	[tilespmem:$0xCE40] =	vst v63  }
.LBB2_4:
0xd0: {  	s25 =	sadd.s32 s24, s8  }
0xd1: {  	s30 =	sadd.s32 $0x64, s25  }
0xd2: {  	[tilespmem:s26], [sflag:$0x2] =	stream.linear.gather [hbm4b:s30+s3], $0x320, $0x38;
	[tilespmem:$0xCE40] =	vst v63  }
0xd3: {  	_ =	swait.ge [sflag:s28], $0x320  }
0xd4: {  	[sflag:s28] =	ssyncset.done $0x0  }
0xd5: {  	s30 =	simm.s32 @!p0 $0x6;
	[sflag:s28] =	ssyncadd.s32 $0xFFFFFCE0  }
0xd6: {  	_ =	swait.ge @!p0 [sflag:s30], $0x6400  }
0xd7: {  	[sflag:s30] =	ssyncset.done @!p0 $0x0  }
0xd8: {  	[sflag:s30] =	ssyncadd.s32 @!p0 $0xFFFF9C00  }
0xd9: {  	[tilespmem:s29], [sflag:$0x4] =	stream.indirect.gather [hbm4b:s4+s12], $0x20, s26, s12, $0xb8;
	[tilespmem:$0xCE40] =	vst v63  }
0xda: {  	s31 =	simm.s32 $0x6F40;
	s30 =	simm.s32 $0x348  }
0xdb: {  	[tilespmem:s31], [sflag:$0x4] =	stream.indirect.gather [hbm4b:s4+s12], $0x20, s30, s12, $0xb8;
	[tilespmem:$0xCE40] =	vst v63  }
0xdc: {  	s30 =	simm.s32 $0x370;
	s31 =	simm.s32 $0x7440  }
0xdd: {  	[tilespmem:s31], [sflag:$0x4] =	stream.indirect.gather [hbm4b:s4+s12], $0x20, s30, s12, $0xb8;
	[tilespmem:$0xCE40] =	vst v63  }
0xde: {  	s30 =	simm.s32 $0x398;
	s31 =	simm.s32 $0x7940  }
0xdf: {  	[tilespmem:s31], [sflag:$0x4] =	stream.indirect.gather [hbm4b:s4+s12], $0x20, s30, s12, $0xb8;
	[tilespmem:$0xCE40] =	vst v63  }
0xe0: {  	s30 =	simm.s32 $0x3C0;
	s31 =	simm.s32 $0x7E40  }
0xe1: {  	[tilespmem:s31], [sflag:$0x4] =	stream.indirect.gather [hbm4b:s4+s12], $0x20, s30, s12, $0xb8;
	[tilespmem:$0xCE40] =	vst v63  }
0xe2: {  	s30 =	simm.s32 $0x3E8;
	s31 =	simm.s32 $0x8340  }
0xe3: {  	[tilespmem:s31], [sflag:$0x4] =	stream.indirect.gather [hbm4b:s4+s12], $0x20, s30, s12, $0xb8;
	[tilespmem:$0xCE40] =	vst v63  }
0xe4: {  	s30 =	simm.s32 $0x410;
	s31 =	simm.s32 $0x8840  }
0xe5: {  	[tilespmem:s31], [sflag:$0x4] =	stream.indirect.gather [hbm4b:s4+s12], $0x20, s30, s12, $0xb8;
	[tilespmem:$0xCE40] =	vst v63  }
0xe6: {  	s30 =	simm.s32 $0x438;
	s31 =	simm.s32 $0x8D40  }
0xe7: {  	[tilespmem:s31], [sflag:$0x4] =	stream.indirect.gather [hbm4b:s4+s12], $0x20, s30, s12, $0xb8;
	[tilespmem:$0xCE40] =	vst v63  }
0xe8: {  	s30 =	simm.s32 $0x460;
	s31 =	simm.s32 $0x9240  }
0xe9: {  	[tilespmem:s31], [sflag:$0x4] =	stream.indirect.gather [hbm4b:s4+s12], $0x20, s30, s12, $0xb8;
	[tilespmem:$0xCE40] =	vst v63  }
0xea: {  	s30 =	simm.s32 $0x488;
	s31 =	simm.s32 $0x9740  }
0xeb: {  	[tilespmem:s31], [sflag:$0x4] =	stream.indirect.gather [hbm4b:s4+s12], $0x20, s30, s12, $0xb8;
	[tilespmem:$0xCE40] =	vst v63  }
0xec: {  	s30 =	simm.s32 $0x4B0;
	s31 =	simm.s32 $0x9C40  }
0xed: {  	[tilespmem:s31], [sflag:$0x4] =	stream.indirect.gather [hbm4b:s4+s12], $0x20, s30, s12, $0xb8;
	[tilespmem:$0xCE40] =	vst v63  }
0xee: {  	s30 =	simm.s32 $0x4D8;
	s31 =	simm.s32 $0xA140  }
0xef: {  	[tilespmem:s31], [sflag:$0x4] =	stream.indirect.gather [hbm4b:s4+s12], $0x20, s30, s12, $0xb8;
	[tilespmem:$0xCE40] =	vst v63  }
0xf0: {  	s30 =	simm.s32 $0x500;
	s31 =	simm.s32 $0xA640  }
0xf1: {  	[tilespmem:s31], [sflag:$0x4] =	stream.indirect.gather [hbm4b:s4+s12], $0x20, s30, s12, $0xb8;
	[tilespmem:$0xCE40] =	vst v63  }
0xf2: {  	_ = 	snop  }
0xf3: {  	[tilespmem:s0], [sflag:$0x4] =	stream.indirect.gather [hbm4b:s4+s12], $0x20, s1, s12, $0xb8;
	[tilespmem:$0xCE40] =	vst v63  }
0xf4: {  	_ = 	snop  }
0xf5: {  	[tilespmem:s6], [sflag:$0x4] =	stream.indirect.gather [hbm4b:s4+s12], $0x20, s5, s12, $0xb8;
	[tilespmem:$0xCE40] =	vst v63  }
0xf6: {  	_ = 	snop  }
0xf7: {  	[tilespmem:s9], [sflag:$0x4] =	stream.indirect.gather [hbm4b:s4+s12], $0x20, s7, s12, $0xb8;
	[tilespmem:$0xCE40] =	vst v63  }
0xf8: {  	_ = 	snop  }
0xf9: {  	[tilespmem:s2], [sflag:$0x4] =	stream.indirect.gather [hbm4b:s4+s12], $0x20, s10, s12, $0xb8;
	[tilespmem:$0xCE40] =	vst v63  }
0xfa: {  	_ = 	snop  }
0xfb: {  	[tilespmem:s15], [sflag:$0x4] =	stream.indirect.gather [hbm4b:s4+s12], $0x20, s14, s12, $0xb8;
	[tilespmem:$0xCE40] =	vst v63  }
0xfc: {  	_ = 	snop  }
0xfd: {  	[tilespmem:s17], [sflag:$0x4] =	stream.indirect.gather [hbm4b:s4+s12], $0x20, s16, s12, $0xb8;
	[tilespmem:$0xCE40] =	vst v63  }
0xfe: {  	_ = 	snop  }
0xff: {  	[tilespmem:s19], [sflag:$0x4] =	stream.indirect.gather [hbm4b:s4+s12], $0x20, s18, s12, $0xb8;
	[tilespmem:$0xCE40] =	vst v63  }
0x100: {  	_ =	swait.ge [sflag:s20], $0x500  }
0x101: {  	[sflag:s20] =	ssyncset.done $0x0  }
0x102: {  	[sflag:s20] =	ssyncadd.s32 $0xFFFFFB00  }
0x103: {  	_ =	swait.ge [sflag:s20], $0x500  }
0x104: {  	[sflag:s20] =	ssyncset.done $0x0  }
0x105: {  	[sflag:s20] =	ssyncadd.s32 $0xFFFFFB00  }
0x106: {  	_ =	swait.ge [sflag:s20], $0x500  }
0x107: {  	[sflag:s20] =	ssyncset.done $0x0  }
0x108: {  	[sflag:s20] =	ssyncadd.s32 $0xFFFFFB00  }
0x109: {  	_ =	swait.ge [sflag:s20], $0x500  }
0x10a: {  	[sflag:s20] =	ssyncset.done $0x0  }
0x10b: {  	[sflag:s20] =	ssyncadd.s32 $0xFFFFFB00  }
0x10c: {  	_ =	swait.ge [sflag:s20], $0x500  }
0x10d: {  	[sflag:s20] =	ssyncset.done $0x0  }
0x10e: {  	[sflag:s20] =	ssyncadd.s32 $0xFFFFFB00  }
0x10f: {  	_ =	swait.ge [sflag:s20], $0x500  }
0x110: {  	[sflag:s20] =	ssyncset.done $0x0  }
0x111: {  	[sflag:s20] =	ssyncadd.s32 $0xFFFFFB00  }
0x112: {  	_ =	swait.ge [sflag:s20], $0x500  }
0x113: {  	[sflag:s20] =	ssyncset.done $0x0  }
0x114: {  	[sflag:s20] =	ssyncadd.s32 $0xFFFFFB00  }
0x115: {  	_ =	swait.ge [sflag:s20], $0x500  }
0x116: {  	[sflag:s20] =	ssyncset.done $0x0  }
0x117: {  	[sflag:s20] =	ssyncadd.s32 $0xFFFFFB00  }
0x118: {  	_ =	swait.ge [sflag:s20], $0x500  }
0x119: {  	[sflag:s20] =	ssyncset.done $0x0  }
0x11a: {  	[sflag:s20] =	ssyncadd.s32 $0xFFFFFB00  }
0x11b: {  	_ =	swait.ge [sflag:s20], $0x500  }
0x11c: {  	[sflag:s20] =	ssyncset.done $0x0  }
0x11d: {  	[sflag:s20] =	ssyncadd.s32 $0xFFFFFB00  }
0x11e: {  	_ =	swait.ge [sflag:s20], $0x500  }
0x11f: {  	[sflag:s20] =	ssyncset.done $0x0  }
0x120: {  	[sflag:s20] =	ssyncadd.s32 $0xFFFFFB00  }
0x121: {  	_ =	swait.ge [sflag:s20], $0x500  }
0x122: {  	[sflag:s20] =	ssyncset.done $0x0  }
0x123: {  	[sflag:s20] =	ssyncadd.s32 $0xFFFFFB00  }
0x124: {  	_ =	swait.ge [sflag:s20], $0x500  }
0x125: {  	[sflag:s20] =	ssyncset.done $0x0  }
0x126: {  	[sflag:s20] =	ssyncadd.s32 $0xFFFFFB00  }
0x127: {  	_ =	swait.ge [sflag:s20], $0x500  }
0x128: {  	[sflag:s20] =	ssyncset.done $0x0  }
0x129: {  	[sflag:s20] =	ssyncadd.s32 $0xFFFFFB00  }
0x12a: {  	_ =	swait.ge [sflag:s20], $0x500  }
0x12b: {  	[sflag:s20] =	ssyncset.done $0x0  }
0x12c: {  	[sflag:s20] =	ssyncadd.s32 $0xFFFFFB00  }
0x12d: {  	_ =	swait.ge [sflag:s20], $0x500  }
0x12e: {  	[sflag:s20] =	ssyncset.done $0x0  }
0x12f: {  	[sflag:s20] =	ssyncadd.s32 $0xFFFFFB00  }
0x130: {  	_ =	swait.ge [sflag:s20], $0x500  }
0x131: {  	[sflag:s20] =	ssyncset.done $0x0  }
0x132: {  	[sflag:s20] =	ssyncadd.s32 $0xFFFFFB00  }
0x133: {  	_ =	swait.ge [sflag:s20], $0x500  }
0x134: {  	[sflag:s20] =	ssyncset.done $0x0  }
0x135: {  	[sflag:s20] =	ssyncadd.s32 $0xFFFFFB00  }
0x136: {  	_ =	swait.ge [sflag:s20], $0x500  }
0x137: {  	p0 =	seq.s32 s24, $0x3138;
	[sflag:s20] =	ssyncset.done $0x0  }
.Ltmp3:
0x138: {  	[sflag:s20] =	ssyncadd.s32 $0xFFFFFB00;
	(pc) =	sbr.rel @p0 .LBB2_6-.Ltmp3, $4  }
0x139: {  	_ =	swait.ge [sflag:s20], $0x500  }
0x13a: {  	[sflag:s20] =	ssyncset.done $0x0  }
0x13b: {  	[sflag:s20] =	ssyncadd.s32 $0xFFFFFB00  }
0x13c: {  	[hbm4b:s23+s3] =	stream.linear.scatter [tilespmem:s13], [sflag:$0x5], $0x6400, $0x38;
	[tilespmem:$0xCE40] =	vst v63  }
.Ltmp4:
0x13d: {  	(pc) =	sbr.rel .LBB2_2-.Ltmp4, $4  }
0x13e: {  	_ = 	snop  }
0x13f: {  	s25 =	sadd.s32 $0xC8, s25  }
0x140: {  	s24 =	sadd.s32 $0xC8, s24;
	s23 =	sadd.s32 $0x1900, s23;
	s22 =	sadd.s32 $0xC800, s22  }
0x141: {  	[tilespmem:s3], [sflag:$0x1] =	stream.linear.gather [hbm4b:s25+s3], $0x320, $0x38;
	[tilespmem:$0xCE40] =	vst v63  }
.LBB2_7:
0x142: {  	_ =	sfence.sel $0x180000  }
0x143: {  	[bflag:$0x0] =	sbarrier.arrive $0xFFFF  }
0x144: {  	_ =	strace $0x90000047  }
0x145: {  	s0 =	stileid.u32;
	[bflag:$0x2] =	sbarrier.arrive $0xFFFF  }
0x146: {  	p0 =	sne.s32 s0, $0x0;
	s0 =	rddreg [dreg:$0x2]  }
0x147: {  	s0 =	sadd.s32 @!p0 $0x100000, s0  }
0x148: {  	[sflag:s0] =	ssyncadd.tile.s32 @!p0 $0x1;
	_ =	shalt  }
.Lfunc_end2:
_tile_overlayer_lowered:
.L_overlay_start_2:
0x149: {  	(tag) =	ssettag $0x2  }
0x14a: {  	s0 =	rddreg [dreg:$0x0];
	s2 =	stileid.u32  }
0x14b: {  	s1 =	rddreg [dreg:$0x1];
	p0 =	sne.s32 s2, $0x0  }
0x14c: {  	s3 =	rddreg [dreg:$0x2];
	[bflag:$0x3] =	sbarrier.arrive $0xFFFF;
	s2 =	simm.s32 @!p0 $0x1C07  }
0x14d: {  	[timem:s3], [sflag:s2] =	dma.local @!p0 [hbm:s0], s1  }
0x14e: {  	s0 =	simm.s32 @!p0 $0x7  }
0x14f: {  	_ =	swait.ge @!p0 [sflag:s0], s1  }
0x150: {  	s1 =	ssub.s32 @!p0 $0x0, s1;
	[sflag:s0] =	ssyncset.done @!p0 $0x0  }
0x151: {  	[sflag:s0] =	ssyncadd.s32 @!p0 s1  }
0x152: {  	[bflag:$0x3] =	sbarrier.arrive $0xFFFF  }
0x153: {  	_ =	shalt  }

// kernel: sparse-core-data-format-call.cloned.1.call-start
scs
called_computation_lowered:
.L_overlay_start_0:
0x0: {  	s2 =	sld [smem:$0x3FD9]  }
0x1: {  	s3 =	sld [smem:$0x3FFE];
	_ =	sdelay $0x1  }
0x2: {  	s1 =	srdreg.scid  }
0x3: {  	s0 =	sand.u32 $0x1, s1  }
0x4: {  	s18 =	sshll.u32 s0, $0xA;
	s2 =	sadd.s32 s3, s2  }
0x5: {  	s2 =	sadd.s32 s2, s18  }
0x6: {  	[smem:$0x3FC6] =	sst s2  }
0x7: {  	_ = 	snop  }
0x8: {  	s2 =	sld [smem:$0x3FD0];
	(tm) =	ssettm $0x1  }
0x9: {  	s19 =	sld [smem:$0x3FFB];
	_ =	sdelay $0x3  }
0xa: {  	_ =	strace s19  }
0xb: {  	s3 =	sld [smem:$0x3FFC];
	_ =	sdelay $0x3  }
0xc: {  	_ =	strace s3  }
0xd: {  	s3 =	sld [smem:$0x3FFD];
	_ =	sdelay $0x3  }
0xe: {  	_ =	strace s3  }
0xf: {  	_ =	strace $0x8FFFFFFF  }
0x10: {  	s20 =	sld [smem:$0x3FDB];
	_ =	sdelay $0x1  }
0x11: {  	s4 =	simm.s32 $_scs_section_size  }
0x12: {  	s5 =	simm.s32 $_size__tile_overlayer_lowered;
	s6 =	simm.s32 $_tile_overlayer_lowered  }
0x13: {  	s23 =	simm.s32 $0x1BFF;
	s22 =	sshll.u32 s6, $0x1;
	s3 =	sadd.s32 s4, s20  }
0x14: {  	s7 =	simm.s32 $0x0;
	s21 =	sshll.u32 s5, $0x1;
	s5 =	sadd.s32 s22, s3  }
0x15: {  	[timem:s7], [sflag:s23] =	dma.local [hbm:s5], s21  }
0x16: {  	_ =	swait.ge [sflag:s23], s21  }
0x17: {  	s4 =	ssub.s32 $0x0, s21;
	[sflag:s23] =	ssyncset.done $0x0  }
0x18: {  	[sflag:s23] =	ssyncadd.s32 s4;
	_ =	sdelay $0x1  }
0x19: {  	s24 =	simm.s32 $0x1B8B  }
0x1a: {  	_ =	swait.ge [sflag:s24], $0x1  }
0x1b: {  	[sflag:s24] =	ssyncset.done $0x0  }
0x1c: {  	s26 =	simm.s32 $0x1B8E;
	s25 =	sld [smem:$0x3FFE];
	[sflag:s24] =	ssyncadd.s32 $0xFFFFFFFF  }
0x1d: {  	s27 =	simm.s32 $execute0_lowered;
	[smem:$0x3FD2] =	sst s26  }
0x1e: {  	s5 =	sshll.u32 s27, $0x1;
	_ =	strace $0x80000049;
	[dreg:$0x1] =	wrdreg $0xFFFFFFFF  }
0x1f: {  	s28 =	simm.s32 $_size_execute0_lowered;
	s3 =	sadd.s32 s3, s5;
	[dreg:$0x0] =	wrdreg $0x0  }
0x20: {  	s5 =	sshll.u32 s28, $0x1;
	[dreg:$0x2] =	wrdreg s3  }
0x21: {  	[dreg:$0x3] =	wrdreg s5  }
0x22: {  	[dreg:$0x4] =	wrdreg $0xC0  }
0x23: {  	_ =	task [dreg:s7], $0x5FFFF  }
0x24: {  	[dreg:$0x1] =	wrdreg $0xFFFFFFFF  }
0x25: {  	[dreg:$0x0] =	wrdreg $0x60  }
0x26: {  	[dreg:$0x2] =	wrdreg s25  }
0x27: {  	[dreg:$0x3] =	wrdreg s2  }
0x28: {  	[dreg:$0x4] =	wrdreg $0x9  }
0x29: {  	_ =	task.clear_ibuf [dreg:s7], $0x5FFFF;
	_ =	strace $0x90000049  }
0x2a: {  	s29 =	simm.s32 $0x9;
	_ =	strace $0x8000004B  }
0x2b: {  	_ =	swait.ge [sflag:s29], $0x1  }
0x2c: {  	[sflag:s29] =	ssyncadd.s32 $0xFFFFFFFF  }
0x2d: {  	_ =	strace $0x9000004B  }
0x2e: {  	_ =	sfence  }
0x2f: {  	s30 =	sld [smem:$0x0];
	_ =	sdelay $0x2  }
0x30: {  	s31 =	sshll.u32 s1, $0xD;
	s1 =	sshrl.u32 s1, $0x2  }
0x31: {  	s3 =	sand.u32 $0x4000, s31;
	s1 =	sadd.s32 s1, s30  }
0x32: {  	s0 =	sor.u32 s3, s0;
	s1 =	sshll.u32 s1, $0x11  }
0x33: {  	s0 =	sor.u32 s1, s0  }
0x34: {  	s0 =	sadd.s32 $0x8F2B, s0  }
0x35: {  	[sflag:s0] =	ssyncadd.remote.s32 $0x1  }
0x36: {  	_ =	sfence.sel $0xFFFF  }
0x37: {  	[dreg:$0x0] =	wrdreg $0xFFFFFFFF;
	(pc) =	sbr.abs _section_cstart, $3  }
0x38: {  	[dreg:$0x1] =	wrdreg $0xFFFFFFFF  }
0x39: {  	_ =	task.clear_ibuf [dreg:s7], $0x2FFFF;
	_ =	strace $0x9FFFFFFF  }
0x3a: {  	(tm) =	ssettm $0x7FFFFFFF  }
0x3b: {  	_ =	shalt  }
tec
execute0_lowered:
.L_overlay_start_1:
0x0: {  	(tag) =	ssettag $0x1  }
0x1: {  	s0 =	srdreg.scid  }
0x2: {  	s1 =	sshll.u32 s0, $0x4  }
0x3: {  	s0 =	stileid.u32;
	s1 =	sand.u32 $0x10, s1  }
0x4: {  	s1 =	sor.u32 s0, s1  }
0x5: {  	s6 =	rddreg [dreg:$0x0];
	s4 =	simm.s32 $0x1;
	s2 =	sshll.u32 s1, $0x7  }
0x6: {  	s7 =	simm.s32 $0x2;
	s12 =	simm.s32 $0x0;
	s1 =	ssub.s32 $0x4000, s2  }
0x7: {  	s8 =	simm.s32 $0x20000;
	s13 =	simm.s32 $0x0;
	s3 =	sand.u32 $0xF80, s1  }
0x8: {  	s9 =	simm.s32 $0x0;
	s5 =	sshrl.u32 s1, $0xC;
	p0 =	sne.s32 s3, $0x0  }
.Ltmp0:
0x9: {  	s1 =	rddreg [dreg:$0x2];
	s4 =	simm.s32 @!p0 $0x0;
	(pc) =	sbr.rel .LBB1_1-.Ltmp0, $4  }
0xa: {  	s11 =	simm.s32 $0x0;
	s3 =	rddreg [dreg:$0x1];
	s5 =	sadd.s32 s4, s5  }
0xb: {  	_ =	strace $0x8000004A;
	s4 =	simm.s32 $0x1;
	s5 =	smul.u32 $0xC8, s5  }
0xc: {  	s6 =	sadd.s32 $0x800, s6;
	s10 =	smov.u32 s2;
	[sflag:s4] =	ssyncpa.u1 $0x0  }
0xd: {  	p0 =	por $0x0, $0x0;
	[sflag:s7] =	ssyncpa.u1 $0x0;
	s7 =	sor.u32 $0x1, s5  }
.LBB1_4:
0xe: {  	s16 =	sshll.u32 s13, $0x3;
	s17 =	sand.u32 $0x78, s13  }
0xf: {  	s30 =	sand.u32 $0xF800, s13;
	s12 =	sshll.u32 s12, $0x10;
	s16 =	sand.u32 $0x3C00, s16  }
0x10: {  	s31 =	sand.u32 $0x7, s13;
	s16 =	sor.u32 s17, s16;
	s17 =	sadd.s32 s3, s30  }
0x11: {  	s13 =	sshll.u32 s31, $0x12;
	s16 =	sshrl.u32 s16, $0x3;
	s12 =	sadd.s32 s12, s17  }
0x12: {  	[tilespmem:s15+$0x0 ss:$0x81] =	vst.msk $0xffff, v0;
	s13 =	sor.u32 $0x400, s13;
	s12 =	sadd.s32 s16, s12  }
0x13: {  	[hbm4b:s12+s13] =	stream.strided.scatter [tilespmem:s14], [sflag:$0x2], $0x1000, s8, s13, $0x20;
	[tilespmem:$0x4040] =	vst v63  }
.LBB1_5:
0x14: {  	s14 =	sadd.s32 $0x1, s9  }
0x15: {  	s12 =	sadd.s32 $0x1000, s10;
	s16 =	smov.u32 s10;
	p2 =	sgt.s32 s14, $0xC7  }
0x16: {  	s16 =	smov.u32 @p2 s12  }
0x17: {  	s14 =	simm.s32 @p2 $0x0;
	p2 =	sgt.s32 s16, $0x3FFF  }
0x18: {  	s16 =	smov.u32 @p2 s2;
	p2 =	sne.s32 s11, s7  }
.Ltmp1:
0x19: {  	p1 =	slt.u32 s11, $0x2;
	(pc) =	sbr.rel @!p2 .LBB1_6-.Ltmp1, $4  }
0x1a: {  	s15 =	simm.s32 @!p1 $0x2  }
0x1b: {  	s13 =	smov.u32 s10;
	p0 =	por !p0, !p0;
	_ =	swait.ge @!p1 [sflag:s15], $0x1000  }
0x1c: {  	s12 =	smov.u32 s9;
	[sflag:s15] =	ssyncset.done @!p1 $0x0;
	s9 =	smov.u32 s14  }
0x1d: {  	s11 =	sadd.s32 $0x1, s11;
	[sflag:s15] =	ssyncadd.s32 @!p1 $0xFFFFF000;
	s10 =	smov.u32 s16  }
.LBB1_1:
0x1e: {  	p1 =	sge.u32 s11, s5  }
0x1f: {  	s14 =	sand.u32 @!p1 $0x1FFFFFF, s9  }
0x20: {  	s15 =	smulhi.u32 @!p1 $0x147AE15, s14;
	_ =	sdelay $0x1  }
0x21: {  	s15 =	smul.u32 @!p1 $0xC8, s15  }
0x22: {  	s16 =	sxor.u32 @!p1 $0xFFFFFFFF, s11;
	s17 =	smul.u32 @!p1 $0xC80, s10  }
0x23: {  	s31 =	sadd.s32 $0xFFFFFFFF, s11;
	s16 =	sshll.u32 @!p1 s16, $0xC;
	s14 =	ssub.s32 @!p1 s14, s15  }
0x24: {  	s15 =	sand.u32 @!p1 $0x1000, s16;
	s16 =	sadd.s32 @!p1 s6, s17;
	s14 =	sshll.u32 @!p1 s14, $0x4  }
0x25: {  	s17 =	simm.s32 @!p1 $0x6400;
	s14 =	sadd.s32 @!p1 s14, s16;
	s16 =	simm.s32 @!p1 $0x20  }
0x26: {  	[tilespmem:s15], [sflag:$0x1] =	stream.strided.gather @!p1 [hbm4b:s14+s16], $0x1000, s17, s16, $0x38;
	[tilespmem:$0x4040] =	vst v63  }
0x27: {  	p1 =	sge.u32 s31, s5  }
.Ltmp2:
0x28: {  	_ = 	snop;
	(pc) =	sbr.rel @p1 .LBB1_5-.Ltmp2, $1  }
0x29: {  	_ =	sdelay $0x3  }
0x2a: {  	s14 =	simm.s32 $0x1  }
0x2b: {  	_ =	swait.ge [sflag:s4], $0x1000;
	s14 =	simm.s32 @!p0 $0x0  }
0x2c: {  	[sflag:s4] =	ssyncset.done $0x0;
	s15 =	sshll.u32 s14, $0xC  }
0x2d: {  	[sflag:s4] =	ssyncadd.s32 $0xFFFFF000;
	s18 =	sor.u32 $0x10, s15  }
0x2e: {  	s14 =	smul.u32 $0x4080, s14;
	v1 =	vld [tilespmem:s18+$0x0]  }
0x2f: {  	s30 =	sand.u32 $0x1, s11;
	v0 =	vld [tilespmem:s18+$0xFFFFFFF0]  }
0x30: {  	s15 =	smul.u32 $0x4080, s30;
	s14 =	sshrl.u32 s14, $0x2  }
0x31: {  	s16 =	sor.u32 $0x2000, s14  }
0x32: {  	s31 =	sshrl.u32 s15, $0x2;
	s15 =	sadd.s32 $0x0, s16  }
0x33: {  	s17 =	simm.s32 $0x4;
	s18 =	sadd.s32 $0x20, s18;
	s14 =	sor.u32 $0x2000, s31;
	[tilespmem:s15+$0x810 ss:$0x81] =	vst.msk $0xffff, v1  }
.LBB1_3:
0x34: {  	v1 =	vld [tilespmem:s18+$0x0];
	p1 =	sne.s32 s17, $0x1FC;
	[tilespmem:s15+$0x0 ss:$0x81] =	vst.msk $0xffff, v0;
	s15 =	smov.u32 s17;
	s17 =	sadd.s32 $0x4, s17  }
.Ltmp3:
0x35: {  	v0 =	vld [tilespmem:s18+$0xFFFFFFF0];
	(pc) =	sbr.rel @p1 .LBB1_3-.Ltmp3, $4  }
0x36: {  	_ = 	snop  }
0x37: {  	s15 =	sshra.s32 s15, $0x2  }
0x38: {  	s15 =	sadd.s32 s15, s16  }
0x39: {  	s18 =	sadd.s32 $0x20, s18;
	[tilespmem:s15+$0x810 ss:$0x81] =	vst.msk $0xffff, v1  }
.Ltmp4:
0x3a: {  	_ = 	snop;
	(pc) =	sbr.rel .LBB1_4-.Ltmp4, $1  }
0x3b: {  	_ =	sdelay $0x3  }
.LBB1_6:
0x3c: {  	_ =	sfence.sel $0x180000  }
0x3d: {  	s2 =	simm.s32 $0x1;
	[bflag:$0x0] =	sbarrier.arrive $0xFFFF  }
0x3e: {  	s31 =	simm.s32 $0x2;
	[sflag:s2] =	ssyncpa.u1 $0x1  }
0x3f: {  	[sflag:s31] =	ssyncpa.u1 $0x1  }
0x40: {  	p0 =	sne.s32 s0, $0x0;
	_ =	strace $0x9000004A  }
0x41: {  	s0 =	sadd.s32 @!p0 $0x100000, s1;
	[bflag:$0x2] =	sbarrier.arrive $0xFFFF  }
0x42: {  	[sflag:s0] =	ssyncadd.tile.s32 @!p0 $0x1;
	_ =	shalt  }
.Lfunc_end1:
_tile_overlayer_lowered:
.L_overlay_start_2:
0x43: {  	(tag) =	ssettag $0x2  }
0x44: {  	s0 =	rddreg [dreg:$0x0];
	s2 =	stileid.u32  }
0x45: {  	s1 =	rddreg [dreg:$0x1];
	p0 =	sne.s32 s2, $0x0  }
0x46: {  	s3 =	rddreg [dreg:$0x2];
	[bflag:$0x3] =	sbarrier.arrive $0xFFFF;
	s2 =	simm.s32 @!p0 $0x1C01  }
0x47: {  	[timem:s3], [sflag:s2] =	dma.local @!p0 [hbm:s0], s1  }
0x48: {  	s0 =	simm.s32 @!p0 $0x1  }
0x49: {  	_ =	swait.ge @!p0 [sflag:s0], s1  }
0x4a: {  	s1 =	ssub.s32 @!p0 $0x0, s1;
	[sflag:s0] =	ssyncset.done @!p0 $0x0  }
0x4b: {  	[sflag:s0] =	ssyncadd.s32 @!p0 s1  }
0x4c: {  	[bflag:$0x3] =	sbarrier.arrive $0xFFFF  }
0x4d: {  	_ =	shalt  }

</sc_bundles>
